<compile_context>
chip_gen: v7x
topology: tpu7x:2x2x1
jax: 0.10.2.dev20260603
libtpu: 0.0.44.dev20260713+nightly
codegen_flags: <defaults>
</compile_context>

<pallas_src>
import functools

import jax
import jax.numpy as jnp
import numpy as np
from jax import lax
from jax.experimental import pallas as pl
from jax.experimental.pallas import tpu as pltpu
from jax.experimental.pallas import tpu_sc as plsc

NC, NS, L = 2, 16, 16
NW = NC * NS
BINS = 4096
BH, BW = 32, 128
I32MIN = np.int32(-2147483648)


def _prod_body(x1_ref, x2_ref, a2_ref, w2_ref, res_ref, x2m_ref):
  x1 = x1_ref[...]
  x2 = x2_ref[...]
  res_ref[...] = x1 * x2
  r2 = jnp.dot(a2_ref[0], w2_ref[...], preferred_element_type=jnp.float32)
  x2m_ref[...] = lax.bitcast_convert_type(x2 - r2[None], jnp.int32)


def _product_and_x2main(x1, x2, a2, w2, sb):
  b, s, d = x1.shape
  r = w2.shape[0]
  grid = (b, s // sb)
  return pl.pallas_call(
      _prod_body,
      grid=grid,
      in_specs=[
          pl.BlockSpec((1, sb, d), lambda i, j: (i, j, 0)),
          pl.BlockSpec((1, sb, d), lambda i, j: (i, j, 0)),
          pl.BlockSpec((1, sb, r), lambda i, j: (i, j, 0)),
          pl.BlockSpec((r, d), lambda i, j: (0, 0)),
      ],
      out_specs=[
          pl.BlockSpec((1, sb, d), lambda i, j: (i, j, 0)),
          pl.BlockSpec((1, sb, d), lambda i, j: (i, j, 0)),
      ],
      out_shape=[
          jax.ShapeDtypeStruct((b, s, d), jnp.float32),
          jax.ShapeDtypeStruct((b, s, d), jnp.int32),
      ],
  )(x1, x2, a2, w2)


def _sc_hist_pass(n, ch, shift, hs, use_mask, interpret=False):
  per_tile = n // NW
  n_chunks = per_tile // ch
  rows = L * BH
  mesh = plsc.VectorSubcoreMesh(
      core_axis_name="c", subcore_axis_name="s", num_cores=NC,
      num_subcores=NS)

  def body(d1_hbm, d2_hbm, pfx_hbm, out_hbm, buf, hist, pfxv):
    wid = lax.axis_index("s") * NC + lax.axis_index("c")
    lane_bins = lax.iota(jnp.int32, 16) * BINS
    zeros = jnp.zeros((16,), jnp.int32)
    ones = jnp.ones((16,), jnp.int32)

    for j in range(2):
      d_hbm = (d1_hbm, d2_hbm)[j]

      def zloop(i, carry):
        hist[pl.ds(i * 16, 16)] = zeros
        return carry
      lax.fori_loop(0, (L * BINS) // 16, zloop, 0)

      pltpu.sync_copy(pfx_hbm.at[j], pfxv)
      pfx = pfxv[...]

      base = wid * per_tile

      def chunk_body(c, carry):
        pltpu.sync_copy(d_hbm.at[pl.ds(base + c * ch, ch)], buf)

        def vec_body(i, carry2):
          bits = buf[pl.ds(i * 16, 16)]
          m = lax.shift_right_arithmetic(bits, 31) | I32MIN
          key = bits ^ m
          digit = lax.shift_right_logical(key, shift) & (BINS - 1)
          idx = lane_bins + digit
          if use_mask:
            match = lax.shift_right_logical(key, hs) == pfx
            plsc.addupdate_scatter(hist, [idx], ones, mask=match)
          else:
            plsc.addupdate_scatter(hist, [idx], ones)
          return carry2

        lax.fori_loop(0, ch // 16, vec_body, 0)
        return carry

      lax.fori_loop(0, n_chunks, chunk_body, 0)

      pltpu.sync_copy(hist, out_hbm.at[j, wid])

  return pl.kernel(
      body,
      out_type=jax.ShapeDtypeStruct((2, NW, L * BINS), jnp.int32),
      mesh=mesh,
      scratch_types=[
          pltpu.VMEM((ch,), jnp.int32),
          pltpu.VMEM((L * BINS,), jnp.int32),
          pltpu.VMEM((16,), jnp.int32),
      ],
      compiler_params=pltpu.CompilerParams(needs_layout_passes=False),
      interpret=interpret,
  )


def _find_body(shift, h_ref, kr_ref, pfx_ref, pfxf_ref, pfxs_ref, kro_ref,
               vals_ref):
  h = h_ref[...].astype(jnp.float32)
  h = h.reshape(2, NW * L, BH, BW)
  cnt = jnp.sum(h, axis=1)

  row = lax.broadcasted_iota(jnp.int32, (BW, BW), 0)
  col = lax.broadcasted_iota(jnp.int32, (BW, BW), 1)
  u128 = (row <= col).astype(jnp.float32)
  r2 = lax.broadcasted_iota(jnp.int32, (BH, BH), 0)
  c2 = lax.broadcasted_iota(jnp.int32, (BH, BH), 1)
  s32 = (c2 < r2).astype(jnp.float32)

  lin = (lax.broadcasted_iota(jnp.int32, (BH, BW), 0) * BW
         + lax.broadcasted_iota(jnp.int32, (BH, BW), 1))
  big = np.int32(1 << 30)

  for j in range(2):
    hj = cnt[j]
    p = jnp.dot(hj, u128, preferred_element_type=jnp.float32)
    rowsum = p[:, BW - 1:BW]
    e = jnp.dot(s32, rowsum, preferred_element_type=jnp.float32)
    c = p + e

    krj = kr_ref[j:j + 1, 0:1].astype(jnp.float32)
    krb = jnp.broadcast_to(krj, (BH, BW))
    cand = jnp.where(c >= krb, lin, big)
    dstar = jnp.min(cand, axis=(0, 1), keepdims=True)
    dstar_b = jnp.broadcast_to(dstar, (BH, BW))
    sel = lin == dstar_b
    c_at = jnp.sum(jnp.where(sel, c, 0.0), axis=(0, 1), keepdims=True)
    h_at = jnp.sum(jnp.where(sel, hj, 0.0), axis=(0, 1), keepdims=True)
    below = (c_at - h_at).astype(jnp.int32)

    kr_in = kr_ref[j:j + 1, :]
    kro_ref[j:j + 1, :] = kr_in - jnp.broadcast_to(below, (1, 16))

    pfx_in = pfx_ref[j:j + 1, :]
    d16 = jnp.broadcast_to(dstar, (1, 16))
    pfx_full = pfx_in | lax.shift_left(d16, shift)
    pfxf_ref[j:j + 1, :] = pfx_full
    pfxs_ref[j:j + 1, :] = lax.shift_right_logical(pfx_full, shift)

    s2 = lax.shift_right_logical(pfx_full, 31)
    m2 = (s2 - 1) | I32MIN
    vals_ref[j:j + 1, :] = lax.bitcast_convert_type(pfx_full ^ m2,
                                                    jnp.float32)


def _find_bin(shift, interpret=False):
  return pl.pallas_call(
      functools.partial(_find_body, shift),
      out_shape=[
          jax.ShapeDtypeStruct((2, 16), jnp.int32),
          jax.ShapeDtypeStruct((2, 16), jnp.int32),
          jax.ShapeDtypeStruct((2, 16), jnp.int32),
          jax.ShapeDtypeStruct((2, 16), jnp.float32),
      ],
      interpret=interpret,
  )


def _kth_values(x1f, x2mf, k1, k2, ch, interpret=False):
  n = x1f.shape[0]
  kr0 = jnp.asarray([[k1] * 16, [k2] * 16], dtype=jnp.int32)
  pfx0 = jnp.zeros((2, 16), jnp.int32)

  h1 = _sc_hist_pass(n, ch, 20, 32, False, interpret)(x1f, x2mf, pfx0)
  pfxf1, pfxs1, kr1, _ = _find_bin(20, interpret)(
      h1.reshape(2, NW, L * BH, BW), kr0, pfx0)

  h2 = _sc_hist_pass(n, ch, 8, 20, True, interpret)(x1f, x2mf, pfxs1)
  pfxf2, pfxs2, kr2, _ = _find_bin(8, interpret)(
      h2.reshape(2, NW, L * BH, BW), kr1, pfxf1)

  h3 = _sc_hist_pass(n, ch, 0, 8, True, interpret)(x1f, x2mf, pfxs2)
  _, _, _, vals = _find_bin(0, interpret)(
      h3.reshape(2, NW, L * BH, BW), kr2, pfxf2)
  return vals[0, 0], vals[1, 0]


def kernel(x1, x2, mask, x1_lora_a, x2_lora_a, w1_lora_b, w2_lora_b,
           batch_size):
  del mask, x1_lora_a, w1_lora_b, batch_size
  n = x1.size
  k1 = int(n * 0.9)
  k2 = k1
  result, x2m = _product_and_x2main(x1, x2, x2_lora_a, w2_lora_b, sb=256)
  x1f = lax.bitcast_convert_type(x1, jnp.int32).reshape(n)
  x2mf = x2m.reshape(n)
  kth1, kth2 = _kth_values(x1f, x2mf, k1, k2, ch=16384)
  return result, kth1, kth2

# --- scband reference (transcript-rebuilt; emitter-appended) ---
"""Pipeline reference for scband-efficient-memory-hadamard-fuse-lo-ra-51969104281834 (READ-ONLY COPY).

The authoritative reference and input builder live on the scoring server;
editing this copy changes nothing except your own understanding.
"""

import jax, jax.numpy as jnp
import numpy as np

B, S, D, R = 4, 2048, 2048, 16
PRUNE_RATIO = 0.9
ITERATION = 0


def setup_inputs(seed: int = 0) -> dict:
    key = jax.random.key(seed)
    ks = jax.random.split(key, 7)
    x1 = jax.random.normal(ks[0], (B, S, D), dtype=jnp.float32)
    x2 = jax.random.normal(ks[1], (B, S, D), dtype=jnp.float32)
    mask = jax.random.uniform(ks[2], (B, S, D), dtype=jnp.float32)
    x1_lora_a = jax.random.normal(ks[3], (B, S, R), dtype=jnp.float32)
    x2_lora_a = jax.random.normal(ks[4], (B, S, R), dtype=jnp.float32)
    w1_lora_b = jax.random.normal(ks[5], (R, D), dtype=jnp.float32)
    w2_lora_b = jax.random.normal(ks[6], (R, D), dtype=jnp.float32)
    return {
        "x1": x1,
        "x2": x2,
        "mask": mask,
        "x1_lora_a": x1_lora_a,
        "x2_lora_a": x2_lora_a,
        "w1_lora_b": w1_lora_b,
        "w2_lora_b": w2_lora_b,
        "batch_size": B,
    }


def reference(x1, x2, mask, x1_lora_a, x2_lora_a, w1_lora_b, w2_lora_b, batch_size):
    # Faithful translation of EfficientMemoryHadamardFuseLoRAFunc.forward
    # with compress_type='PRUNE_ROW' and iteration=0 (module freshly constructed).
    result = x1 * x2
    res1 = (x1_lora_a @ w1_lora_b) * mask  # computed in original forward (saved path)
    res2 = x2_lora_a @ w2_lora_b
    x1_main = x1
    x2_main = x2 - res2
    # torch.kthvalue(flat, k).values == k-th smallest (1-indexed)
    k1 = int(x1_main.size * PRUNE_RATIO)
    k2 = int(x2_main.size * PRUNE_RATIO)
    kth_val_1 = jnp.sort(x1_main.ravel())[k1 - 1]
    kth_val_2 = jnp.sort(x2_main.ravel())[k2 - 1]
    mask_1 = jnp.abs(x1_main) > kth_val_1
    x1_main = x1_main * mask_1
    mask_2 = jnp.abs(x2_main) > kth_val_2
    x2_main = x2_main * mask_2
    # Module forward returns `result`; the Function also emits the kth values
    # (non-differentiable statistics used for running thresholds).
    return (result, kth_val_1, kth_val_2)

if __name__ == "__main__":
    import jax
    _d = setup_inputs()
    print(jax.jit(kernel)(*tuple(_d.values())))

</pallas_src>

<mosaic_0001>
#map = affine_map<(d0, d1) -> (0)>
#map1 = affine_map<(d0, d1) -> (0, 0)>
#map2 = affine_map<(d0, d1) -> (0, 0, 0)>
module attributes {stable_mosaic.version = 14 : i64} {
  func.func @body(%arg0: i32, %arg1: i32, %arg2: memref<16777216xi32, #tpu.memory_space<hbm>>, %arg3: memref<16777216xi32, #tpu.memory_space<hbm>>, %arg4: memref<2x16xi32, #tpu.memory_space<hbm>>, %arg5: memref<2x32x65536xi32, #tpu.memory_space<hbm>>, %arg6: memref<16384xi32, #tpu.memory_space<vmem>>, %arg7: memref<65536xi32, #tpu.memory_space<vmem>>, %arg8: memref<16xi32, #tpu.memory_space<vmem>>) attributes {dimension_semantics = [#tpu.dimension_semantics<core_parallel>, #tpu.dimension_semantics<subcore_parallel>], iteration_bounds = array<i64: 2, 16>, scalar_prefetch = 0 : i64, scratch_operands = 3 : i64, tpu.core_type = #tpu.core_type<sc_vector_subcore>, window_params = [{transform_indices = #map}, {transform_indices = #map}, {transform_indices = #map1}, {transform_indices = #map2}]} {
    %mul3A = arith.constant 2 : i32
    %mul3A_0 = arith.muli %arg1, %mul3A : i32
    %add3A = arith.addi %mul3A_0, %arg0 : i32
    %iota3A = tpu.iota {dimensions = array<i32: 0>} : vector<16xi32>
    %mul3A_1 = arith.constant 4096 : i32
    %mul3A_2 = vector.broadcast %mul3A_1 : i32 to vector<16xi32>
    %mul3A_3 = arith.muli %iota3A, %mul3A_2 : vector<16xi32>
    %broadcast_in_dim3A = arith.constant 0 : i32
    %broadcast_in_dim3A_4 = vector.broadcast %broadcast_in_dim3A : i32 to vector<16xi32>
    %broadcast_in_dim3A_5 = arith.constant 1 : i32
    %broadcast_in_dim3A_6 = vector.broadcast %broadcast_in_dim3A_5 : i32 to vector<16xi32>
    %scan3A = arith.constant 0 : i32
    %scan3A_7 = arith.constant 0 : i32
    %scan3A_8 = arith.constant 4096 : i32
    %scan3A_9 = arith.addi %scan3A_7, %scan3A_8 : i32
    %scan3A_10 = arith.constant 1 : i32
    scf.for %scan3A_40 = %scan3A_7 to %scan3A_9 step %scan3A_10  : i32 {
      %mul3A_41 = arith.constant 16 : i32
      %mul3A_42 = arith.muli %scan3A_40, %mul3A_41 : i32
      %swap3A = arith.index_cast %mul3A_42 : i32 to index
      %swap3A_43 = tpu.vector_load %arg7[%swap3A] {strides = array<i32>} : memref<65536xi32, #tpu.memory_space<vmem>>, vector<16xi32>,
      tpu.vector_store %arg7[%swap3A], %broadcast_in_dim3A_4 {strides = array<i32>} : memref<65536xi32, #tpu.memory_space<vmem>>, vector<16xi32>,
    }
    %scan3A_11 = arith.constant 4096 : i32
    %run_scoped3A = arith.constant 0 : i32
    "tpu.region"() ({
      %run_scoped3A_40 = tpu.sem_alloc : memref<!tpu.dma_semaphore, #tpu.memory_space<semaphore_mem>>
      %dma_start3A = arith.constant 0 : i32
      %dma_start3A_41 = tpu.memref_slice %arg4[%run_scoped3A, %dma_start3A] : memref<2x16xi32, #tpu.memory_space<hbm>> -> memref<1x16xi32, #tpu.memory_space<hbm>>
      %dma_start3A_42 = tpu.memref_squeeze %dma_start3A_41 : memref<1x16xi32, #tpu.memory_space<hbm>> -> memref<16xi32, #tpu.memory_space<hbm>>
      %dma_start3A_43 = arith.constant 0 : i32
      %dma_start3A_44 = tpu.memref_slice %arg4[%run_scoped3A, %dma_start3A_43] : memref<2x16xi32, #tpu.memory_space<hbm>> -> memref<1x16xi32, #tpu.memory_space<hbm>>
      %dma_start3A_45 = tpu.memref_squeeze %dma_start3A_44 : memref<1x16xi32, #tpu.memory_space<hbm>> -> memref<16xi32, #tpu.memory_space<hbm>>
      tpu.enqueue_dma source(%dma_start3A_45 : memref<16xi32, #tpu.memory_space<hbm>>) target(%arg8 : memref<16xi32, #tpu.memory_space<vmem>>) target_semaphore(%run_scoped3A_40 : memref<!tpu.dma_semaphore, #tpu.memory_space<semaphore_mem>>)
      %dma_wait3A = arith.constant 0 : i32
      %dma_wait3A_46 = tpu.memref_slice %arg4[%run_scoped3A, %dma_wait3A] : memref<2x16xi32, #tpu.memory_space<hbm>> -> memref<1x16xi32, #tpu.memory_space<hbm>>
      %dma_wait3A_47 = tpu.memref_squeeze %dma_wait3A_46 : memref<1x16xi32, #tpu.memory_space<hbm>> -> memref<16xi32, #tpu.memory_space<hbm>>
      %dma_wait3A_48 = arith.constant 0 : i32
      %dma_wait3A_49 = tpu.memref_slice %arg4[%run_scoped3A, %dma_wait3A_48] : memref<2x16xi32, #tpu.memory_space<hbm>> -> memref<1x16xi32, #tpu.memory_space<hbm>>
      %dma_wait3A_50 = tpu.memref_squeeze %dma_wait3A_49 : memref<1x16xi32, #tpu.memory_space<hbm>> -> memref<16xi32, #tpu.memory_space<hbm>>
      tpu.wait_dma2 semaphore(%run_scoped3A_40 : memref<!tpu.dma_semaphore, #tpu.memory_space<semaphore_mem>>) src(%dma_wait3A_50 : memref<16xi32, #tpu.memory_space<hbm>>) dst(%arg8 : memref<16xi32, #tpu.memory_space<vmem>>)
      tpu.yield
    }) : () -> ()
    %get3A = arith.constant 0 : index
    %get3A_12 = tpu.vector_load %arg8[%get3A] {strides = array<i32>} : memref<16xi32, #tpu.memory_space<vmem>>, vector<16xi32>,
    %mul3A_13 = arith.constant 524288 : i32
    %mul3A_14 = arith.muli %add3A, %mul3A_13 : i32
    %scan3A_15 = arith.constant 0 : i32
    %scan3A_16 = arith.constant 0 : i32
    %scan3A_17 = arith.constant 32 : i32
    %scan3A_18 = arith.addi %scan3A_16, %scan3A_17 : i32
    %scan3A_19 = arith.constant 1 : i32
    scf.for %scan3A_40 = %scan3A_16 to %scan3A_18 step %scan3A_19  : i32 {
      %mul3A_41 = arith.constant 16384 : i32
      %mul3A_42 = arith.muli %scan3A_40, %mul3A_41 : i32
      %add3A_43 = arith.addi %mul3A_14, %mul3A_42 : i32
      "tpu.region"() ({
        %run_scoped3A_50 = tpu.sem_alloc : memref<!tpu.dma_semaphore, #tpu.memory_space<semaphore_mem>>
        %dma_start3A = tpu.memref_slice %arg2[%add3A_43] : memref<16777216xi32, #tpu.memory_space<hbm>> -> memref<16384xi32, #tpu.memory_space<hbm>>
        %dma_start3A_51 = tpu.memref_slice %arg2[%add3A_43] : memref<16777216xi32, #tpu.memory_space<hbm>> -> memref<16384xi32, #tpu.memory_space<hbm>>
        tpu.enqueue_dma source(%dma_start3A_51 : memref<16384xi32, #tpu.memory_space<hbm>>) target(%arg6 : memref<16384xi32, #tpu.memory_space<vmem>>) target_semaphore(%run_scoped3A_50 : memref<!tpu.dma_semaphore, #tpu.memory_space<semaphore_mem>>)
        %dma_wait3A = tpu.memref_slice %arg2[%add3A_43] : memref<16777216xi32, #tpu.memory_space<hbm>> -> memref<16384xi32, #tpu.memory_space<hbm>>
        %dma_wait3A_52 = tpu.memref_slice %arg2[%add3A_43] : memref<16777216xi32, #tpu.memory_space<hbm>> -> memref<16384xi32, #tpu.memory_space<hbm>>
        tpu.wait_dma2 semaphore(%run_scoped3A_50 : memref<!tpu.dma_semaphore, #tpu.memory_space<semaphore_mem>>) src(%dma_wait3A_52 : memref<16384xi32, #tpu.memory_space<hbm>>) dst(%arg6 : memref<16384xi32, #tpu.memory_space<vmem>>)
        tpu.yield
      }) : () -> ()
      %scan3A_44 = arith.constant 0 : i32
      %scan3A_45 = arith.constant 0 : i32
      %scan3A_46 = arith.constant 1024 : i32
      %scan3A_47 = arith.addi %scan3A_45, %scan3A_46 : i32
      %scan3A_48 = arith.constant 1 : i32
      scf.for %scan3A_50 = %scan3A_45 to %scan3A_47 step %scan3A_48  : i32 {
        %mul3A_51 = arith.constant 16 : i32
        %mul3A_52 = arith.muli %scan3A_50, %mul3A_51 : i32
        %get3A_53 = arith.index_cast %mul3A_52 : i32 to index
        %get3A_54 = tpu.vector_load %arg6[%get3A_53] {strides = array<i32>} : memref<16384xi32, #tpu.memory_space<vmem>>, vector<16xi32>,
        %shift_right_arithmetic3A = arith.constant 31 : i32
        %shift_right_arithmetic3A_55 = vector.broadcast %shift_right_arithmetic3A : i32 to vector<16xi32>
        %shift_right_arithmetic3A_56 = arith.shrsi %get3A_54, %shift_right_arithmetic3A_55 : vector<16xi32>
        %or3A = arith.constant -2147483648 : i32
        %or3A_57 = vector.broadcast %or3A : i32 to vector<16xi32>
        %or3A_58 = arith.ori %shift_right_arithmetic3A_56, %or3A_57 : vector<16xi32>
        %xor3A = arith.xori %get3A_54, %or3A_58 : vector<16xi32>
        %shift_right_logical3A = arith.constant 20 : i32
        %shift_right_logical3A_59 = vector.broadcast %shift_right_logical3A : i32 to vector<16xi32>
        %shift_right_logical3A_60 = arith.shrui %xor3A, %shift_right_logical3A_59 : vector<16xi32>
        %and3A = arith.constant 4095 : i32
        %and3A_61 = vector.broadcast %and3A : i32 to vector<16xi32>
        %and3A_62 = arith.andi %shift_right_logical3A_60, %and3A_61 : vector<16xi32>
        %add3A_63 = arith.addi %mul3A_3, %and3A_62 : vector<16xi32>
        tpu.vector_store_idx %arg7[%add3A_63], %broadcast_in_dim3A_6 {add = true} : memref<65536xi32, #tpu.memory_space<vmem>>[vector<16xi32>], vector<16xi32>,
      }
      %scan3A_49 = arith.constant 1024 : i32
    }
    %scan3A_20 = arith.constant 32 : i32
    %run_scoped3A_21 = arith.constant 0 : i32
    "tpu.region"() ({
      %run_scoped3A_40 = tpu.sem_alloc : memref<!tpu.dma_semaphore, #tpu.memory_space<semaphore_mem>>
      %dma_start3A = arith.constant 0 : i32
      %dma_start3A_41 = tpu.memref_slice %arg5[%run_scoped3A_21, %add3A, %dma_start3A] : memref<2x32x65536xi32, #tpu.memory_space<hbm>> -> memref<1x1x65536xi32, #tpu.memory_space<hbm>>
      %dma_start3A_42 = tpu.memref_squeeze %dma_start3A_41 : memref<1x1x65536xi32, #tpu.memory_space<hbm>> -> memref<65536xi32, #tpu.memory_space<hbm>>
      %dma_start3A_43 = arith.constant 0 : i32
      %dma_start3A_44 = tpu.memref_slice %arg5[%run_scoped3A_21, %add3A, %dma_start3A_43] : memref<2x32x65536xi32, #tpu.memory_space<hbm>> -> memref<1x1x65536xi32, #tpu.memory_space<hbm>>
      %dma_start3A_45 = tpu.memref_squeeze %dma_start3A_44 : memref<1x1x65536xi32, #tpu.memory_space<hbm>> -> memref<65536xi32, #tpu.memory_space<hbm>>
      tpu.enqueue_dma source(%arg7 : memref<65536xi32, #tpu.memory_space<vmem>>) target(%dma_start3A_45 : memref<65536xi32, #tpu.memory_space<hbm>>) target_semaphore(%run_scoped3A_40 : memref<!tpu.dma_semaphore, #tpu.memory_space<semaphore_mem>>)
      %dma_wait3A = arith.constant 0 : i32
      %dma_wait3A_46 = tpu.memref_slice %arg5[%run_scoped3A_21, %add3A, %dma_wait3A] : memref<2x32x65536xi32, #tpu.memory_space<hbm>> -> memref<1x1x65536xi32, #tpu.memory_space<hbm>>
      %dma_wait3A_47 = tpu.memref_squeeze %dma_wait3A_46 : memref<1x1x65536xi32, #tpu.memory_space<hbm>> -> memref<65536xi32, #tpu.memory_space<hbm>>
      %dma_wait3A_48 = arith.constant 0 : i32
      %dma_wait3A_49 = tpu.memref_slice %arg5[%run_scoped3A_21, %add3A, %dma_wait3A_48] : memref<2x32x65536xi32, #tpu.memory_space<hbm>> -> memref<1x1x65536xi32, #tpu.memory_space<hbm>>
      %dma_wait3A_50 = tpu.memref_squeeze %dma_wait3A_49 : memref<1x1x65536xi32, #tpu.memory_space<hbm>> -> memref<65536xi32, #tpu.memory_space<hbm>>
      tpu.wait_dma2 semaphore(%run_scoped3A_40 : memref<!tpu.dma_semaphore, #tpu.memory_space<semaphore_mem>>) src(%arg7 : memref<65536xi32, #tpu.memory_space<vmem>>) dst(%dma_wait3A_50 : memref<65536xi32, #tpu.memory_space<hbm>>)
      tpu.yield
    }) : () -> ()
    %scan3A_22 = arith.constant 0 : i32
    %scan3A_23 = arith.constant 0 : i32
    %scan3A_24 = arith.constant 4096 : i32
    %scan3A_25 = arith.addi %scan3A_23, %scan3A_24 : i32
    %scan3A_26 = arith.constant 1 : i32
    scf.for %scan3A_40 = %scan3A_23 to %scan3A_25 step %scan3A_26  : i32 {
      %mul3A_41 = arith.constant 16 : i32
      %mul3A_42 = arith.muli %scan3A_40, %mul3A_41 : i32
      %swap3A = arith.index_cast %mul3A_42 : i32 to index
      %swap3A_43 = tpu.vector_load %arg7[%swap3A] {strides = array<i32>} : memref<65536xi32, #tpu.memory_space<vmem>>, vector<16xi32>,
      tpu.vector_store %arg7[%swap3A], %broadcast_in_dim3A_4 {strides = array<i32>} : memref<65536xi32, #tpu.memory_space<vmem>>, vector<16xi32>,
    }
    %scan3A_27 = arith.constant 4096 : i32
    %run_scoped3A_28 = arith.constant 1 : i32
    "tpu.region"() ({
      %run_scoped3A_40 = tpu.sem_alloc : memref<!tpu.dma_semaphore, #tpu.memory_space<semaphore_mem>>
      %dma_start3A = arith.constant 0 : i32
      %dma_start3A_41 = tpu.memref_slice %arg4[%run_scoped3A_28, %dma_start3A] : memref<2x16xi32, #tpu.memory_space<hbm>> -> memref<1x16xi32, #tpu.memory_space<hbm>>
      %dma_start3A_42 = tpu.memref_squeeze %dma_start3A_41 : memref<1x16xi32, #tpu.memory_space<hbm>> -> memref<16xi32, #tpu.memory_space<hbm>>
      %dma_start3A_43 = arith.constant 0 : i32
      %dma_start3A_44 = tpu.memref_slice %arg4[%run_scoped3A_28, %dma_start3A_43] : memref<2x16xi32, #tpu.memory_space<hbm>> -> memref<1x16xi32, #tpu.memory_space<hbm>>
      %dma_start3A_45 = tpu.memref_squeeze %dma_start3A_44 : memref<1x16xi32, #tpu.memory_space<hbm>> -> memref<16xi32, #tpu.memory_space<hbm>>
      tpu.enqueue_dma source(%dma_start3A_45 : memref<16xi32, #tpu.memory_space<hbm>>) target(%arg8 : memref<16xi32, #tpu.memory_space<vmem>>) target_semaphore(%run_scoped3A_40 : memref<!tpu.dma_semaphore, #tpu.memory_space<semaphore_mem>>)
      %dma_wait3A = arith.constant 0 : i32
      %dma_wait3A_46 = tpu.memref_slice %arg4[%run_scoped3A_28, %dma_wait3A] : memref<2x16xi32, #tpu.memory_space<hbm>> -> memref<1x16xi32, #tpu.memory_space<hbm>>
      %dma_wait3A_47 = tpu.memref_squeeze %dma_wait3A_46 : memref<1x16xi32, #tpu.memory_space<hbm>> -> memref<16xi32, #tpu.memory_space<hbm>>
      %dma_wait3A_48 = arith.constant 0 : i32
      %dma_wait3A_49 = tpu.memref_slice %arg4[%run_scoped3A_28, %dma_wait3A_48] : memref<2x16xi32, #tpu.memory_space<hbm>> -> memref<1x16xi32, #tpu.memory_space<hbm>>
      %dma_wait3A_50 = tpu.memref_squeeze %dma_wait3A_49 : memref<1x16xi32, #tpu.memory_space<hbm>> -> memref<16xi32, #tpu.memory_space<hbm>>
      tpu.wait_dma2 semaphore(%run_scoped3A_40 : memref<!tpu.dma_semaphore, #tpu.memory_space<semaphore_mem>>) src(%dma_wait3A_50 : memref<16xi32, #tpu.memory_space<hbm>>) dst(%arg8 : memref<16xi32, #tpu.memory_space<vmem>>)
      tpu.yield
    }) : () -> ()
    %get3A_29 = arith.constant 0 : index
    %get3A_30 = tpu.vector_load %arg8[%get3A_29] {strides = array<i32>} : memref<16xi32, #tpu.memory_space<vmem>>, vector<16xi32>,
    %mul3A_31 = arith.constant 524288 : i32
    %mul3A_32 = arith.muli %add3A, %mul3A_31 : i32
    %scan3A_33 = arith.constant 0 : i32
    %scan3A_34 = arith.constant 0 : i32
    %scan3A_35 = arith.constant 32 : i32
    %scan3A_36 = arith.addi %scan3A_34, %scan3A_35 : i32
    %scan3A_37 = arith.constant 1 : i32
    scf.for %scan3A_40 = %scan3A_34 to %scan3A_36 step %scan3A_37  : i32 {
      %mul3A_41 = arith.constant 16384 : i32
      %mul3A_42 = arith.muli %scan3A_40, %mul3A_41 : i32
      %add3A_43 = arith.addi %mul3A_32, %mul3A_42 : i32
      "tpu.region"() ({
        %run_scoped3A_50 = tpu.sem_alloc : memref<!tpu.dma_semaphore, #tpu.memory_space<semaphore_mem>>
        %dma_start3A = tpu.memref_slice %arg3[%add3A_43] : memref<16777216xi32, #tpu.memory_space<hbm>> -> memref<16384xi32, #tpu.memory_space<hbm>>
        %dma_start3A_51 = tpu.memref_slice %arg3[%add3A_43] : memref<16777216xi32, #tpu.memory_space<hbm>> -> memref<16384xi32, #tpu.memory_space<hbm>>
        tpu.enqueue_dma source(%dma_start3A_51 : memref<16384xi32, #tpu.memory_space<hbm>>) target(%arg6 : memref<16384xi32, #tpu.memory_space<vmem>>) target_semaphore(%run_scoped3A_50 : memref<!tpu.dma_semaphore, #tpu.memory_space<semaphore_mem>>)
        %dma_wait3A = tpu.memref_slice %arg3[%add3A_43] : memref<16777216xi32, #tpu.memory_space<hbm>> -> memref<16384xi32, #tpu.memory_space<hbm>>
        %dma_wait3A_52 = tpu.memref_slice %arg3[%add3A_43] : memref<16777216xi32, #tpu.memory_space<hbm>> -> memref<16384xi32, #tpu.memory_space<hbm>>
        tpu.wait_dma2 semaphore(%run_scoped3A_50 : memref<!tpu.dma_semaphore, #tpu.memory_space<semaphore_mem>>) src(%dma_wait3A_52 : memref<16384xi32, #tpu.memory_space<hbm>>) dst(%arg6 : memref<16384xi32, #tpu.memory_space<vmem>>)
        tpu.yield
      }) : () -> ()
      %scan3A_44 = arith.constant 0 : i32
      %scan3A_45 = arith.constant 0 : i32
      %scan3A_46 = arith.constant 1024 : i32
      %scan3A_47 = arith.addi %scan3A_45, %scan3A_46 : i32
      %scan3A_48 = arith.constant 1 : i32
      scf.for %scan3A_50 = %scan3A_45 to %scan3A_47 step %scan3A_48  : i32 {
        %mul3A_51 = arith.constant 16 : i32
        %mul3A_52 = arith.muli %scan3A_50, %mul3A_51 : i32
        %get3A_53 = arith.index_cast %mul3A_52 : i32 to index
        %get3A_54 = tpu.vector_load %arg6[%get3A_53] {strides = array<i32>} : memref<16384xi32, #tpu.memory_space<vmem>>, vector<16xi32>,
        %shift_right_arithmetic3A = arith.constant 31 : i32
        %shift_right_arithmetic3A_55 = vector.broadcast %shift_right_arithmetic3A : i32 to vector<16xi32>
        %shift_right_arithmetic3A_56 = arith.shrsi %get3A_54, %shift_right_arithmetic3A_55 : vector<16xi32>
        %or3A = arith.constant -2147483648 : i32
        %or3A_57 = vector.broadcast %or3A : i32 to vector<16xi32>
        %or3A_58 = arith.ori %shift_right_arithmetic3A_56, %or3A_57 : vector<16xi32>
        %xor3A = arith.xori %get3A_54, %or3A_58 : vector<16xi32>
        %shift_right_logical3A = arith.constant 20 : i32
        %shift_right_logical3A_59 = vector.broadcast %shift_right_logical3A : i32 to vector<16xi32>
        %shift_right_logical3A_60 = arith.shrui %xor3A, %shift_right_logical3A_59 : vector<16xi32>
        %and3A = arith.constant 4095 : i32
        %and3A_61 = vector.broadcast %and3A : i32 to vector<16xi32>
        %and3A_62 = arith.andi %shift_right_logical3A_60, %and3A_61 : vector<16xi32>
        %add3A_63 = arith.addi %mul3A_3, %and3A_62 : vector<16xi32>
        tpu.vector_store_idx %arg7[%add3A_63], %broadcast_in_dim3A_6 {add = true} : memref<65536xi32, #tpu.memory_space<vmem>>[vector<16xi32>], vector<16xi32>,
      }
      %scan3A_49 = arith.constant 1024 : i32
    }
    %scan3A_38 = arith.constant 32 : i32
    %run_scoped3A_39 = arith.constant 1 : i32
    "tpu.region"() ({
      %run_scoped3A_40 = tpu.sem_alloc : memref<!tpu.dma_semaphore, #tpu.memory_space<semaphore_mem>>
      %dma_start3A = arith.constant 0 : i32
      %dma_start3A_41 = tpu.memref_slice %arg5[%run_scoped3A_39, %add3A, %dma_start3A] : memref<2x32x65536xi32, #tpu.memory_space<hbm>> -> memref<1x1x65536xi32, #tpu.memory_space<hbm>>
      %dma_start3A_42 = tpu.memref_squeeze %dma_start3A_41 : memref<1x1x65536xi32, #tpu.memory_space<hbm>> -> memref<65536xi32, #tpu.memory_space<hbm>>
      %dma_start3A_43 = arith.constant 0 : i32
      %dma_start3A_44 = tpu.memref_slice %arg5[%run_scoped3A_39, %add3A, %dma_start3A_43] : memref<2x32x65536xi32, #tpu.memory_space<hbm>> -> memref<1x1x65536xi32, #tpu.memory_space<hbm>>
      %dma_start3A_45 = tpu.memref_squeeze %dma_start3A_44 : memref<1x1x65536xi32, #tpu.memory_space<hbm>> -> memref<65536xi32, #tpu.memory_space<hbm>>
      tpu.enqueue_dma source(%arg7 : memref<65536xi32, #tpu.memory_space<vmem>>) target(%dma_start3A_45 : memref<65536xi32, #tpu.memory_space<hbm>>) target_semaphore(%run_scoped3A_40 : memref<!tpu.dma_semaphore, #tpu.memory_space<semaphore_mem>>)
      %dma_wait3A = arith.constant 0 : i32
      %dma_wait3A_46 = tpu.memref_slice %arg5[%run_scoped3A_39, %add3A, %dma_wait3A] : memref<2x32x65536xi32, #tpu.memory_space<hbm>> -> memref<1x1x65536xi32, #tpu.memory_space<hbm>>
      %dma_wait3A_47 = tpu.memref_squeeze %dma_wait3A_46 : memref<1x1x65536xi32, #tpu.memory_space<hbm>> -> memref<65536xi32, #tpu.memory_space<hbm>>
      %dma_wait3A_48 = arith.constant 0 : i32
      %dma_wait3A_49 = tpu.memref_slice %arg5[%run_scoped3A_39, %add3A, %dma_wait3A_48] : memref<2x32x65536xi32, #tpu.memory_space<hbm>> -> memref<1x1x65536xi32, #tpu.memory_space<hbm>>
      %dma_wait3A_50 = tpu.memref_squeeze %dma_wait3A_49 : memref<1x1x65536xi32, #tpu.memory_space<hbm>> -> memref<65536xi32, #tpu.memory_space<hbm>>
      tpu.wait_dma2 semaphore(%run_scoped3A_40 : memref<!tpu.dma_semaphore, #tpu.memory_space<semaphore_mem>>) src(%arg7 : memref<65536xi32, #tpu.memory_space<vmem>>) dst(%dma_wait3A_50 : memref<65536xi32, #tpu.memory_space<hbm>>)
      tpu.yield
    }) : () -> ()
    return
  }
}

#map = affine_map<(d0, d1) -> (0)>
#map1 = affine_map<(d0, d1) -> (0, 0)>
#map2 = affine_map<(d0, d1) -> (0, 0, 0)>
module attributes {stable_mosaic.version = 14 : i64} {
  func.func @body(%arg0: i32, %arg1: i32, %arg2: memref<16777216xi32, #tpu.memory_space<hbm>>, %arg3: memref<16777216xi32, #tpu.memory_space<hbm>>, %arg4: memref<2x16xi32, #tpu.memory_space<hbm>>, %arg5: memref<2x32x65536xi32, #tpu.memory_space<hbm>>, %arg6: memref<16384xi32, #tpu.memory_space<vmem>>, %arg7: memref<65536xi32, #tpu.memory_space<vmem>>, %arg8: memref<16xi32, #tpu.memory_space<vmem>>) attributes {dimension_semantics = [#tpu.dimension_semantics<core_parallel>, #tpu.dimension_semantics<subcore_parallel>], iteration_bounds = array<i64: 2, 16>, scalar_prefetch = 0 : i64, scratch_operands = 3 : i64, tpu.core_type = #tpu.core_type<sc_vector_subcore>, window_params = [{transform_indices = #map}, {transform_indices = #map}, {transform_indices = #map1}, {transform_indices = #map2}]} {
    %mul3A = arith.constant 2 : i32
    %mul3A_0 = arith.muli %arg1, %mul3A : i32
    %add3A = arith.addi %mul3A_0, %arg0 : i32
    %iota3A = tpu.iota {dimensions = array<i32: 0>} : vector<16xi32>
    %mul3A_1 = arith.constant 4096 : i32
    %mul3A_2 = vector.broadcast %mul3A_1 : i32 to vector<16xi32>
    %mul3A_3 = arith.muli %iota3A, %mul3A_2 : vector<16xi32>
    %broadcast_in_dim3A = arith.constant 0 : i32
    %broadcast_in_dim3A_4 = vector.broadcast %broadcast_in_dim3A : i32 to vector<16xi32>
    %broadcast_in_dim3A_5 = arith.constant 1 : i32
    %broadcast_in_dim3A_6 = vector.broadcast %broadcast_in_dim3A_5 : i32 to vector<16xi32>
    %scan3A = arith.constant 0 : i32
    %scan3A_7 = arith.constant 0 : i32
    %scan3A_8 = arith.constant 4096 : i32
    %scan3A_9 = arith.addi %scan3A_7, %scan3A_8 : i32
    %scan3A_10 = arith.constant 1 : i32
    scf.for %scan3A_40 = %scan3A_7 to %scan3A_9 step %scan3A_10  : i32 {
      %mul3A_41 = arith.constant 16 : i32
      %mul3A_42 = arith.muli %scan3A_40, %mul3A_41 : i32
      %swap3A = arith.index_cast %mul3A_42 : i32 to index
      %swap3A_43 = tpu.vector_load %arg7[%swap3A] {strides = array<i32>} : memref<65536xi32, #tpu.memory_space<vmem>>, vector<16xi32>,
      tpu.vector_store %arg7[%swap3A], %broadcast_in_dim3A_4 {strides = array<i32>} : memref<65536xi32, #tpu.memory_space<vmem>>, vector<16xi32>,
    }
    %scan3A_11 = arith.constant 4096 : i32
    %run_scoped3A = arith.constant 0 : i32
    "tpu.region"() ({
      %run_scoped3A_40 = tpu.sem_alloc : memref<!tpu.dma_semaphore, #tpu.memory_space<semaphore_mem>>
      %dma_start3A = arith.constant 0 : i32
      %dma_start3A_41 = tpu.memref_slice %arg4[%run_scoped3A, %dma_start3A] : memref<2x16xi32, #tpu.memory_space<hbm>> -> memref<1x16xi32, #tpu.memory_space<hbm>>
      %dma_start3A_42 = tpu.memref_squeeze %dma_start3A_41 : memref<1x16xi32, #tpu.memory_space<hbm>> -> memref<16xi32, #tpu.memory_space<hbm>>
      %dma_start3A_43 = arith.constant 0 : i32
      %dma_start3A_44 = tpu.memref_slice %arg4[%run_scoped3A, %dma_start3A_43] : memref<2x16xi32, #tpu.memory_space<hbm>> -> memref<1x16xi32, #tpu.memory_space<hbm>>
      %dma_start3A_45 = tpu.memref_squeeze %dma_start3A_44 : memref<1x16xi32, #tpu.memory_space<hbm>> -> memref<16xi32, #tpu.memory_space<hbm>>
      tpu.enqueue_dma source(%dma_start3A_45 : memref<16xi32, #tpu.memory_space<hbm>>) target(%arg8 : memref<16xi32, #tpu.memory_space<vmem>>) target_semaphore(%run_scoped3A_40 : memref<!tpu.dma_semaphore, #tpu.memory_space<semaphore_mem>>)
      %dma_wait3A = arith.constant 0 : i32
      %dma_wait3A_46 = tpu.memref_slice %arg4[%run_scoped3A, %dma_wait3A] : memref<2x16xi32, #tpu.memory_space<hbm>> -> memref<1x16xi32, #tpu.memory_space<hbm>>
      %dma_wait3A_47 = tpu.memref_squeeze %dma_wait3A_46 : memref<1x16xi32, #tpu.memory_space<hbm>> -> memref<16xi32, #tpu.memory_space<hbm>>
      %dma_wait3A_48 = arith.constant 0 : i32
      %dma_wait3A_49 = tpu.memref_slice %arg4[%run_scoped3A, %dma_wait3A_48] : memref<2x16xi32, #tpu.memory_space<hbm>> -> memref<1x16xi32, #tpu.memory_space<hbm>>
      %dma_wait3A_50 = tpu.memref_squeeze %dma_wait3A_49 : memref<1x16xi32, #tpu.memory_space<hbm>> -> memref<16xi32, #tpu.memory_space<hbm>>
      tpu.wait_dma2 semaphore(%run_scoped3A_40 : memref<!tpu.dma_semaphore, #tpu.memory_space<semaphore_mem>>) src(%dma_wait3A_50 : memref<16xi32, #tpu.memory_space<hbm>>) dst(%arg8 : memref<16xi32, #tpu.memory_space<vmem>>)
      tpu.yield
    }) : () -> ()
    %get3A = arith.constant 0 : index
    %get3A_12 = tpu.vector_load %arg8[%get3A] {strides = array<i32>} : memref<16xi32, #tpu.memory_space<vmem>>, vector<16xi32>,
    %mul3A_13 = arith.constant 524288 : i32
    %mul3A_14 = arith.muli %add3A, %mul3A_13 : i32
    %scan3A_15 = arith.constant 0 : i32
    %scan3A_16 = arith.constant 0 : i32
    %scan3A_17 = arith.constant 32 : i32
    %scan3A_18 = arith.addi %scan3A_16, %scan3A_17 : i32
    %scan3A_19 = arith.constant 1 : i32
    scf.for %scan3A_40 = %scan3A_16 to %scan3A_18 step %scan3A_19  : i32 {
      %mul3A_41 = arith.constant 16384 : i32
      %mul3A_42 = arith.muli %scan3A_40, %mul3A_41 : i32
      %add3A_43 = arith.addi %mul3A_14, %mul3A_42 : i32
      "tpu.region"() ({
        %run_scoped3A_50 = tpu.sem_alloc : memref<!tpu.dma_semaphore, #tpu.memory_space<semaphore_mem>>
        %dma_start3A = tpu.memref_slice %arg2[%add3A_43] : memref<16777216xi32, #tpu.memory_space<hbm>> -> memref<16384xi32, #tpu.memory_space<hbm>>
        %dma_start3A_51 = tpu.memref_slice %arg2[%add3A_43] : memref<16777216xi32, #tpu.memory_space<hbm>> -> memref<16384xi32, #tpu.memory_space<hbm>>
        tpu.enqueue_dma source(%dma_start3A_51 : memref<16384xi32, #tpu.memory_space<hbm>>) target(%arg6 : memref<16384xi32, #tpu.memory_space<vmem>>) target_semaphore(%run_scoped3A_50 : memref<!tpu.dma_semaphore, #tpu.memory_space<semaphore_mem>>)
        %dma_wait3A = tpu.memref_slice %arg2[%add3A_43] : memref<16777216xi32, #tpu.memory_space<hbm>> -> memref<16384xi32, #tpu.memory_space<hbm>>
        %dma_wait3A_52 = tpu.memref_slice %arg2[%add3A_43] : memref<16777216xi32, #tpu.memory_space<hbm>> -> memref<16384xi32, #tpu.memory_space<hbm>>
        tpu.wait_dma2 semaphore(%run_scoped3A_50 : memref<!tpu.dma_semaphore, #tpu.memory_space<semaphore_mem>>) src(%dma_wait3A_52 : memref<16384xi32, #tpu.memory_space<hbm>>) dst(%arg6 : memref<16384xi32, #tpu.memory_space<vmem>>)
        tpu.yield
      }) : () -> ()
      %scan3A_44 = arith.constant 0 : i32
      %scan3A_45 = arith.constant 0 : i32
      %scan3A_46 = arith.constant 1024 : i32
      %scan3A_47 = arith.addi %scan3A_45, %scan3A_46 : i32
      %scan3A_48 = arith.constant 1 : i32
      scf.for %scan3A_50 = %scan3A_45 to %scan3A_47 step %scan3A_48  : i32 {
        %mul3A_51 = arith.constant 16 : i32
        %mul3A_52 = arith.muli %scan3A_50, %mul3A_51 : i32
        %get3A_53 = arith.index_cast %mul3A_52 : i32 to index
        %get3A_54 = tpu.vector_load %arg6[%get3A_53] {strides = array<i32>} : memref<16384xi32, #tpu.memory_space<vmem>>, vector<16xi32>,
        %shift_right_arithmetic3A = arith.constant 31 : i32
        %shift_right_arithmetic3A_55 = vector.broadcast %shift_right_arithmetic3A : i32 to vector<16xi32>
        %shift_right_arithmetic3A_56 = arith.shrsi %get3A_54, %shift_right_arithmetic3A_55 : vector<16xi32>
        %or3A = arith.constant -2147483648 : i32
        %or3A_57 = vector.broadcast %or3A : i32 to vector<16xi32>
        %or3A_58 = arith.ori %shift_right_arithmetic3A_56, %or3A_57 : vector<16xi32>
        %xor3A = arith.xori %get3A_54, %or3A_58 : vector<16xi32>
        %shift_right_logical3A = arith.constant 0 : i32
        %shift_right_logical3A_59 = vector.broadcast %shift_right_logical3A : i32 to vector<16xi32>
        %shift_right_logical3A_60 = arith.shrui %xor3A, %shift_right_logical3A_59 : vector<16xi32>
        %and3A = arith.constant 4095 : i32
        %and3A_61 = vector.broadcast %and3A : i32 to vector<16xi32>
        %and3A_62 = arith.andi %shift_right_logical3A_60, %and3A_61 : vector<16xi32>
        %add3A_63 = arith.addi %mul3A_3, %and3A_62 : vector<16xi32>
        %shift_right_logical3A_64 = arith.constant 8 : i32
        %shift_right_logical3A_65 = vector.broadcast %shift_right_logical3A_64 : i32 to vector<16xi32>
        %shift_right_logical3A_66 = arith.shrui %xor3A, %shift_right_logical3A_65 : vector<16xi32>
        %eq3A = arith.cmpi eq, %shift_right_logical3A_66, %get3A_12 : vector<16xi32>
        tpu.vector_store_idx %arg7[%add3A_63], %broadcast_in_dim3A_6 masked %eq3A {add = true} : memref<65536xi32, #tpu.memory_space<vmem>>[vector<16xi32>], vector<16xi32>, vector<16xi1>
      }
      %scan3A_49 = arith.constant 1024 : i32
    }
    %scan3A_20 = arith.constant 32 : i32
    %run_scoped3A_21 = arith.constant 0 : i32
    "tpu.region"() ({
      %run_scoped3A_40 = tpu.sem_alloc : memref<!tpu.dma_semaphore, #tpu.memory_space<semaphore_mem>>
      %dma_start3A = arith.constant 0 : i32
      %dma_start3A_41 = tpu.memref_slice %arg5[%run_scoped3A_21, %add3A, %dma_start3A] : memref<2x32x65536xi32, #tpu.memory_space<hbm>> -> memref<1x1x65536xi32, #tpu.memory_space<hbm>>
      %dma_start3A_42 = tpu.memref_squeeze %dma_start3A_41 : memref<1x1x65536xi32, #tpu.memory_space<hbm>> -> memref<65536xi32, #tpu.memory_space<hbm>>
      %dma_start3A_43 = arith.constant 0 : i32
      %dma_start3A_44 = tpu.memref_slice %arg5[%run_scoped3A_21, %add3A, %dma_start3A_43] : memref<2x32x65536xi32, #tpu.memory_space<hbm>> -> memref<1x1x65536xi32, #tpu.memory_space<hbm>>
      %dma_start3A_45 = tpu.memref_squeeze %dma_start3A_44 : memref<1x1x65536xi32, #tpu.memory_space<hbm>> -> memref<65536xi32, #tpu.memory_space<hbm>>
      tpu.enqueue_dma source(%arg7 : memref<65536xi32, #tpu.memory_space<vmem>>) target(%dma_start3A_45 : memref<65536xi32, #tpu.memory_space<hbm>>) target_semaphore(%run_scoped3A_40 : memref<!tpu.dma_semaphore, #tpu.memory_space<semaphore_mem>>)
      %dma_wait3A = arith.constant 0 : i32
      %dma_wait3A_46 = tpu.memref_slice %arg5[%run_scoped3A_21, %add3A, %dma_wait3A] : memref<2x32x65536xi32, #tpu.memory_space<hbm>> -> memref<1x1x65536xi32, #tpu.memory_space<hbm>>
      %dma_wait3A_47 = tpu.memref_squeeze %dma_wait3A_46 : memref<1x1x65536xi32, #tpu.memory_space<hbm>> -> memref<65536xi32, #tpu.memory_space<hbm>>
      %dma_wait3A_48 = arith.constant 0 : i32
      %dma_wait3A_49 = tpu.memref_slice %arg5[%run_scoped3A_21, %add3A, %dma_wait3A_48] : memref<2x32x65536xi32, #tpu.memory_space<hbm>> -> memref<1x1x65536xi32, #tpu.memory_space<hbm>>
      %dma_wait3A_50 = tpu.memref_squeeze %dma_wait3A_49 : memref<1x1x65536xi32, #tpu.memory_space<hbm>> -> memref<65536xi32, #tpu.memory_space<hbm>>
      tpu.wait_dma2 semaphore(%run_scoped3A_40 : memref<!tpu.dma_semaphore, #tpu.memory_space<semaphore_mem>>) src(%arg7 : memref<65536xi32, #tpu.memory_space<vmem>>) dst(%dma_wait3A_50 : memref<65536xi32, #tpu.memory_space<hbm>>)
      tpu.yield
    }) : () -> ()
    %scan3A_22 = arith.constant 0 : i32
    %scan3A_23 = arith.constant 0 : i32
    %scan3A_24 = arith.constant 4096 : i32
    %scan3A_25 = arith.addi %scan3A_23, %scan3A_24 : i32
    %scan3A_26 = arith.constant 1 : i32
    scf.for %scan3A_40 = %scan3A_23 to %scan3A_25 step %scan3A_26  : i32 {
      %mul3A_41 = arith.constant 16 : i32
      %mul3A_42 = arith.muli %scan3A_40, %mul3A_41 : i32
      %swap3A = arith.index_cast %mul3A_42 : i32 to index
      %swap3A_43 = tpu.vector_load %arg7[%swap3A] {strides = array<i32>} : memref<65536xi32, #tpu.memory_space<vmem>>, vector<16xi32>,
      tpu.vector_store %arg7[%swap3A], %broadcast_in_dim3A_4 {strides = array<i32>} : memref<65536xi32, #tpu.memory_space<vmem>>, vector<16xi32>,
    }
    %scan3A_27 = arith.constant 4096 : i32
    %run_scoped3A_28 = arith.constant 1 : i32
    "tpu.region"() ({
      %run_scoped3A_40 = tpu.sem_alloc : memref<!tpu.dma_semaphore, #tpu.memory_space<semaphore_mem>>
      %dma_start3A = arith.constant 0 : i32
      %dma_start3A_41 = tpu.memref_slice %arg4[%run_scoped3A_28, %dma_start3A] : memref<2x16xi32, #tpu.memory_space<hbm>> -> memref<1x16xi32, #tpu.memory_space<hbm>>
      %dma_start3A_42 = tpu.memref_squeeze %dma_start3A_41 : memref<1x16xi32, #tpu.memory_space<hbm>> -> memref<16xi32, #tpu.memory_space<hbm>>
      %dma_start3A_43 = arith.constant 0 : i32
      %dma_start3A_44 = tpu.memref_slice %arg4[%run_scoped3A_28, %dma_start3A_43] : memref<2x16xi32, #tpu.memory_space<hbm>> -> memref<1x16xi32, #tpu.memory_space<hbm>>
      %dma_start3A_45 = tpu.memref_squeeze %dma_start3A_44 : memref<1x16xi32, #tpu.memory_space<hbm>> -> memref<16xi32, #tpu.memory_space<hbm>>
      tpu.enqueue_dma source(%dma_start3A_45 : memref<16xi32, #tpu.memory_space<hbm>>) target(%arg8 : memref<16xi32, #tpu.memory_space<vmem>>) target_semaphore(%run_scoped3A_40 : memref<!tpu.dma_semaphore, #tpu.memory_space<semaphore_mem>>)
      %dma_wait3A = arith.constant 0 : i32
      %dma_wait3A_46 = tpu.memref_slice %arg4[%run_scoped3A_28, %dma_wait3A] : memref<2x16xi32, #tpu.memory_space<hbm>> -> memref<1x16xi32, #tpu.memory_space<hbm>>
      %dma_wait3A_47 = tpu.memref_squeeze %dma_wait3A_46 : memref<1x16xi32, #tpu.memory_space<hbm>> -> memref<16xi32, #tpu.memory_space<hbm>>
      %dma_wait3A_48 = arith.constant 0 : i32
      %dma_wait3A_49 = tpu.memref_slice %arg4[%run_scoped3A_28, %dma_wait3A_48] : memref<2x16xi32, #tpu.memory_space<hbm>> -> memref<1x16xi32, #tpu.memory_space<hbm>>
      %dma_wait3A_50 = tpu.memref_squeeze %dma_wait3A_49 : memref<1x16xi32, #tpu.memory_space<hbm>> -> memref<16xi32, #tpu.memory_space<hbm>>
      tpu.wait_dma2 semaphore(%run_scoped3A_40 : memref<!tpu.dma_semaphore, #tpu.memory_space<semaphore_mem>>) src(%dma_wait3A_50 : memref<16xi32, #tpu.memory_space<hbm>>) dst(%arg8 : memref<16xi32, #tpu.memory_space<vmem>>)
      tpu.yield
    }) : () -> ()
    %get3A_29 = arith.constant 0 : index
    %get3A_30 = tpu.vector_load %arg8[%get3A_29] {strides = array<i32>} : memref<16xi32, #tpu.memory_space<vmem>>, vector<16xi32>,
    %mul3A_31 = arith.constant 524288 : i32
    %mul3A_32 = arith.muli %add3A, %mul3A_31 : i32
    %scan3A_33 = arith.constant 0 : i32
    %scan3A_34 = arith.constant 0 : i32
    %scan3A_35 = arith.constant 32 : i32
    %scan3A_36 = arith.addi %scan3A_34, %scan3A_35 : i32
    %scan3A_37 = arith.constant 1 : i32
    scf.for %scan3A_40 = %scan3A_34 to %scan3A_36 step %scan3A_37  : i32 {
      %mul3A_41 = arith.constant 16384 : i32
      %mul3A_42 = arith.muli %scan3A_40, %mul3A_41 : i32
      %add3A_43 = arith.addi %mul3A_32, %mul3A_42 : i32
      "tpu.region"() ({
        %run_scoped3A_50 = tpu.sem_alloc : memref<!tpu.dma_semaphore, #tpu.memory_space<semaphore_mem>>
        %dma_start3A = tpu.memref_slice %arg3[%add3A_43] : memref<16777216xi32, #tpu.memory_space<hbm>> -> memref<16384xi32, #tpu.memory_space<hbm>>
        %dma_start3A_51 = tpu.memref_slice %arg3[%add3A_43] : memref<16777216xi32, #tpu.memory_space<hbm>> -> memref<16384xi32, #tpu.memory_space<hbm>>
        tpu.enqueue_dma source(%dma_start3A_51 : memref<16384xi32, #tpu.memory_space<hbm>>) target(%arg6 : memref<16384xi32, #tpu.memory_space<vmem>>) target_semaphore(%run_scoped3A_50 : memref<!tpu.dma_semaphore, #tpu.memory_space<semaphore_mem>>)
        %dma_wait3A = tpu.memref_slice %arg3[%add3A_43] : memref<16777216xi32, #tpu.memory_space<hbm>> -> memref<16384xi32, #tpu.memory_space<hbm>>
        %dma_wait3A_52 = tpu.memref_slice %arg3[%add3A_43] : memref<16777216xi32, #tpu.memory_space<hbm>> -> memref<16384xi32, #tpu.memory_space<hbm>>
        tpu.wait_dma2 semaphore(%run_scoped3A_50 : memref<!tpu.dma_semaphore, #tpu.memory_space<semaphore_mem>>) src(%dma_wait3A_52 : memref<16384xi32, #tpu.memory_space<hbm>>) dst(%arg6 : memref<16384xi32, #tpu.memory_space<vmem>>)
        tpu.yield
      }) : () -> ()
      %scan3A_44 = arith.constant 0 : i32
      %scan3A_45 = arith.constant 0 : i32
      %scan3A_46 = arith.constant 1024 : i32
      %scan3A_47 = arith.addi %scan3A_45, %scan3A_46 : i32
      %scan3A_48 = arith.constant 1 : i32
      scf.for %scan3A_50 = %scan3A_45 to %scan3A_47 step %scan3A_48  : i32 {
        %mul3A_51 = arith.constant 16 : i32
        %mul3A_52 = arith.muli %scan3A_50, %mul3A_51 : i32
        %get3A_53 = arith.index_cast %mul3A_52 : i32 to index
        %get3A_54 = tpu.vector_load %arg6[%get3A_53] {strides = array<i32>} : memref<16384xi32, #tpu.memory_space<vmem>>, vector<16xi32>,
        %shift_right_arithmetic3A = arith.constant 31 : i32
        %shift_right_arithmetic3A_55 = vector.broadcast %shift_right_arithmetic3A : i32 to vector<16xi32>
        %shift_right_arithmetic3A_56 = arith.shrsi %get3A_54, %shift_right_arithmetic3A_55 : vector<16xi32>
        %or3A = arith.constant -2147483648 : i32
        %or3A_57 = vector.broadcast %or3A : i32 to vector<16xi32>
        %or3A_58 = arith.ori %shift_right_arithmetic3A_56, %or3A_57 : vector<16xi32>
        %xor3A = arith.xori %get3A_54, %or3A_58 : vector<16xi32>
        %shift_right_logical3A = arith.constant 0 : i32
        %shift_right_logical3A_59 = vector.broadcast %shift_right_logical3A : i32 to vector<16xi32>
        %shift_right_logical3A_60 = arith.shrui %xor3A, %shift_right_logical3A_59 : vector<16xi32>
        %and3A = arith.constant 4095 : i32
        %and3A_61 = vector.broadcast %and3A : i32 to vector<16xi32>
        %and3A_62 = arith.andi %shift_right_logical3A_60, %and3A_61 : vector<16xi32>
        %add3A_63 = arith.addi %mul3A_3, %and3A_62 : vector<16xi32>
        %shift_right_logical3A_64 = arith.constant 8 : i32
        %shift_right_logical3A_65 = vector.broadcast %shift_right_logical3A_64 : i32 to vector<16xi32>
        %shift_right_logical3A_66 = arith.shrui %xor3A, %shift_right_logical3A_65 : vector<16xi32>
        %eq3A = arith.cmpi eq, %shift_right_logical3A_66, %get3A_30 : vector<16xi32>
        tpu.vector_store_idx %arg7[%add3A_63], %broadcast_in_dim3A_6 masked %eq3A {add = true} : memref<65536xi32, #tpu.memory_space<vmem>>[vector<16xi32>], vector<16xi32>, vector<16xi1>
      }
      %scan3A_49 = arith.constant 1024 : i32
    }
    %scan3A_38 = arith.constant 32 : i32
    %run_scoped3A_39 = arith.constant 1 : i32
    "tpu.region"() ({
      %run_scoped3A_40 = tpu.sem_alloc : memref<!tpu.dma_semaphore, #tpu.memory_space<semaphore_mem>>
      %dma_start3A = arith.constant 0 : i32
      %dma_start3A_41 = tpu.memref_slice %arg5[%run_scoped3A_39, %add3A, %dma_start3A] : memref<2x32x65536xi32, #tpu.memory_space<hbm>> -> memref<1x1x65536xi32, #tpu.memory_space<hbm>>
      %dma_start3A_42 = tpu.memref_squeeze %dma_start3A_41 : memref<1x1x65536xi32, #tpu.memory_space<hbm>> -> memref<65536xi32, #tpu.memory_space<hbm>>
      %dma_start3A_43 = arith.constant 0 : i32
      %dma_start3A_44 = tpu.memref_slice %arg5[%run_scoped3A_39, %add3A, %dma_start3A_43] : memref<2x32x65536xi32, #tpu.memory_space<hbm>> -> memref<1x1x65536xi32, #tpu.memory_space<hbm>>
      %dma_start3A_45 = tpu.memref_squeeze %dma_start3A_44 : memref<1x1x65536xi32, #tpu.memory_space<hbm>> -> memref<65536xi32, #tpu.memory_space<hbm>>
      tpu.enqueue_dma source(%arg7 : memref<65536xi32, #tpu.memory_space<vmem>>) target(%dma_start3A_45 : memref<65536xi32, #tpu.memory_space<hbm>>) target_semaphore(%run_scoped3A_40 : memref<!tpu.dma_semaphore, #tpu.memory_space<semaphore_mem>>)
      %dma_wait3A = arith.constant 0 : i32
      %dma_wait3A_46 = tpu.memref_slice %arg5[%run_scoped3A_39, %add3A, %dma_wait3A] : memref<2x32x65536xi32, #tpu.memory_space<hbm>> -> memref<1x1x65536xi32, #tpu.memory_space<hbm>>
      %dma_wait3A_47 = tpu.memref_squeeze %dma_wait3A_46 : memref<1x1x65536xi32, #tpu.memory_space<hbm>> -> memref<65536xi32, #tpu.memory_space<hbm>>
      %dma_wait3A_48 = arith.constant 0 : i32
      %dma_wait3A_49 = tpu.memref_slice %arg5[%run_scoped3A_39, %add3A, %dma_wait3A_48] : memref<2x32x65536xi32, #tpu.memory_space<hbm>> -> memref<1x1x65536xi32, #tpu.memory_space<hbm>>
      %dma_wait3A_50 = tpu.memref_squeeze %dma_wait3A_49 : memref<1x1x65536xi32, #tpu.memory_space<hbm>> -> memref<65536xi32, #tpu.memory_space<hbm>>
      tpu.wait_dma2 semaphore(%run_scoped3A_40 : memref<!tpu.dma_semaphore, #tpu.memory_space<semaphore_mem>>) src(%arg7 : memref<65536xi32, #tpu.memory_space<vmem>>) dst(%dma_wait3A_50 : memref<65536xi32, #tpu.memory_space<hbm>>)
      tpu.yield
    }) : () -> ()
    return
  }
}

#map = affine_map<(d0, d1) -> (0)>
#map1 = affine_map<(d0, d1) -> (0, 0)>
#map2 = affine_map<(d0, d1) -> (0, 0, 0)>
module attributes {stable_mosaic.version = 14 : i64} {
  func.func @body(%arg0: i32, %arg1: i32, %arg2: memref<16777216xi32, #tpu.memory_space<hbm>>, %arg3: memref<16777216xi32, #tpu.memory_space<hbm>>, %arg4: memref<2x16xi32, #tpu.memory_space<hbm>>, %arg5: memref<2x32x65536xi32, #tpu.memory_space<hbm>>, %arg6: memref<16384xi32, #tpu.memory_space<vmem>>, %arg7: memref<65536xi32, #tpu.memory_space<vmem>>, %arg8: memref<16xi32, #tpu.memory_space<vmem>>) attributes {dimension_semantics = [#tpu.dimension_semantics<core_parallel>, #tpu.dimension_semantics<subcore_parallel>], iteration_bounds = array<i64: 2, 16>, scalar_prefetch = 0 : i64, scratch_operands = 3 : i64, tpu.core_type = #tpu.core_type<sc_vector_subcore>, window_params = [{transform_indices = #map}, {transform_indices = #map}, {transform_indices = #map1}, {transform_indices = #map2}]} {
    %mul3A = arith.constant 2 : i32
    %mul3A_0 = arith.muli %arg1, %mul3A : i32
    %add3A = arith.addi %mul3A_0, %arg0 : i32
    %iota3A = tpu.iota {dimensions = array<i32: 0>} : vector<16xi32>
    %mul3A_1 = arith.constant 4096 : i32
    %mul3A_2 = vector.broadcast %mul3A_1 : i32 to vector<16xi32>
    %mul3A_3 = arith.muli %iota3A, %mul3A_2 : vector<16xi32>
    %broadcast_in_dim3A = arith.constant 0 : i32
    %broadcast_in_dim3A_4 = vector.broadcast %broadcast_in_dim3A : i32 to vector<16xi32>
    %broadcast_in_dim3A_5 = arith.constant 1 : i32
    %broadcast_in_dim3A_6 = vector.broadcast %broadcast_in_dim3A_5 : i32 to vector<16xi32>
    %scan3A = arith.constant 0 : i32
    %scan3A_7 = arith.constant 0 : i32
    %scan3A_8 = arith.constant 4096 : i32
    %scan3A_9 = arith.addi %scan3A_7, %scan3A_8 : i32
    %scan3A_10 = arith.constant 1 : i32
    scf.for %scan3A_40 = %scan3A_7 to %scan3A_9 step %scan3A_10  : i32 {
      %mul3A_41 = arith.constant 16 : i32
      %mul3A_42 = arith.muli %scan3A_40, %mul3A_41 : i32
      %swap3A = arith.index_cast %mul3A_42 : i32 to index
      %swap3A_43 = tpu.vector_load %arg7[%swap3A] {strides = array<i32>} : memref<65536xi32, #tpu.memory_space<vmem>>, vector<16xi32>,
      tpu.vector_store %arg7[%swap3A], %broadcast_in_dim3A_4 {strides = array<i32>} : memref<65536xi32, #tpu.memory_space<vmem>>, vector<16xi32>,
    }
    %scan3A_11 = arith.constant 4096 : i32
    %run_scoped3A = arith.constant 0 : i32
    "tpu.region"() ({
      %run_scoped3A_40 = tpu.sem_alloc : memref<!tpu.dma_semaphore, #tpu.memory_space<semaphore_mem>>
      %dma_start3A = arith.constant 0 : i32
      %dma_start3A_41 = tpu.memref_slice %arg4[%run_scoped3A, %dma_start3A] : memref<2x16xi32, #tpu.memory_space<hbm>> -> memref<1x16xi32, #tpu.memory_space<hbm>>
      %dma_start3A_42 = tpu.memref_squeeze %dma_start3A_41 : memref<1x16xi32, #tpu.memory_space<hbm>> -> memref<16xi32, #tpu.memory_space<hbm>>
      %dma_start3A_43 = arith.constant 0 : i32
      %dma_start3A_44 = tpu.memref_slice %arg4[%run_scoped3A, %dma_start3A_43] : memref<2x16xi32, #tpu.memory_space<hbm>> -> memref<1x16xi32, #tpu.memory_space<hbm>>
      %dma_start3A_45 = tpu.memref_squeeze %dma_start3A_44 : memref<1x16xi32, #tpu.memory_space<hbm>> -> memref<16xi32, #tpu.memory_space<hbm>>
      tpu.enqueue_dma source(%dma_start3A_45 : memref<16xi32, #tpu.memory_space<hbm>>) target(%arg8 : memref<16xi32, #tpu.memory_space<vmem>>) target_semaphore(%run_scoped3A_40 : memref<!tpu.dma_semaphore, #tpu.memory_space<semaphore_mem>>)
      %dma_wait3A = arith.constant 0 : i32
      %dma_wait3A_46 = tpu.memref_slice %arg4[%run_scoped3A, %dma_wait3A] : memref<2x16xi32, #tpu.memory_space<hbm>> -> memref<1x16xi32, #tpu.memory_space<hbm>>
      %dma_wait3A_47 = tpu.memref_squeeze %dma_wait3A_46 : memref<1x16xi32, #tpu.memory_space<hbm>> -> memref<16xi32, #tpu.memory_space<hbm>>
      %dma_wait3A_48 = arith.constant 0 : i32
      %dma_wait3A_49 = tpu.memref_slice %arg4[%run_scoped3A, %dma_wait3A_48] : memref<2x16xi32, #tpu.memory_space<hbm>> -> memref<1x16xi32, #tpu.memory_space<hbm>>
      %dma_wait3A_50 = tpu.memref_squeeze %dma_wait3A_49 : memref<1x16xi32, #tpu.memory_space<hbm>> -> memref<16xi32, #tpu.memory_space<hbm>>
      tpu.wait_dma2 semaphore(%run_scoped3A_40 : memref<!tpu.dma_semaphore, #tpu.memory_space<semaphore_mem>>) src(%dma_wait3A_50 : memref<16xi32, #tpu.memory_space<hbm>>) dst(%arg8 : memref<16xi32, #tpu.memory_space<vmem>>)
      tpu.yield
    }) : () -> ()
    %get3A = arith.constant 0 : index
    %get3A_12 = tpu.vector_load %arg8[%get3A] {strides = array<i32>} : memref<16xi32, #tpu.memory_space<vmem>>, vector<16xi32>,
    %mul3A_13 = arith.constant 524288 : i32
    %mul3A_14 = arith.muli %add3A, %mul3A_13 : i32
    %scan3A_15 = arith.constant 0 : i32
    %scan3A_16 = arith.constant 0 : i32
    %scan3A_17 = arith.constant 32 : i32
    %scan3A_18 = arith.addi %scan3A_16, %scan3A_17 : i32
    %scan3A_19 = arith.constant 1 : i32
    scf.for %scan3A_40 = %scan3A_16 to %scan3A_18 step %scan3A_19  : i32 {
      %mul3A_41 = arith.constant 16384 : i32
      %mul3A_42 = arith.muli %scan3A_40, %mul3A_41 : i32
      %add3A_43 = arith.addi %mul3A_14, %mul3A_42 : i32
      "tpu.region"() ({
        %run_scoped3A_50 = tpu.sem_alloc : memref<!tpu.dma_semaphore, #tpu.memory_space<semaphore_mem>>
        %dma_start3A = tpu.memref_slice %arg2[%add3A_43] : memref<16777216xi32, #tpu.memory_space<hbm>> -> memref<16384xi32, #tpu.memory_space<hbm>>
        %dma_start3A_51 = tpu.memref_slice %arg2[%add3A_43] : memref<16777216xi32, #tpu.memory_space<hbm>> -> memref<16384xi32, #tpu.memory_space<hbm>>
        tpu.enqueue_dma source(%dma_start3A_51 : memref<16384xi32, #tpu.memory_space<hbm>>) target(%arg6 : memref<16384xi32, #tpu.memory_space<vmem>>) target_semaphore(%run_scoped3A_50 : memref<!tpu.dma_semaphore, #tpu.memory_space<semaphore_mem>>)
        %dma_wait3A = tpu.memref_slice %arg2[%add3A_43] : memref<16777216xi32, #tpu.memory_space<hbm>> -> memref<16384xi32, #tpu.memory_space<hbm>>
        %dma_wait3A_52 = tpu.memref_slice %arg2[%add3A_43] : memref<16777216xi32, #tpu.memory_space<hbm>> -> memref<16384xi32, #tpu.memory_space<hbm>>
        tpu.wait_dma2 semaphore(%run_scoped3A_50 : memref<!tpu.dma_semaphore, #tpu.memory_space<semaphore_mem>>) src(%dma_wait3A_52 : memref<16384xi32, #tpu.memory_space<hbm>>) dst(%arg6 : memref<16384xi32, #tpu.memory_space<vmem>>)
        tpu.yield
      }) : () -> ()
      %scan3A_44 = arith.constant 0 : i32
      %scan3A_45 = arith.constant 0 : i32
      %scan3A_46 = arith.constant 1024 : i32
      %scan3A_47 = arith.addi %scan3A_45, %scan3A_46 : i32
      %scan3A_48 = arith.constant 1 : i32
      scf.for %scan3A_50 = %scan3A_45 to %scan3A_47 step %scan3A_48  : i32 {
        %mul3A_51 = arith.constant 16 : i32
        %mul3A_52 = arith.muli %scan3A_50, %mul3A_51 : i32
        %get3A_53 = arith.index_cast %mul3A_52 : i32 to index
        %get3A_54 = tpu.vector_load %arg6[%get3A_53] {strides = array<i32>} : memref<16384xi32, #tpu.memory_space<vmem>>, vector<16xi32>,
        %shift_right_arithmetic3A = arith.constant 31 : i32
        %shift_right_arithmetic3A_55 = vector.broadcast %shift_right_arithmetic3A : i32 to vector<16xi32>
        %shift_right_arithmetic3A_56 = arith.shrsi %get3A_54, %shift_right_arithmetic3A_55 : vector<16xi32>
        %or3A = arith.constant -2147483648 : i32
        %or3A_57 = vector.broadcast %or3A : i32 to vector<16xi32>
        %or3A_58 = arith.ori %shift_right_arithmetic3A_56, %or3A_57 : vector<16xi32>
        %xor3A = arith.xori %get3A_54, %or3A_58 : vector<16xi32>
        %shift_right_logical3A = arith.constant 8 : i32
        %shift_right_logical3A_59 = vector.broadcast %shift_right_logical3A : i32 to vector<16xi32>
        %shift_right_logical3A_60 = arith.shrui %xor3A, %shift_right_logical3A_59 : vector<16xi32>
        %and3A = arith.constant 4095 : i32
        %and3A_61 = vector.broadcast %and3A : i32 to vector<16xi32>
        %and3A_62 = arith.andi %shift_right_logical3A_60, %and3A_61 : vector<16xi32>
        %add3A_63 = arith.addi %mul3A_3, %and3A_62 : vector<16xi32>
        %shift_right_logical3A_64 = arith.constant 20 : i32
        %shift_right_logical3A_65 = vector.broadcast %shift_right_logical3A_64 : i32 to vector<16xi32>
        %shift_right_logical3A_66 = arith.shrui %xor3A, %shift_right_logical3A_65 : vector<16xi32>
        %eq3A = arith.cmpi eq, %shift_right_logical3A_66, %get3A_12 : vector<16xi32>
        tpu.vector_store_idx %arg7[%add3A_63], %broadcast_in_dim3A_6 masked %eq3A {add = true} : memref<65536xi32, #tpu.memory_space<vmem>>[vector<16xi32>], vector<16xi32>, vector<16xi1>
      }
      %scan3A_49 = arith.constant 1024 : i32
    }
    %scan3A_20 = arith.constant 32 : i32
    %run_scoped3A_21 = arith.constant 0 : i32
    "tpu.region"() ({
      %run_scoped3A_40 = tpu.sem_alloc : memref<!tpu.dma_semaphore, #tpu.memory_space<semaphore_mem>>
      %dma_start3A = arith.constant 0 : i32
      %dma_start3A_41 = tpu.memref_slice %arg5[%run_scoped3A_21, %add3A, %dma_start3A] : memref<2x32x65536xi32, #tpu.memory_space<hbm>> -> memref<1x1x65536xi32, #tpu.memory_space<hbm>>
      %dma_start3A_42 = tpu.memref_squeeze %dma_start3A_41 : memref<1x1x65536xi32, #tpu.memory_space<hbm>> -> memref<65536xi32, #tpu.memory_space<hbm>>
      %dma_start3A_43 = arith.constant 0 : i32
      %dma_start3A_44 = tpu.memref_slice %arg5[%run_scoped3A_21, %add3A, %dma_start3A_43] : memref<2x32x65536xi32, #tpu.memory_space<hbm>> -> memref<1x1x65536xi32, #tpu.memory_space<hbm>>
      %dma_start3A_45 = tpu.memref_squeeze %dma_start3A_44 : memref<1x1x65536xi32, #tpu.memory_space<hbm>> -> memref<65536xi32, #tpu.memory_space<hbm>>
      tpu.enqueue_dma source(%arg7 : memref<65536xi32, #tpu.memory_space<vmem>>) target(%dma_start3A_45 : memref<65536xi32, #tpu.memory_space<hbm>>) target_semaphore(%run_scoped3A_40 : memref<!tpu.dma_semaphore, #tpu.memory_space<semaphore_mem>>)
      %dma_wait3A = arith.constant 0 : i32
      %dma_wait3A_46 = tpu.memref_slice %arg5[%run_scoped3A_21, %add3A, %dma_wait3A] : memref<2x32x65536xi32, #tpu.memory_space<hbm>> -> memref<1x1x65536xi32, #tpu.memory_space<hbm>>
      %dma_wait3A_47 = tpu.memref_squeeze %dma_wait3A_46 : memref<1x1x65536xi32, #tpu.memory_space<hbm>> -> memref<65536xi32, #tpu.memory_space<hbm>>
      %dma_wait3A_48 = arith.constant 0 : i32
      %dma_wait3A_49 = tpu.memref_slice %arg5[%run_scoped3A_21, %add3A, %dma_wait3A_48] : memref<2x32x65536xi32, #tpu.memory_space<hbm>> -> memref<1x1x65536xi32, #tpu.memory_space<hbm>>
      %dma_wait3A_50 = tpu.memref_squeeze %dma_wait3A_49 : memref<1x1x65536xi32, #tpu.memory_space<hbm>> -> memref<65536xi32, #tpu.memory_space<hbm>>
      tpu.wait_dma2 semaphore(%run_scoped3A_40 : memref<!tpu.dma_semaphore, #tpu.memory_space<semaphore_mem>>) src(%arg7 : memref<65536xi32, #tpu.memory_space<vmem>>) dst(%dma_wait3A_50 : memref<65536xi32, #tpu.memory_space<hbm>>)
      tpu.yield
    }) : () -> ()
    %scan3A_22 = arith.constant 0 : i32
    %scan3A_23 = arith.constant 0 : i32
    %scan3A_24 = arith.constant 4096 : i32
    %scan3A_25 = arith.addi %scan3A_23, %scan3A_24 : i32
    %scan3A_26 = arith.constant 1 : i32
    scf.for %scan3A_40 = %scan3A_23 to %scan3A_25 step %scan3A_26  : i32 {
      %mul3A_41 = arith.constant 16 : i32
      %mul3A_42 = arith.muli %scan3A_40, %mul3A_41 : i32
      %swap3A = arith.index_cast %mul3A_42 : i32 to index
      %swap3A_43 = tpu.vector_load %arg7[%swap3A] {strides = array<i32>} : memref<65536xi32, #tpu.memory_space<vmem>>, vector<16xi32>,
      tpu.vector_store %arg7[%swap3A], %broadcast_in_dim3A_4 {strides = array<i32>} : memref<65536xi32, #tpu.memory_space<vmem>>, vector<16xi32>,
    }
    %scan3A_27 = arith.constant 4096 : i32
    %run_scoped3A_28 = arith.constant 1 : i32
    "tpu.region"() ({
      %run_scoped3A_40 = tpu.sem_alloc : memref<!tpu.dma_semaphore, #tpu.memory_space<semaphore_mem>>
      %dma_start3A = arith.constant 0 : i32
      %dma_start3A_41 = tpu.memref_slice %arg4[%run_scoped3A_28, %dma_start3A] : memref<2x16xi32, #tpu.memory_space<hbm>> -> memref<1x16xi32, #tpu.memory_space<hbm>>
      %dma_start3A_42 = tpu.memref_squeeze %dma_start3A_41 : memref<1x16xi32, #tpu.memory_space<hbm>> -> memref<16xi32, #tpu.memory_space<hbm>>
      %dma_start3A_43 = arith.constant 0 : i32
      %dma_start3A_44 = tpu.memref_slice %arg4[%run_scoped3A_28, %dma_start3A_43] : memref<2x16xi32, #tpu.memory_space<hbm>> -> memref<1x16xi32, #tpu.memory_space<hbm>>
      %dma_start3A_45 = tpu.memref_squeeze %dma_start3A_44 : memref<1x16xi32, #tpu.memory_space<hbm>> -> memref<16xi32, #tpu.memory_space<hbm>>
      tpu.enqueue_dma source(%dma_start3A_45 : memref<16xi32, #tpu.memory_space<hbm>>) target(%arg8 : memref<16xi32, #tpu.memory_space<vmem>>) target_semaphore(%run_scoped3A_40 : memref<!tpu.dma_semaphore, #tpu.memory_space<semaphore_mem>>)
      %dma_wait3A = arith.constant 0 : i32
      %dma_wait3A_46 = tpu.memref_slice %arg4[%run_scoped3A_28, %dma_wait3A] : memref<2x16xi32, #tpu.memory_space<hbm>> -> memref<1x16xi32, #tpu.memory_space<hbm>>
      %dma_wait3A_47 = tpu.memref_squeeze %dma_wait3A_46 : memref<1x16xi32, #tpu.memory_space<hbm>> -> memref<16xi32, #tpu.memory_space<hbm>>
      %dma_wait3A_48 = arith.constant 0 : i32
      %dma_wait3A_49 = tpu.memref_slice %arg4[%run_scoped3A_28, %dma_wait3A_48] : memref<2x16xi32, #tpu.memory_space<hbm>> -> memref<1x16xi32, #tpu.memory_space<hbm>>
      %dma_wait3A_50 = tpu.memref_squeeze %dma_wait3A_49 : memref<1x16xi32, #tpu.memory_space<hbm>> -> memref<16xi32, #tpu.memory_space<hbm>>
      tpu.wait_dma2 semaphore(%run_scoped3A_40 : memref<!tpu.dma_semaphore, #tpu.memory_space<semaphore_mem>>) src(%dma_wait3A_50 : memref<16xi32, #tpu.memory_space<hbm>>) dst(%arg8 : memref<16xi32, #tpu.memory_space<vmem>>)
      tpu.yield
    }) : () -> ()
    %get3A_29 = arith.constant 0 : index
    %get3A_30 = tpu.vector_load %arg8[%get3A_29] {strides = array<i32>} : memref<16xi32, #tpu.memory_space<vmem>>, vector<16xi32>,
    %mul3A_31 = arith.constant 524288 : i32
    %mul3A_32 = arith.muli %add3A, %mul3A_31 : i32
    %scan3A_33 = arith.constant 0 : i32
    %scan3A_34 = arith.constant 0 : i32
    %scan3A_35 = arith.constant 32 : i32
    %scan3A_36 = arith.addi %scan3A_34, %scan3A_35 : i32
    %scan3A_37 = arith.constant 1 : i32
    scf.for %scan3A_40 = %scan3A_34 to %scan3A_36 step %scan3A_37  : i32 {
      %mul3A_41 = arith.constant 16384 : i32
      %mul3A_42 = arith.muli %scan3A_40, %mul3A_41 : i32
      %add3A_43 = arith.addi %mul3A_32, %mul3A_42 : i32
      "tpu.region"() ({
        %run_scoped3A_50 = tpu.sem_alloc : memref<!tpu.dma_semaphore, #tpu.memory_space<semaphore_mem>>
        %dma_start3A = tpu.memref_slice %arg3[%add3A_43] : memref<16777216xi32, #tpu.memory_space<hbm>> -> memref<16384xi32, #tpu.memory_space<hbm>>
        %dma_start3A_51 = tpu.memref_slice %arg3[%add3A_43] : memref<16777216xi32, #tpu.memory_space<hbm>> -> memref<16384xi32, #tpu.memory_space<hbm>>
        tpu.enqueue_dma source(%dma_start3A_51 : memref<16384xi32, #tpu.memory_space<hbm>>) target(%arg6 : memref<16384xi32, #tpu.memory_space<vmem>>) target_semaphore(%run_scoped3A_50 : memref<!tpu.dma_semaphore, #tpu.memory_space<semaphore_mem>>)
        %dma_wait3A = tpu.memref_slice %arg3[%add3A_43] : memref<16777216xi32, #tpu.memory_space<hbm>> -> memref<16384xi32, #tpu.memory_space<hbm>>
        %dma_wait3A_52 = tpu.memref_slice %arg3[%add3A_43] : memref<16777216xi32, #tpu.memory_space<hbm>> -> memref<16384xi32, #tpu.memory_space<hbm>>
        tpu.wait_dma2 semaphore(%run_scoped3A_50 : memref<!tpu.dma_semaphore, #tpu.memory_space<semaphore_mem>>) src(%dma_wait3A_52 : memref<16384xi32, #tpu.memory_space<hbm>>) dst(%arg6 : memref<16384xi32, #tpu.memory_space<vmem>>)
        tpu.yield
      }) : () -> ()
      %scan3A_44 = arith.constant 0 : i32
      %scan3A_45 = arith.constant 0 : i32
      %scan3A_46 = arith.constant 1024 : i32
      %scan3A_47 = arith.addi %scan3A_45, %scan3A_46 : i32
      %scan3A_48 = arith.constant 1 : i32
      scf.for %scan3A_50 = %scan3A_45 to %scan3A_47 step %scan3A_48  : i32 {
        %mul3A_51 = arith.constant 16 : i32
        %mul3A_52 = arith.muli %scan3A_50, %mul3A_51 : i32
        %get3A_53 = arith.index_cast %mul3A_52 : i32 to index
        %get3A_54 = tpu.vector_load %arg6[%get3A_53] {strides = array<i32>} : memref<16384xi32, #tpu.memory_space<vmem>>, vector<16xi32>,
        %shift_right_arithmetic3A = arith.constant 31 : i32
        %shift_right_arithmetic3A_55 = vector.broadcast %shift_right_arithmetic3A : i32 to vector<16xi32>
        %shift_right_arithmetic3A_56 = arith.shrsi %get3A_54, %shift_right_arithmetic3A_55 : vector<16xi32>
        %or3A = arith.constant -2147483648 : i32
        %or3A_57 = vector.broadcast %or3A : i32 to vector<16xi32>
        %or3A_58 = arith.ori %shift_right_arithmetic3A_56, %or3A_57 : vector<16xi32>
        %xor3A = arith.xori %get3A_54, %or3A_58 : vector<16xi32>
        %shift_right_logical3A = arith.constant 8 : i32
        %shift_right_logical3A_59 = vector.broadcast %shift_right_logical3A : i32 to vector<16xi32>
        %shift_right_logical3A_60 = arith.shrui %xor3A, %shift_right_logical3A_59 : vector<16xi32>
        %and3A = arith.constant 4095 : i32
        %and3A_61 = vector.broadcast %and3A : i32 to vector<16xi32>
        %and3A_62 = arith.andi %shift_right_logical3A_60, %and3A_61 : vector<16xi32>
        %add3A_63 = arith.addi %mul3A_3, %and3A_62 : vector<16xi32>
        %shift_right_logical3A_64 = arith.constant 20 : i32
        %shift_right_logical3A_65 = vector.broadcast %shift_right_logical3A_64 : i32 to vector<16xi32>
        %shift_right_logical3A_66 = arith.shrui %xor3A, %shift_right_logical3A_65 : vector<16xi32>
        %eq3A = arith.cmpi eq, %shift_right_logical3A_66, %get3A_30 : vector<16xi32>
        tpu.vector_store_idx %arg7[%add3A_63], %broadcast_in_dim3A_6 masked %eq3A {add = true} : memref<65536xi32, #tpu.memory_space<vmem>>[vector<16xi32>], vector<16xi32>, vector<16xi1>
      }
      %scan3A_49 = arith.constant 1024 : i32
    }
    %scan3A_38 = arith.constant 32 : i32
    %run_scoped3A_39 = arith.constant 1 : i32
    "tpu.region"() ({
      %run_scoped3A_40 = tpu.sem_alloc : memref<!tpu.dma_semaphore, #tpu.memory_space<semaphore_mem>>
      %dma_start3A = arith.constant 0 : i32
      %dma_start3A_41 = tpu.memref_slice %arg5[%run_scoped3A_39, %add3A, %dma_start3A] : memref<2x32x65536xi32, #tpu.memory_space<hbm>> -> memref<1x1x65536xi32, #tpu.memory_space<hbm>>
      %dma_start3A_42 = tpu.memref_squeeze %dma_start3A_41 : memref<1x1x65536xi32, #tpu.memory_space<hbm>> -> memref<65536xi32, #tpu.memory_space<hbm>>
      %dma_start3A_43 = arith.constant 0 : i32
      %dma_start3A_44 = tpu.memref_slice %arg5[%run_scoped3A_39, %add3A, %dma_start3A_43] : memref<2x32x65536xi32, #tpu.memory_space<hbm>> -> memref<1x1x65536xi32, #tpu.memory_space<hbm>>
      %dma_start3A_45 = tpu.memref_squeeze %dma_start3A_44 : memref<1x1x65536xi32, #tpu.memory_space<hbm>> -> memref<65536xi32, #tpu.memory_space<hbm>>
      tpu.enqueue_dma source(%arg7 : memref<65536xi32, #tpu.memory_space<vmem>>) target(%dma_start3A_45 : memref<65536xi32, #tpu.memory_space<hbm>>) target_semaphore(%run_scoped3A_40 : memref<!tpu.dma_semaphore, #tpu.memory_space<semaphore_mem>>)
      %dma_wait3A = arith.constant 0 : i32
      %dma_wait3A_46 = tpu.memref_slice %arg5[%run_scoped3A_39, %add3A, %dma_wait3A] : memref<2x32x65536xi32, #tpu.memory_space<hbm>> -> memref<1x1x65536xi32, #tpu.memory_space<hbm>>
      %dma_wait3A_47 = tpu.memref_squeeze %dma_wait3A_46 : memref<1x1x65536xi32, #tpu.memory_space<hbm>> -> memref<65536xi32, #tpu.memory_space<hbm>>
      %dma_wait3A_48 = arith.constant 0 : i32
      %dma_wait3A_49 = tpu.memref_slice %arg5[%run_scoped3A_39, %add3A, %dma_wait3A_48] : memref<2x32x65536xi32, #tpu.memory_space<hbm>> -> memref<1x1x65536xi32, #tpu.memory_space<hbm>>
      %dma_wait3A_50 = tpu.memref_squeeze %dma_wait3A_49 : memref<1x1x65536xi32, #tpu.memory_space<hbm>> -> memref<65536xi32, #tpu.memory_space<hbm>>
      tpu.wait_dma2 semaphore(%run_scoped3A_40 : memref<!tpu.dma_semaphore, #tpu.memory_space<semaphore_mem>>) src(%arg7 : memref<65536xi32, #tpu.memory_space<vmem>>) dst(%dma_wait3A_50 : memref<65536xi32, #tpu.memory_space<hbm>>)
      tpu.yield
    }) : () -> ()
    return
  }
}

module attributes {stable_mosaic.version = 14 : i64} {
  func.func @_prod_body(%arg0: i32, %arg1: i32, %arg2: memref<1x256x2048xf32, #tpu.memory_space<vmem>>, %arg3: memref<1x256x2048xf32, #tpu.memory_space<vmem>>, %arg4: memref<1x256x16xf32, #tpu.memory_space<vmem>>, %arg5: memref<16x2048xf32, #tpu.memory_space<vmem>>, %arg6: memref<1x256x2048xf32, #tpu.memory_space<vmem>>, %arg7: memref<1x256x2048xi32, #tpu.memory_space<vmem>>) attributes {dimension_semantics = [#tpu.dimension_semantics<arbitrary>, #tpu.dimension_semantics<arbitrary>], iteration_bounds = array<i64: 4, 8>, scalar_prefetch = 0 : i64, scratch_operands = 0 : i64, tpu.core_type = #tpu.core_type<tc>, window_params = [{transform_indices = @transform_0, window_bounds = array<i64: 1, 256, 2048>}, {transform_indices = @transform_1, window_bounds = array<i64: 1, 256, 2048>}, {transform_indices = @transform_2, window_bounds = array<i64: 1, 256, 16>}, {pipeline_mode = #tpu.pipeline_mode<synchronous>, transform_indices = @transform_3, window_bounds = array<i64: 16, 2048>}, {transform_indices = @transform_4, window_bounds = array<i64: 1, 256, 2048>}, {transform_indices = @transform_5, window_bounds = array<i64: 1, 256, 2048>}]} {
    %get3A = arith.constant 0 : index
    %get3A_0 = arith.constant 0 : index
    %get3A_1 = arith.constant 0 : index
    %get3A_2 = vector.load %arg2[%get3A, %get3A_0, %get3A_1] : memref<1x256x2048xf32, #tpu.memory_space<vmem>>, vector<1x256x2048xf32>
    %get3A_3 = arith.constant 0 : index
    %get3A_4 = arith.constant 0 : index
    %get3A_5 = arith.constant 0 : index
    %get3A_6 = vector.load %arg3[%get3A_3, %get3A_4, %get3A_5] : memref<1x256x2048xf32, #tpu.memory_space<vmem>>, vector<1x256x2048xf32>
    %mul3A = arith.mulf %get3A_2, %get3A_6 : vector<1x256x2048xf32>
    %swap3A = arith.constant 0 : index
    %swap3A_7 = arith.constant 0 : index
    %swap3A_8 = arith.constant 0 : index
    %swap3A_9 = vector.load %arg6[%swap3A, %swap3A_7, %swap3A_8] : memref<1x256x2048xf32, #tpu.memory_space<vmem>>, vector<1x256x2048xf32>
    tpu.vector_store %arg6[%swap3A, %swap3A_7, %swap3A_8], %mul3A {strides = array<i32>} : memref<1x256x2048xf32, #tpu.memory_space<vmem>>, vector<1x256x2048xf32>,
    %get3A_10 = arith.constant 0 : index
    %get3A_11 = arith.constant 0 : index
    %get3A_12 = arith.constant 0 : index
    %get3A_13 = vector.load %arg4[%get3A_10, %get3A_11, %get3A_12] : memref<1x256x16xf32, #tpu.memory_space<vmem>>, vector<1x256x16xf32>
    %get3A_14 = vector.shape_cast %get3A_13 : vector<1x256x16xf32> to vector<256x16xf32>
    %get3A_15 = arith.constant 0 : index
    %get3A_16 = arith.constant 0 : index
    %get3A_17 = vector.load %arg5[%get3A_15, %get3A_16] : memref<16x2048xf32, #tpu.memory_space<vmem>>, vector<16x2048xf32>
    %dot_general3A = arith.constant dense<0.000000e+00> : vector<256x2048xf32>
    %dot_general3A_18 = tpu.matmul %get3A_14, %get3A_17, %dot_general3A {dimension_numbers = #tpu.dot_dimension_numbers<[1], [0], [0], [1], [0, 0, 1, 1], [], []>, transpose_lhs_hint = false} : vector<256x16xf32>, vector<16x2048xf32>, vector<256x2048xf32> -> vector<256x2048xf32>
    %broadcast_in_dim3A = vector.shape_cast %dot_general3A_18 : vector<256x2048xf32> to vector<1x256x2048xf32>
    %sub3A = arith.subf %get3A_6, %broadcast_in_dim3A : vector<1x256x2048xf32>
    %bitcast_convert_type3A = tpu.bitcast %sub3A : vector<1x256x2048xf32> -> vector<1x256x2048xi32>
    %swap3A_19 = arith.constant 0 : index
    %swap3A_20 = arith.constant 0 : index
    %swap3A_21 = arith.constant 0 : index
    %swap3A_22 = vector.load %arg7[%swap3A_19, %swap3A_20, %swap3A_21] : memref<1x256x2048xi32, #tpu.memory_space<vmem>>, vector<1x256x2048xi32>
    tpu.vector_store %arg7[%swap3A_19, %swap3A_20, %swap3A_21], %bitcast_convert_type3A {strides = array<i32>} : memref<1x256x2048xi32, #tpu.memory_space<vmem>>, vector<1x256x2048xi32>,
    return
  }
  func.func @transform_0(%arg0: i32, %arg1: i32) -> (i32, i32, i32) {
    %c0_i32 = arith.constant 0 : i32
    %c0_i32_0 = arith.constant 0 : i32
    return %arg0, %arg1, %c0_i32 : i32, i32, i32
  }
  func.func @transform_1(%arg0: i32, %arg1: i32) -> (i32, i32, i32) {
    %c0_i32 = arith.constant 0 : i32
    %c0_i32_0 = arith.constant 0 : i32
    return %arg0, %arg1, %c0_i32 : i32, i32, i32
  }
  func.func @transform_2(%arg0: i32, %arg1: i32) -> (i32, i32, i32) {
    %c0_i32 = arith.constant 0 : i32
    %c0_i32_0 = arith.constant 0 : i32
    return %arg0, %arg1, %c0_i32 : i32, i32, i32
  }
  func.func @transform_3(%arg0: i32, %arg1: i32) -> (i32, i32) {
    %c0_i32 = arith.constant 0 : i32
    %c0_i32_0 = arith.constant 0 : i32
    %c0_i32_1 = arith.constant 0 : i32
    return %c0_i32, %c0_i32_0 : i32, i32
  }
  func.func @transform_4(%arg0: i32, %arg1: i32) -> (i32, i32, i32) {
    %c0_i32 = arith.constant 0 : i32
    %c0_i32_0 = arith.constant 0 : i32
    return %arg0, %arg1, %c0_i32 : i32, i32, i32
  }
  func.func @transform_5(%arg0: i32, %arg1: i32) -> (i32, i32, i32) {
    %c0_i32 = arith.constant 0 : i32
    %c0_i32_0 = arith.constant 0 : i32
    return %arg0, %arg1, %c0_i32 : i32, i32, i32
  }
}

module attributes {stable_mosaic.version = 14 : i64} {
  func.func @_find_body(%arg0: memref<2x32x512x128xi32, #tpu.memory_space<vmem>>, %arg1: memref<2x16xi32, #tpu.memory_space<vmem>>, %arg2: memref<2x16xi32, #tpu.memory_space<vmem>>, %arg3: memref<2x16xi32, #tpu.memory_space<vmem>>, %arg4: memref<2x16xi32, #tpu.memory_space<vmem>>, %arg5: memref<2x16xi32, #tpu.memory_space<vmem>>, %arg6: memref<2x16xf32, #tpu.memory_space<vmem>>) attributes {dimension_semantics = [], scalar_prefetch = 0 : i64, scratch_operands = 0 : i64, tpu.core_type = #tpu.core_type<tc>} {
    %get3A = arith.constant 0 : index
    %get3A_0 = arith.constant 0 : index
    %get3A_1 = arith.constant 0 : index
    %get3A_2 = arith.constant 0 : index
    %get3A_3 = vector.load %arg0[%get3A, %get3A_0, %get3A_1, %get3A_2] : memref<2x32x512x128xi32, #tpu.memory_space<vmem>>, vector<2x32x512x128xi32>
    %convert_element_type3A = arith.sitofp %get3A_3 : vector<2x32x512x128xi32> to vector<2x32x512x128xf32>
    %reshape3A = vector.shape_cast %convert_element_type3A : vector<2x32x512x128xf32> to vector<2x512x32x128xf32>
    %reduce_sum3A = arith.constant dense<0.000000e+00> : vector<2x32x128xf32>
    %reduce_sum3A_4 = vector.multi_reduction <add>, %reshape3A, %reduce_sum3A [1] : vector<2x512x32x128xf32> to vector<2x32x128xf32>
    %iota3A = tpu.iota {dimensions = array<i32: 0>} : vector<128x128xi32>
    %iota3A_5 = tpu.iota {dimensions = array<i32: 1>} : vector<128x128xi32>
    %le3A = arith.cmpi sle, %iota3A, %iota3A_5 : vector<128x128xi32>
    %convert_element_type3A_6 = arith.extui %le3A : vector<128x128xi1> to vector<128x128xi32>
    %convert_element_type3A_7 = arith.sitofp %convert_element_type3A_6 : vector<128x128xi32> to vector<128x128xf32>
    %iota3A_8 = tpu.iota {dimensions = array<i32: 0>} : vector<32x32xi32>
    %iota3A_9 = tpu.iota {dimensions = array<i32: 1>} : vector<32x32xi32>
    %lt3A = arith.cmpi slt, %iota3A_9, %iota3A_8 : vector<32x32xi32>
    %convert_element_type3A_10 = arith.extui %lt3A : vector<32x32xi1> to vector<32x32xi32>
    %convert_element_type3A_11 = arith.sitofp %convert_element_type3A_10 : vector<32x32xi32> to vector<32x32xf32>
    %iota3A_12 = tpu.iota {dimensions = array<i32: 0>} : vector<32x128xi32>
    %mul3A = arith.constant 128 : i32
    %mul3A_13 = vector.broadcast %mul3A : i32 to vector<32x128xi32>
    %mul3A_14 = arith.muli %iota3A_12, %mul3A_13 : vector<32x128xi32>
    %iota3A_15 = tpu.iota {dimensions = array<i32: 1>} : vector<32x128xi32>
    %add3A = arith.addi %mul3A_14, %iota3A_15 : vector<32x128xi32>
    %slice3A = vector.extract_strided_slice %reduce_sum3A_4 {offsets = [0, 0, 0], sizes = [1, 32, 128], strides = [1, 1, 1]} : vector<2x32x128xf32> to vector<1x32x128xf32>
    %squeeze3A = vector.shape_cast %slice3A : vector<1x32x128xf32> to vector<32x128xf32>
    %dot_general3A = arith.constant dense<0.000000e+00> : vector<32x128xf32>
    %dot_general3A_16 = tpu.matmul %squeeze3A, %convert_element_type3A_7, %dot_general3A {dimension_numbers = #tpu.dot_dimension_numbers<[1], [0], [0], [1], [0, 0, 1, 1], [], []>, transpose_lhs_hint = false} : vector<32x128xf32>, vector<128x128xf32>, vector<32x128xf32> -> vector<32x128xf32>
    %slice3A_17 = vector.extract_strided_slice %dot_general3A_16 {offsets = [0, 127], sizes = [32, 1], strides = [1, 1]} : vector<32x128xf32> to vector<32x1xf32>
    %dot_general3A_18 = arith.constant dense<0.000000e+00> : vector<32x1xf32>
    %dot_general3A_19 = tpu.matmul %convert_element_type3A_11, %slice3A_17, %dot_general3A_18 {dimension_numbers = #tpu.dot_dimension_numbers<[1], [0], [0], [1], [0, 0, 1, 1], [], []>, transpose_lhs_hint = false} : vector<32x32xf32>, vector<32x1xf32>, vector<32x1xf32> -> vector<32x1xf32>
    %add3A_20 = vector.broadcast %dot_general3A_19 : vector<32x1xf32> to vector<32x128xf32>
    %add3A_21 = arith.addf %dot_general3A_16, %add3A_20 : vector<32x128xf32>
    %get3A_22 = arith.constant 0 : index
    %get3A_23 = arith.constant 0 : index
    %get3A_24 = vector.load %arg1[%get3A_22, %get3A_23] : memref<2x16xi32, #tpu.memory_space<vmem>>, vector<1x1xi32>
    %convert_element_type3A_25 = arith.sitofp %get3A_24 : vector<1x1xi32> to vector<1x1xf32>
    %broadcast_in_dim3A = vector.shape_cast %convert_element_type3A_25 : vector<1x1xf32> to vector<1x1xf32>
    %broadcast_in_dim3A_26 = vector.broadcast %broadcast_in_dim3A : vector<1x1xf32> to vector<32x128xf32>
    %ge3A = arith.cmpf oge, %add3A_21, %broadcast_in_dim3A_26 : vector<32x128xf32>
    %jit3A = arith.constant 1073741824 : i32
    %broadcast_in_dim3A_27 = vector.broadcast %jit3A : i32 to vector<32x128xi32>
    %select_n3A = arith.select %ge3A, %add3A, %broadcast_in_dim3A_27 : vector<32x128xi1>, vector<32x128xi32>
    %reduce_min3A = vector.shape_cast %select_n3A : vector<32x128xi32> to vector<1x32x128xi32>
    %reduce_min3A_28 = arith.constant dense<2147483647> : vector<1xi32>
    %reduce_min3A_29 = vector.multi_reduction <minsi>, %reduce_min3A, %reduce_min3A_28 [1, 2] : vector<1x32x128xi32> to vector<1xi32>
    %reduce_min3A_30 = vector.shape_cast %reduce_min3A_29 : vector<1xi32> to vector<1x1x1xi32>
    %reduce_min3A_31 = vector.extract %reduce_min3A_30[0, 0, 0] : i32 from vector<1x1x1xi32>
    %broadcast_in_dim3A_32 = vector.broadcast %reduce_min3A_31 : i32 to vector<1x1xi32>
    %broadcast_in_dim3A_33 = vector.shape_cast %broadcast_in_dim3A_32 : vector<1x1xi32> to vector<1x1xi32>
    %broadcast_in_dim3A_34 = vector.broadcast %broadcast_in_dim3A_33 : vector<1x1xi32> to vector<32x128xi32>
    %eq3A = arith.cmpi eq, %add3A, %broadcast_in_dim3A_34 : vector<32x128xi32>
    %jit3A_35 = arith.constant 0.000000e+00 : f32
    %broadcast_in_dim3A_36 = vector.broadcast %jit3A_35 : f32 to vector<32x128xf32>
    %select_n3A_37 = arith.select %eq3A, %add3A_21, %broadcast_in_dim3A_36 : vector<32x128xi1>, vector<32x128xf32>
    %reduce_sum3A_38 = vector.shape_cast %select_n3A_37 : vector<32x128xf32> to vector<1x32x128xf32>
    %reduce_sum3A_39 = arith.constant dense<0.000000e+00> : vector<1xf32>
    %reduce_sum3A_40 = vector.multi_reduction <add>, %reduce_sum3A_38, %reduce_sum3A_39 [1, 2] : vector<1x32x128xf32> to vector<1xf32>
    %reduce_sum3A_41 = vector.shape_cast %reduce_sum3A_40 : vector<1xf32> to vector<1x1x1xf32>
    %reduce_sum3A_42 = vector.extract %reduce_sum3A_41[0, 0, 0] : f32 from vector<1x1x1xf32>
    %broadcast_in_dim3A_43 = vector.broadcast %reduce_sum3A_42 : f32 to vector<1x1xf32>
    %jit3A_44 = arith.constant 0.000000e+00 : f32
    %broadcast_in_dim3A_45 = vector.broadcast %jit3A_44 : f32 to vector<32x128xf32>
    %select_n3A_46 = arith.select %eq3A, %squeeze3A, %broadcast_in_dim3A_45 : vector<32x128xi1>, vector<32x128xf32>
    %reduce_sum3A_47 = vector.shape_cast %select_n3A_46 : vector<32x128xf32> to vector<1x32x128xf32>
    %reduce_sum3A_48 = arith.constant dense<0.000000e+00> : vector<1xf32>
    %reduce_sum3A_49 = vector.multi_reduction <add>, %reduce_sum3A_47, %reduce_sum3A_48 [1, 2] : vector<1x32x128xf32> to vector<1xf32>
    %reduce_sum3A_50 = vector.shape_cast %reduce_sum3A_49 : vector<1xf32> to vector<1x1x1xf32>
    %reduce_sum3A_51 = vector.extract %reduce_sum3A_50[0, 0, 0] : f32 from vector<1x1x1xf32>
    %broadcast_in_dim3A_52 = vector.broadcast %reduce_sum3A_51 : f32 to vector<1x1xf32>
    %sub3A = arith.subf %broadcast_in_dim3A_43, %broadcast_in_dim3A_52 : vector<1x1xf32>
    %convert_element_type3A_53 = arith.fptosi %sub3A : vector<1x1xf32> to vector<1x1xi32>
    %get3A_54 = arith.constant 0 : index
    %get3A_55 = arith.constant 0 : index
    %get3A_56 = vector.load %arg1[%get3A_54, %get3A_55] : memref<2x16xi32, #tpu.memory_space<vmem>>, vector<1x16xi32>
    %broadcast_in_dim3A_57 = vector.shape_cast %convert_element_type3A_53 : vector<1x1xi32> to vector<1x1xi32>
    %broadcast_in_dim3A_58 = vector.broadcast %broadcast_in_dim3A_57 : vector<1x1xi32> to vector<1x16xi32>
    %sub3A_59 = arith.subi %get3A_56, %broadcast_in_dim3A_58 : vector<1x16xi32>
    %swap3A = arith.constant 0 : index
    %swap3A_60 = arith.constant 0 : index
    %swap3A_61 = vector.load %arg5[%swap3A, %swap3A_60] : memref<2x16xi32, #tpu.memory_space<vmem>>, vector<1x16xi32>
    tpu.vector_store %arg5[%swap3A, %swap3A_60], %sub3A_59 {strides = array<i32>} : memref<2x16xi32, #tpu.memory_space<vmem>>, vector<1x16xi32>,
    %get3A_62 = arith.constant 0 : index
    %get3A_63 = arith.constant 0 : index
    %get3A_64 = vector.load %arg2[%get3A_62, %get3A_63] : memref<2x16xi32, #tpu.memory_space<vmem>>, vector<1x16xi32>
    %broadcast_in_dim3A_65 = vector.shape_cast %broadcast_in_dim3A_32 : vector<1x1xi32> to vector<1x1xi32>
    %broadcast_in_dim3A_66 = vector.broadcast %broadcast_in_dim3A_65 : vector<1x1xi32> to vector<1x16xi32>
    %shift_left3A = arith.constant 20 : i32
    %shift_left3A_67 = vector.broadcast %shift_left3A : i32 to vector<1x16xi32>
    %shift_left3A_68 = arith.shli %broadcast_in_dim3A_66, %shift_left3A_67 : vector<1x16xi32>
    %or3A = arith.ori %get3A_64, %shift_left3A_68 : vector<1x16xi32>
    %swap3A_69 = arith.constant 0 : index
    %swap3A_70 = arith.constant 0 : index
    %swap3A_71 = vector.load %arg3[%swap3A_69, %swap3A_70] : memref<2x16xi32, #tpu.memory_space<vmem>>, vector<1x16xi32>
    tpu.vector_store %arg3[%swap3A_69, %swap3A_70], %or3A {strides = array<i32>} : memref<2x16xi32, #tpu.memory_space<vmem>>, vector<1x16xi32>,
    %shift_right_logical3A = arith.constant 20 : i32
    %shift_right_logical3A_72 = vector.broadcast %shift_right_logical3A : i32 to vector<1x16xi32>
    %shift_right_logical3A_73 = arith.shrui %or3A, %shift_right_logical3A_72 : vector<1x16xi32>
    %swap3A_74 = arith.constant 0 : index
    %swap3A_75 = arith.constant 0 : index
    %swap3A_76 = vector.load %arg4[%swap3A_74, %swap3A_75] : memref<2x16xi32, #tpu.memory_space<vmem>>, vector<1x16xi32>
    tpu.vector_store %arg4[%swap3A_74, %swap3A_75], %shift_right_logical3A_73 {strides = array<i32>} : memref<2x16xi32, #tpu.memory_space<vmem>>, vector<1x16xi32>,
    %shift_right_logical3A_77 = arith.constant 31 : i32
    %shift_right_logical3A_78 = vector.broadcast %shift_right_logical3A_77 : i32 to vector<1x16xi32>
    %shift_right_logical3A_79 = arith.shrui %or3A, %shift_right_logical3A_78 : vector<1x16xi32>
    %sub3A_80 = arith.constant 1 : i32
    %sub3A_81 = vector.broadcast %sub3A_80 : i32 to vector<1x16xi32>
    %sub3A_82 = arith.subi %shift_right_logical3A_79, %sub3A_81 : vector<1x16xi32>
    %or3A_83 = arith.constant -2147483648 : i32
    %or3A_84 = vector.broadcast %or3A_83 : i32 to vector<1x16xi32>
    %or3A_85 = arith.ori %sub3A_82, %or3A_84 : vector<1x16xi32>
    %xor3A = arith.xori %or3A, %or3A_85 : vector<1x16xi32>
    %bitcast_convert_type3A = tpu.bitcast %xor3A : vector<1x16xi32> -> vector<1x16xf32>
    %swap3A_86 = arith.constant 0 : index
    %swap3A_87 = arith.constant 0 : index
    %swap3A_88 = vector.load %arg6[%swap3A_86, %swap3A_87] : memref<2x16xf32, #tpu.memory_space<vmem>>, vector<1x16xf32>
    tpu.vector_store %arg6[%swap3A_86, %swap3A_87], %bitcast_convert_type3A {strides = array<i32>} : memref<2x16xf32, #tpu.memory_space<vmem>>, vector<1x16xf32>,
    %slice3A_89 = vector.extract_strided_slice %reduce_sum3A_4 {offsets = [1, 0, 0], sizes = [1, 32, 128], strides = [1, 1, 1]} : vector<2x32x128xf32> to vector<1x32x128xf32>
    %squeeze3A_90 = vector.shape_cast %slice3A_89 : vector<1x32x128xf32> to vector<32x128xf32>
    %dot_general3A_91 = arith.constant dense<0.000000e+00> : vector<32x128xf32>
    %dot_general3A_92 = tpu.matmul %squeeze3A_90, %convert_element_type3A_7, %dot_general3A_91 {dimension_numbers = #tpu.dot_dimension_numbers<[1], [0], [0], [1], [0, 0, 1, 1], [], []>, transpose_lhs_hint = false} : vector<32x128xf32>, vector<128x128xf32>, vector<32x128xf32> -> vector<32x128xf32>
    %slice3A_93 = vector.extract_strided_slice %dot_general3A_92 {offsets = [0, 127], sizes = [32, 1], strides = [1, 1]} : vector<32x128xf32> to vector<32x1xf32>
    %dot_general3A_94 = arith.constant dense<0.000000e+00> : vector<32x1xf32>
    %dot_general3A_95 = tpu.matmul %convert_element_type3A_11, %slice3A_93, %dot_general3A_94 {dimension_numbers = #tpu.dot_dimension_numbers<[1], [0], [0], [1], [0, 0, 1, 1], [], []>, transpose_lhs_hint = false} : vector<32x32xf32>, vector<32x1xf32>, vector<32x1xf32> -> vector<32x1xf32>
    %add3A_96 = vector.broadcast %dot_general3A_95 : vector<32x1xf32> to vector<32x128xf32>
    %add3A_97 = arith.addf %dot_general3A_92, %add3A_96 : vector<32x128xf32>
    %get3A_98 = arith.constant 1 : index
    %get3A_99 = arith.constant 0 : index
    %get3A_100 = vector.load %arg1[%get3A_98, %get3A_99] : memref<2x16xi32, #tpu.memory_space<vmem>>, vector<1x1xi32>
    %convert_element_type3A_101 = arith.sitofp %get3A_100 : vector<1x1xi32> to vector<1x1xf32>
    %broadcast_in_dim3A_102 = vector.shape_cast %convert_element_type3A_101 : vector<1x1xf32> to vector<1x1xf32>
    %broadcast_in_dim3A_103 = vector.broadcast %broadcast_in_dim3A_102 : vector<1x1xf32> to vector<32x128xf32>
    %ge3A_104 = arith.cmpf oge, %add3A_97, %broadcast_in_dim3A_103 : vector<32x128xf32>
    %jit3A_105 = arith.constant 1073741824 : i32
    %broadcast_in_dim3A_106 = vector.broadcast %jit3A_105 : i32 to vector<32x128xi32>
    %select_n3A_107 = arith.select %ge3A_104, %add3A, %broadcast_in_dim3A_106 : vector<32x128xi1>, vector<32x128xi32>
    %reduce_min3A_108 = vector.shape_cast %select_n3A_107 : vector<32x128xi32> to vector<1x32x128xi32>
    %reduce_min3A_109 = arith.constant dense<2147483647> : vector<1xi32>
    %reduce_min3A_110 = vector.multi_reduction <minsi>, %reduce_min3A_108, %reduce_min3A_109 [1, 2] : vector<1x32x128xi32> to vector<1xi32>
    %reduce_min3A_111 = vector.shape_cast %reduce_min3A_110 : vector<1xi32> to vector<1x1x1xi32>
    %reduce_min3A_112 = vector.extract %reduce_min3A_111[0, 0, 0] : i32 from vector<1x1x1xi32>
    %broadcast_in_dim3A_113 = vector.broadcast %reduce_min3A_112 : i32 to vector<1x1xi32>
    %broadcast_in_dim3A_114 = vector.shape_cast %broadcast_in_dim3A_113 : vector<1x1xi32> to vector<1x1xi32>
    %broadcast_in_dim3A_115 = vector.broadcast %broadcast_in_dim3A_114 : vector<1x1xi32> to vector<32x128xi32>
    %eq3A_116 = arith.cmpi eq, %add3A, %broadcast_in_dim3A_115 : vector<32x128xi32>
    %jit3A_117 = arith.constant 0.000000e+00 : f32
    %broadcast_in_dim3A_118 = vector.broadcast %jit3A_117 : f32 to vector<32x128xf32>
    %select_n3A_119 = arith.select %eq3A_116, %add3A_97, %broadcast_in_dim3A_118 : vector<32x128xi1>, vector<32x128xf32>
    %reduce_sum3A_120 = vector.shape_cast %select_n3A_119 : vector<32x128xf32> to vector<1x32x128xf32>
    %reduce_sum3A_121 = arith.constant dense<0.000000e+00> : vector<1xf32>
    %reduce_sum3A_122 = vector.multi_reduction <add>, %reduce_sum3A_120, %reduce_sum3A_121 [1, 2] : vector<1x32x128xf32> to vector<1xf32>
    %reduce_sum3A_123 = vector.shape_cast %reduce_sum3A_122 : vector<1xf32> to vector<1x1x1xf32>
    %reduce_sum3A_124 = vector.extract %reduce_sum3A_123[0, 0, 0] : f32 from vector<1x1x1xf32>
    %broadcast_in_dim3A_125 = vector.broadcast %reduce_sum3A_124 : f32 to vector<1x1xf32>
    %jit3A_126 = arith.constant 0.000000e+00 : f32
    %broadcast_in_dim3A_127 = vector.broadcast %jit3A_126 : f32 to vector<32x128xf32>
    %select_n3A_128 = arith.select %eq3A_116, %squeeze3A_90, %broadcast_in_dim3A_127 : vector<32x128xi1>, vector<32x128xf32>
    %reduce_sum3A_129 = vector.shape_cast %select_n3A_128 : vector<32x128xf32> to vector<1x32x128xf32>
    %reduce_sum3A_130 = arith.constant dense<0.000000e+00> : vector<1xf32>
    %reduce_sum3A_131 = vector.multi_reduction <add>, %reduce_sum3A_129, %reduce_sum3A_130 [1, 2] : vector<1x32x128xf32> to vector<1xf32>
    %reduce_sum3A_132 = vector.shape_cast %reduce_sum3A_131 : vector<1xf32> to vector<1x1x1xf32>
    %reduce_sum3A_133 = vector.extract %reduce_sum3A_132[0, 0, 0] : f32 from vector<1x1x1xf32>
    %broadcast_in_dim3A_134 = vector.broadcast %reduce_sum3A_133 : f32 to vector<1x1xf32>
    %sub3A_135 = arith.subf %broadcast_in_dim3A_125, %broadcast_in_dim3A_134 : vector<1x1xf32>
    %convert_element_type3A_136 = arith.fptosi %sub3A_135 : vector<1x1xf32> to vector<1x1xi32>
    %get3A_137 = arith.constant 1 : index
    %get3A_138 = arith.constant 0 : index
    %get3A_139 = vector.load %arg1[%get3A_137, %get3A_138] : memref<2x16xi32, #tpu.memory_space<vmem>>, vector<1x16xi32>
    %broadcast_in_dim3A_140 = vector.shape_cast %convert_element_type3A_136 : vector<1x1xi32> to vector<1x1xi32>
    %broadcast_in_dim3A_141 = vector.broadcast %broadcast_in_dim3A_140 : vector<1x1xi32> to vector<1x16xi32>
    %sub3A_142 = arith.subi %get3A_139, %broadcast_in_dim3A_141 : vector<1x16xi32>
    %swap3A_143 = arith.constant 1 : index
    %swap3A_144 = arith.constant 0 : index
    %swap3A_145 = vector.load %arg5[%swap3A_143, %swap3A_144] : memref<2x16xi32, #tpu.memory_space<vmem>>, vector<1x16xi32>
    tpu.vector_store %arg5[%swap3A_143, %swap3A_144], %sub3A_142 {strides = array<i32>} : memref<2x16xi32, #tpu.memory_space<vmem>>, vector<1x16xi32>,
    %get3A_146 = arith.constant 1 : index
    %get3A_147 = arith.constant 0 : index
    %get3A_148 = vector.load %arg2[%get3A_146, %get3A_147] : memref<2x16xi32, #tpu.memory_space<vmem>>, vector<1x16xi32>
    %broadcast_in_dim3A_149 = vector.shape_cast %broadcast_in_dim3A_113 : vector<1x1xi32> to vector<1x1xi32>
    %broadcast_in_dim3A_150 = vector.broadcast %broadcast_in_dim3A_149 : vector<1x1xi32> to vector<1x16xi32>
    %shift_left3A_151 = arith.constant 20 : i32
    %shift_left3A_152 = vector.broadcast %shift_left3A_151 : i32 to vector<1x16xi32>
    %shift_left3A_153 = arith.shli %broadcast_in_dim3A_150, %shift_left3A_152 : vector<1x16xi32>
    %or3A_154 = arith.ori %get3A_148, %shift_left3A_153 : vector<1x16xi32>
    %swap3A_155 = arith.constant 1 : index
    %swap3A_156 = arith.constant 0 : index
    %swap3A_157 = vector.load %arg3[%swap3A_155, %swap3A_156] : memref<2x16xi32, #tpu.memory_space<vmem>>, vector<1x16xi32>
    tpu.vector_store %arg3[%swap3A_155, %swap3A_156], %or3A_154 {strides = array<i32>} : memref<2x16xi32, #tpu.memory_space<vmem>>, vector<1x16xi32>,
    %shift_right_logical3A_158 = arith.constant 20 : i32
    %shift_right_logical3A_159 = vector.broadcast %shift_right_logical3A_158 : i32 to vector<1x16xi32>
    %shift_right_logical3A_160 = arith.shrui %or3A_154, %shift_right_logical3A_159 : vector<1x16xi32>
    %swap3A_161 = arith.constant 1 : index
    %swap3A_162 = arith.constant 0 : index
    %swap3A_163 = vector.load %arg4[%swap3A_161, %swap3A_162] : memref<2x16xi32, #tpu.memory_space<vmem>>, vector<1x16xi32>
    tpu.vector_store %arg4[%swap3A_161, %swap3A_162], %shift_right_logical3A_160 {strides = array<i32>} : memref<2x16xi32, #tpu.memory_space<vmem>>, vector<1x16xi32>,
    %shift_right_logical3A_164 = arith.constant 31 : i32
    %shift_right_logical3A_165 = vector.broadcast %shift_right_logical3A_164 : i32 to vector<1x16xi32>
    %shift_right_logical3A_166 = arith.shrui %or3A_154, %shift_right_logical3A_165 : vector<1x16xi32>
    %sub3A_167 = arith.constant 1 : i32
    %sub3A_168 = vector.broadcast %sub3A_167 : i32 to vector<1x16xi32>
    %sub3A_169 = arith.subi %shift_right_logical3A_166, %sub3A_168 : vector<1x16xi32>
    %or3A_170 = arith.constant -2147483648 : i32
    %or3A_171 = vector.broadcast %or3A_170 : i32 to vector<1x16xi32>
    %or3A_172 = arith.ori %sub3A_169, %or3A_171 : vector<1x16xi32>
    %xor3A_173 = arith.xori %or3A_154, %or3A_172 : vector<1x16xi32>
    %bitcast_convert_type3A_174 = tpu.bitcast %xor3A_173 : vector<1x16xi32> -> vector<1x16xf32>
    %swap3A_175 = arith.constant 1 : index
    %swap3A_176 = arith.constant 0 : index
    %swap3A_177 = vector.load %arg6[%swap3A_175, %swap3A_176] : memref<2x16xf32, #tpu.memory_space<vmem>>, vector<1x16xf32>
    tpu.vector_store %arg6[%swap3A_175, %swap3A_176], %bitcast_convert_type3A_174 {strides = array<i32>} : memref<2x16xf32, #tpu.memory_space<vmem>>, vector<1x16xf32>,
    return
  }
}

module attributes {stable_mosaic.version = 14 : i64} {
  func.func @_find_body(%arg0: memref<2x32x512x128xi32, #tpu.memory_space<vmem>>, %arg1: memref<2x16xi32, #tpu.memory_space<vmem>>, %arg2: memref<2x16xi32, #tpu.memory_space<vmem>>, %arg3: memref<2x16xi32, #tpu.memory_space<vmem>>, %arg4: memref<2x16xi32, #tpu.memory_space<vmem>>, %arg5: memref<2x16xi32, #tpu.memory_space<vmem>>, %arg6: memref<2x16xf32, #tpu.memory_space<vmem>>) attributes {dimension_semantics = [], scalar_prefetch = 0 : i64, scratch_operands = 0 : i64, tpu.core_type = #tpu.core_type<tc>} {
    %get3A = arith.constant 0 : index
    %get3A_0 = arith.constant 0 : index
    %get3A_1 = arith.constant 0 : index
    %get3A_2 = arith.constant 0 : index
    %get3A_3 = vector.load %arg0[%get3A, %get3A_0, %get3A_1, %get3A_2] : memref<2x32x512x128xi32, #tpu.memory_space<vmem>>, vector<2x32x512x128xi32>
    %convert_element_type3A = arith.sitofp %get3A_3 : vector<2x32x512x128xi32> to vector<2x32x512x128xf32>
    %reshape3A = vector.shape_cast %convert_element_type3A : vector<2x32x512x128xf32> to vector<2x512x32x128xf32>
    %reduce_sum3A = arith.constant dense<0.000000e+00> : vector<2x32x128xf32>
    %reduce_sum3A_4 = vector.multi_reduction <add>, %reshape3A, %reduce_sum3A [1] : vector<2x512x32x128xf32> to vector<2x32x128xf32>
    %iota3A = tpu.iota {dimensions = array<i32: 0>} : vector<128x128xi32>
    %iota3A_5 = tpu.iota {dimensions = array<i32: 1>} : vector<128x128xi32>
    %le3A = arith.cmpi sle, %iota3A, %iota3A_5 : vector<128x128xi32>
    %convert_element_type3A_6 = arith.extui %le3A : vector<128x128xi1> to vector<128x128xi32>
    %convert_element_type3A_7 = arith.sitofp %convert_element_type3A_6 : vector<128x128xi32> to vector<128x128xf32>
    %iota3A_8 = tpu.iota {dimensions = array<i32: 0>} : vector<32x32xi32>
    %iota3A_9 = tpu.iota {dimensions = array<i32: 1>} : vector<32x32xi32>
    %lt3A = arith.cmpi slt, %iota3A_9, %iota3A_8 : vector<32x32xi32>
    %convert_element_type3A_10 = arith.extui %lt3A : vector<32x32xi1> to vector<32x32xi32>
    %convert_element_type3A_11 = arith.sitofp %convert_element_type3A_10 : vector<32x32xi32> to vector<32x32xf32>
    %iota3A_12 = tpu.iota {dimensions = array<i32: 0>} : vector<32x128xi32>
    %mul3A = arith.constant 128 : i32
    %mul3A_13 = vector.broadcast %mul3A : i32 to vector<32x128xi32>
    %mul3A_14 = arith.muli %iota3A_12, %mul3A_13 : vector<32x128xi32>
    %iota3A_15 = tpu.iota {dimensions = array<i32: 1>} : vector<32x128xi32>
    %add3A = arith.addi %mul3A_14, %iota3A_15 : vector<32x128xi32>
    %slice3A = vector.extract_strided_slice %reduce_sum3A_4 {offsets = [0, 0, 0], sizes = [1, 32, 128], strides = [1, 1, 1]} : vector<2x32x128xf32> to vector<1x32x128xf32>
    %squeeze3A = vector.shape_cast %slice3A : vector<1x32x128xf32> to vector<32x128xf32>
    %dot_general3A = arith.constant dense<0.000000e+00> : vector<32x128xf32>
    %dot_general3A_16 = tpu.matmul %squeeze3A, %convert_element_type3A_7, %dot_general3A {dimension_numbers = #tpu.dot_dimension_numbers<[1], [0], [0], [1], [0, 0, 1, 1], [], []>, transpose_lhs_hint = false} : vector<32x128xf32>, vector<128x128xf32>, vector<32x128xf32> -> vector<32x128xf32>
    %slice3A_17 = vector.extract_strided_slice %dot_general3A_16 {offsets = [0, 127], sizes = [32, 1], strides = [1, 1]} : vector<32x128xf32> to vector<32x1xf32>
    %dot_general3A_18 = arith.constant dense<0.000000e+00> : vector<32x1xf32>
    %dot_general3A_19 = tpu.matmul %convert_element_type3A_11, %slice3A_17, %dot_general3A_18 {dimension_numbers = #tpu.dot_dimension_numbers<[1], [0], [0], [1], [0, 0, 1, 1], [], []>, transpose_lhs_hint = false} : vector<32x32xf32>, vector<32x1xf32>, vector<32x1xf32> -> vector<32x1xf32>
    %add3A_20 = vector.broadcast %dot_general3A_19 : vector<32x1xf32> to vector<32x128xf32>
    %add3A_21 = arith.addf %dot_general3A_16, %add3A_20 : vector<32x128xf32>
    %get3A_22 = arith.constant 0 : index
    %get3A_23 = arith.constant 0 : index
    %get3A_24 = vector.load %arg1[%get3A_22, %get3A_23] : memref<2x16xi32, #tpu.memory_space<vmem>>, vector<1x1xi32>
    %convert_element_type3A_25 = arith.sitofp %get3A_24 : vector<1x1xi32> to vector<1x1xf32>
    %broadcast_in_dim3A = vector.shape_cast %convert_element_type3A_25 : vector<1x1xf32> to vector<1x1xf32>
    %broadcast_in_dim3A_26 = vector.broadcast %broadcast_in_dim3A : vector<1x1xf32> to vector<32x128xf32>
    %ge3A = arith.cmpf oge, %add3A_21, %broadcast_in_dim3A_26 : vector<32x128xf32>
    %jit3A = arith.constant 1073741824 : i32
    %broadcast_in_dim3A_27 = vector.broadcast %jit3A : i32 to vector<32x128xi32>
    %select_n3A = arith.select %ge3A, %add3A, %broadcast_in_dim3A_27 : vector<32x128xi1>, vector<32x128xi32>
    %reduce_min3A = vector.shape_cast %select_n3A : vector<32x128xi32> to vector<1x32x128xi32>
    %reduce_min3A_28 = arith.constant dense<2147483647> : vector<1xi32>
    %reduce_min3A_29 = vector.multi_reduction <minsi>, %reduce_min3A, %reduce_min3A_28 [1, 2] : vector<1x32x128xi32> to vector<1xi32>
    %reduce_min3A_30 = vector.shape_cast %reduce_min3A_29 : vector<1xi32> to vector<1x1x1xi32>
    %reduce_min3A_31 = vector.extract %reduce_min3A_30[0, 0, 0] : i32 from vector<1x1x1xi32>
    %broadcast_in_dim3A_32 = vector.broadcast %reduce_min3A_31 : i32 to vector<1x1xi32>
    %broadcast_in_dim3A_33 = vector.shape_cast %broadcast_in_dim3A_32 : vector<1x1xi32> to vector<1x1xi32>
    %broadcast_in_dim3A_34 = vector.broadcast %broadcast_in_dim3A_33 : vector<1x1xi32> to vector<32x128xi32>
    %eq3A = arith.cmpi eq, %add3A, %broadcast_in_dim3A_34 : vector<32x128xi32>
    %jit3A_35 = arith.constant 0.000000e+00 : f32
    %broadcast_in_dim3A_36 = vector.broadcast %jit3A_35 : f32 to vector<32x128xf32>
    %select_n3A_37 = arith.select %eq3A, %add3A_21, %broadcast_in_dim3A_36 : vector<32x128xi1>, vector<32x128xf32>
    %reduce_sum3A_38 = vector.shape_cast %select_n3A_37 : vector<32x128xf32> to vector<1x32x128xf32>
    %reduce_sum3A_39 = arith.constant dense<0.000000e+00> : vector<1xf32>
    %reduce_sum3A_40 = vector.multi_reduction <add>, %reduce_sum3A_38, %reduce_sum3A_39 [1, 2] : vector<1x32x128xf32> to vector<1xf32>
    %reduce_sum3A_41 = vector.shape_cast %reduce_sum3A_40 : vector<1xf32> to vector<1x1x1xf32>
    %reduce_sum3A_42 = vector.extract %reduce_sum3A_41[0, 0, 0] : f32 from vector<1x1x1xf32>
    %broadcast_in_dim3A_43 = vector.broadcast %reduce_sum3A_42 : f32 to vector<1x1xf32>
    %jit3A_44 = arith.constant 0.000000e+00 : f32
    %broadcast_in_dim3A_45 = vector.broadcast %jit3A_44 : f32 to vector<32x128xf32>
    %select_n3A_46 = arith.select %eq3A, %squeeze3A, %broadcast_in_dim3A_45 : vector<32x128xi1>, vector<32x128xf32>
    %reduce_sum3A_47 = vector.shape_cast %select_n3A_46 : vector<32x128xf32> to vector<1x32x128xf32>
    %reduce_sum3A_48 = arith.constant dense<0.000000e+00> : vector<1xf32>
    %reduce_sum3A_49 = vector.multi_reduction <add>, %reduce_sum3A_47, %reduce_sum3A_48 [1, 2] : vector<1x32x128xf32> to vector<1xf32>
    %reduce_sum3A_50 = vector.shape_cast %reduce_sum3A_49 : vector<1xf32> to vector<1x1x1xf32>
    %reduce_sum3A_51 = vector.extract %reduce_sum3A_50[0, 0, 0] : f32 from vector<1x1x1xf32>
    %broadcast_in_dim3A_52 = vector.broadcast %reduce_sum3A_51 : f32 to vector<1x1xf32>
    %sub3A = arith.subf %broadcast_in_dim3A_43, %broadcast_in_dim3A_52 : vector<1x1xf32>
    %convert_element_type3A_53 = arith.fptosi %sub3A : vector<1x1xf32> to vector<1x1xi32>
    %get3A_54 = arith.constant 0 : index
    %get3A_55 = arith.constant 0 : index
    %get3A_56 = vector.load %arg1[%get3A_54, %get3A_55] : memref<2x16xi32, #tpu.memory_space<vmem>>, vector<1x16xi32>
    %broadcast_in_dim3A_57 = vector.shape_cast %convert_element_type3A_53 : vector<1x1xi32> to vector<1x1xi32>
    %broadcast_in_dim3A_58 = vector.broadcast %broadcast_in_dim3A_57 : vector<1x1xi32> to vector<1x16xi32>
    %sub3A_59 = arith.subi %get3A_56, %broadcast_in_dim3A_58 : vector<1x16xi32>
    %swap3A = arith.constant 0 : index
    %swap3A_60 = arith.constant 0 : index
    %swap3A_61 = vector.load %arg5[%swap3A, %swap3A_60] : memref<2x16xi32, #tpu.memory_space<vmem>>, vector<1x16xi32>
    tpu.vector_store %arg5[%swap3A, %swap3A_60], %sub3A_59 {strides = array<i32>} : memref<2x16xi32, #tpu.memory_space<vmem>>, vector<1x16xi32>,
    %get3A_62 = arith.constant 0 : index
    %get3A_63 = arith.constant 0 : index
    %get3A_64 = vector.load %arg2[%get3A_62, %get3A_63] : memref<2x16xi32, #tpu.memory_space<vmem>>, vector<1x16xi32>
    %broadcast_in_dim3A_65 = vector.shape_cast %broadcast_in_dim3A_32 : vector<1x1xi32> to vector<1x1xi32>
    %broadcast_in_dim3A_66 = vector.broadcast %broadcast_in_dim3A_65 : vector<1x1xi32> to vector<1x16xi32>
    %shift_left3A = arith.constant 8 : i32
    %shift_left3A_67 = vector.broadcast %shift_left3A : i32 to vector<1x16xi32>
    %shift_left3A_68 = arith.shli %broadcast_in_dim3A_66, %shift_left3A_67 : vector<1x16xi32>
    %or3A = arith.ori %get3A_64, %shift_left3A_68 : vector<1x16xi32>
    %swap3A_69 = arith.constant 0 : index
    %swap3A_70 = arith.constant 0 : index
    %swap3A_71 = vector.load %arg3[%swap3A_69, %swap3A_70] : memref<2x16xi32, #tpu.memory_space<vmem>>, vector<1x16xi32>
    tpu.vector_store %arg3[%swap3A_69, %swap3A_70], %or3A {strides = array<i32>} : memref<2x16xi32, #tpu.memory_space<vmem>>, vector<1x16xi32>,
    %shift_right_logical3A = arith.constant 8 : i32
    %shift_right_logical3A_72 = vector.broadcast %shift_right_logical3A : i32 to vector<1x16xi32>
    %shift_right_logical3A_73 = arith.shrui %or3A, %shift_right_logical3A_72 : vector<1x16xi32>
    %swap3A_74 = arith.constant 0 : index
    %swap3A_75 = arith.constant 0 : index
    %swap3A_76 = vector.load %arg4[%swap3A_74, %swap3A_75] : memref<2x16xi32, #tpu.memory_space<vmem>>, vector<1x16xi32>
    tpu.vector_store %arg4[%swap3A_74, %swap3A_75], %shift_right_logical3A_73 {strides = array<i32>} : memref<2x16xi32, #tpu.memory_space<vmem>>, vector<1x16xi32>,
    %shift_right_logical3A_77 = arith.constant 31 : i32
    %shift_right_logical3A_78 = vector.broadcast %shift_right_logical3A_77 : i32 to vector<1x16xi32>
    %shift_right_logical3A_79 = arith.shrui %or3A, %shift_right_logical3A_78 : vector<1x16xi32>
    %sub3A_80 = arith.constant 1 : i32
    %sub3A_81 = vector.broadcast %sub3A_80 : i32 to vector<1x16xi32>
    %sub3A_82 = arith.subi %shift_right_logical3A_79, %sub3A_81 : vector<1x16xi32>
    %or3A_83 = arith.constant -2147483648 : i32
    %or3A_84 = vector.broadcast %or3A_83 : i32 to vector<1x16xi32>
    %or3A_85 = arith.ori %sub3A_82, %or3A_84 : vector<1x16xi32>
    %xor3A = arith.xori %or3A, %or3A_85 : vector<1x16xi32>
    %bitcast_convert_type3A = tpu.bitcast %xor3A : vector<1x16xi32> -> vector<1x16xf32>
    %swap3A_86 = arith.constant 0 : index
    %swap3A_87 = arith.constant 0 : index
    %swap3A_88 = vector.load %arg6[%swap3A_86, %swap3A_87] : memref<2x16xf32, #tpu.memory_space<vmem>>, vector<1x16xf32>
    tpu.vector_store %arg6[%swap3A_86, %swap3A_87], %bitcast_convert_type3A {strides = array<i32>} : memref<2x16xf32, #tpu.memory_space<vmem>>, vector<1x16xf32>,
    %slice3A_89 = vector.extract_strided_slice %reduce_sum3A_4 {offsets = [1, 0, 0], sizes = [1, 32, 128], strides = [1, 1, 1]} : vector<2x32x128xf32> to vector<1x32x128xf32>
    %squeeze3A_90 = vector.shape_cast %slice3A_89 : vector<1x32x128xf32> to vector<32x128xf32>
    %dot_general3A_91 = arith.constant dense<0.000000e+00> : vector<32x128xf32>
    %dot_general3A_92 = tpu.matmul %squeeze3A_90, %convert_element_type3A_7, %dot_general3A_91 {dimension_numbers = #tpu.dot_dimension_numbers<[1], [0], [0], [1], [0, 0, 1, 1], [], []>, transpose_lhs_hint = false} : vector<32x128xf32>, vector<128x128xf32>, vector<32x128xf32> -> vector<32x128xf32>
    %slice3A_93 = vector.extract_strided_slice %dot_general3A_92 {offsets = [0, 127], sizes = [32, 1], strides = [1, 1]} : vector<32x128xf32> to vector<32x1xf32>
    %dot_general3A_94 = arith.constant dense<0.000000e+00> : vector<32x1xf32>
    %dot_general3A_95 = tpu.matmul %convert_element_type3A_11, %slice3A_93, %dot_general3A_94 {dimension_numbers = #tpu.dot_dimension_numbers<[1], [0], [0], [1], [0, 0, 1, 1], [], []>, transpose_lhs_hint = false} : vector<32x32xf32>, vector<32x1xf32>, vector<32x1xf32> -> vector<32x1xf32>
    %add3A_96 = vector.broadcast %dot_general3A_95 : vector<32x1xf32> to vector<32x128xf32>
    %add3A_97 = arith.addf %dot_general3A_92, %add3A_96 : vector<32x128xf32>
    %get3A_98 = arith.constant 1 : index
    %get3A_99 = arith.constant 0 : index
    %get3A_100 = vector.load %arg1[%get3A_98, %get3A_99] : memref<2x16xi32, #tpu.memory_space<vmem>>, vector<1x1xi32>
    %convert_element_type3A_101 = arith.sitofp %get3A_100 : vector<1x1xi32> to vector<1x1xf32>
    %broadcast_in_dim3A_102 = vector.shape_cast %convert_element_type3A_101 : vector<1x1xf32> to vector<1x1xf32>
    %broadcast_in_dim3A_103 = vector.broadcast %broadcast_in_dim3A_102 : vector<1x1xf32> to vector<32x128xf32>
    %ge3A_104 = arith.cmpf oge, %add3A_97, %broadcast_in_dim3A_103 : vector<32x128xf32>
    %jit3A_105 = arith.constant 1073741824 : i32
    %broadcast_in_dim3A_106 = vector.broadcast %jit3A_105 : i32 to vector<32x128xi32>
    %select_n3A_107 = arith.select %ge3A_104, %add3A, %broadcast_in_dim3A_106 : vector<32x128xi1>, vector<32x128xi32>
    %reduce_min3A_108 = vector.shape_cast %select_n3A_107 : vector<32x128xi32> to vector<1x32x128xi32>
    %reduce_min3A_109 = arith.constant dense<2147483647> : vector<1xi32>
    %reduce_min3A_110 = vector.multi_reduction <minsi>, %reduce_min3A_108, %reduce_min3A_109 [1, 2] : vector<1x32x128xi32> to vector<1xi32>
    %reduce_min3A_111 = vector.shape_cast %reduce_min3A_110 : vector<1xi32> to vector<1x1x1xi32>
    %reduce_min3A_112 = vector.extract %reduce_min3A_111[0, 0, 0] : i32 from vector<1x1x1xi32>
    %broadcast_in_dim3A_113 = vector.broadcast %reduce_min3A_112 : i32 to vector<1x1xi32>
    %broadcast_in_dim3A_114 = vector.shape_cast %broadcast_in_dim3A_113 : vector<1x1xi32> to vector<1x1xi32>
    %broadcast_in_dim3A_115 = vector.broadcast %broadcast_in_dim3A_114 : vector<1x1xi32> to vector<32x128xi32>
    %eq3A_116 = arith.cmpi eq, %add3A, %broadcast_in_dim3A_115 : vector<32x128xi32>
    %jit3A_117 = arith.constant 0.000000e+00 : f32
    %broadcast_in_dim3A_118 = vector.broadcast %jit3A_117 : f32 to vector<32x128xf32>
    %select_n3A_119 = arith.select %eq3A_116, %add3A_97, %broadcast_in_dim3A_118 : vector<32x128xi1>, vector<32x128xf32>
    %reduce_sum3A_120 = vector.shape_cast %select_n3A_119 : vector<32x128xf32> to vector<1x32x128xf32>
    %reduce_sum3A_121 = arith.constant dense<0.000000e+00> : vector<1xf32>
    %reduce_sum3A_122 = vector.multi_reduction <add>, %reduce_sum3A_120, %reduce_sum3A_121 [1, 2] : vector<1x32x128xf32> to vector<1xf32>
    %reduce_sum3A_123 = vector.shape_cast %reduce_sum3A_122 : vector<1xf32> to vector<1x1x1xf32>
    %reduce_sum3A_124 = vector.extract %reduce_sum3A_123[0, 0, 0] : f32 from vector<1x1x1xf32>
    %broadcast_in_dim3A_125 = vector.broadcast %reduce_sum3A_124 : f32 to vector<1x1xf32>
    %jit3A_126 = arith.constant 0.000000e+00 : f32
    %broadcast_in_dim3A_127 = vector.broadcast %jit3A_126 : f32 to vector<32x128xf32>
    %select_n3A_128 = arith.select %eq3A_116, %squeeze3A_90, %broadcast_in_dim3A_127 : vector<32x128xi1>, vector<32x128xf32>
    %reduce_sum3A_129 = vector.shape_cast %select_n3A_128 : vector<32x128xf32> to vector<1x32x128xf32>
    %reduce_sum3A_130 = arith.constant dense<0.000000e+00> : vector<1xf32>
    %reduce_sum3A_131 = vector.multi_reduction <add>, %reduce_sum3A_129, %reduce_sum3A_130 [1, 2] : vector<1x32x128xf32> to vector<1xf32>
    %reduce_sum3A_132 = vector.shape_cast %reduce_sum3A_131 : vector<1xf32> to vector<1x1x1xf32>
    %reduce_sum3A_133 = vector.extract %reduce_sum3A_132[0, 0, 0] : f32 from vector<1x1x1xf32>
    %broadcast_in_dim3A_134 = vector.broadcast %reduce_sum3A_133 : f32 to vector<1x1xf32>
    %sub3A_135 = arith.subf %broadcast_in_dim3A_125, %broadcast_in_dim3A_134 : vector<1x1xf32>
    %convert_element_type3A_136 = arith.fptosi %sub3A_135 : vector<1x1xf32> to vector<1x1xi32>
    %get3A_137 = arith.constant 1 : index
    %get3A_138 = arith.constant 0 : index
    %get3A_139 = vector.load %arg1[%get3A_137, %get3A_138] : memref<2x16xi32, #tpu.memory_space<vmem>>, vector<1x16xi32>
    %broadcast_in_dim3A_140 = vector.shape_cast %convert_element_type3A_136 : vector<1x1xi32> to vector<1x1xi32>
    %broadcast_in_dim3A_141 = vector.broadcast %broadcast_in_dim3A_140 : vector<1x1xi32> to vector<1x16xi32>
    %sub3A_142 = arith.subi %get3A_139, %broadcast_in_dim3A_141 : vector<1x16xi32>
    %swap3A_143 = arith.constant 1 : index
    %swap3A_144 = arith.constant 0 : index
    %swap3A_145 = vector.load %arg5[%swap3A_143, %swap3A_144] : memref<2x16xi32, #tpu.memory_space<vmem>>, vector<1x16xi32>
    tpu.vector_store %arg5[%swap3A_143, %swap3A_144], %sub3A_142 {strides = array<i32>} : memref<2x16xi32, #tpu.memory_space<vmem>>, vector<1x16xi32>,
    %get3A_146 = arith.constant 1 : index
    %get3A_147 = arith.constant 0 : index
    %get3A_148 = vector.load %arg2[%get3A_146, %get3A_147] : memref<2x16xi32, #tpu.memory_space<vmem>>, vector<1x16xi32>
    %broadcast_in_dim3A_149 = vector.shape_cast %broadcast_in_dim3A_113 : vector<1x1xi32> to vector<1x1xi32>
    %broadcast_in_dim3A_150 = vector.broadcast %broadcast_in_dim3A_149 : vector<1x1xi32> to vector<1x16xi32>
    %shift_left3A_151 = arith.constant 8 : i32
    %shift_left3A_152 = vector.broadcast %shift_left3A_151 : i32 to vector<1x16xi32>
    %shift_left3A_153 = arith.shli %broadcast_in_dim3A_150, %shift_left3A_152 : vector<1x16xi32>
    %or3A_154 = arith.ori %get3A_148, %shift_left3A_153 : vector<1x16xi32>
    %swap3A_155 = arith.constant 1 : index
    %swap3A_156 = arith.constant 0 : index
    %swap3A_157 = vector.load %arg3[%swap3A_155, %swap3A_156] : memref<2x16xi32, #tpu.memory_space<vmem>>, vector<1x16xi32>
    tpu.vector_store %arg3[%swap3A_155, %swap3A_156], %or3A_154 {strides = array<i32>} : memref<2x16xi32, #tpu.memory_space<vmem>>, vector<1x16xi32>,
    %shift_right_logical3A_158 = arith.constant 8 : i32
    %shift_right_logical3A_159 = vector.broadcast %shift_right_logical3A_158 : i32 to vector<1x16xi32>
    %shift_right_logical3A_160 = arith.shrui %or3A_154, %shift_right_logical3A_159 : vector<1x16xi32>
    %swap3A_161 = arith.constant 1 : index
    %swap3A_162 = arith.constant 0 : index
    %swap3A_163 = vector.load %arg4[%swap3A_161, %swap3A_162] : memref<2x16xi32, #tpu.memory_space<vmem>>, vector<1x16xi32>
    tpu.vector_store %arg4[%swap3A_161, %swap3A_162], %shift_right_logical3A_160 {strides = array<i32>} : memref<2x16xi32, #tpu.memory_space<vmem>>, vector<1x16xi32>,
    %shift_right_logical3A_164 = arith.constant 31 : i32
    %shift_right_logical3A_165 = vector.broadcast %shift_right_logical3A_164 : i32 to vector<1x16xi32>
    %shift_right_logical3A_166 = arith.shrui %or3A_154, %shift_right_logical3A_165 : vector<1x16xi32>
    %sub3A_167 = arith.constant 1 : i32
    %sub3A_168 = vector.broadcast %sub3A_167 : i32 to vector<1x16xi32>
    %sub3A_169 = arith.subi %shift_right_logical3A_166, %sub3A_168 : vector<1x16xi32>
    %or3A_170 = arith.constant -2147483648 : i32
    %or3A_171 = vector.broadcast %or3A_170 : i32 to vector<1x16xi32>
    %or3A_172 = arith.ori %sub3A_169, %or3A_171 : vector<1x16xi32>
    %xor3A_173 = arith.xori %or3A_154, %or3A_172 : vector<1x16xi32>
    %bitcast_convert_type3A_174 = tpu.bitcast %xor3A_173 : vector<1x16xi32> -> vector<1x16xf32>
    %swap3A_175 = arith.constant 1 : index
    %swap3A_176 = arith.constant 0 : index
    %swap3A_177 = vector.load %arg6[%swap3A_175, %swap3A_176] : memref<2x16xf32, #tpu.memory_space<vmem>>, vector<1x16xf32>
    tpu.vector_store %arg6[%swap3A_175, %swap3A_176], %bitcast_convert_type3A_174 {strides = array<i32>} : memref<2x16xf32, #tpu.memory_space<vmem>>, vector<1x16xf32>,
    return
  }
}

module attributes {stable_mosaic.version = 14 : i64} {
  func.func @_find_body(%arg0: memref<2x32x512x128xi32, #tpu.memory_space<vmem>>, %arg1: memref<2x16xi32, #tpu.memory_space<vmem>>, %arg2: memref<2x16xi32, #tpu.memory_space<vmem>>, %arg3: memref<2x16xi32, #tpu.memory_space<vmem>>, %arg4: memref<2x16xi32, #tpu.memory_space<vmem>>, %arg5: memref<2x16xi32, #tpu.memory_space<vmem>>, %arg6: memref<2x16xf32, #tpu.memory_space<vmem>>) attributes {dimension_semantics = [], scalar_prefetch = 0 : i64, scratch_operands = 0 : i64, tpu.core_type = #tpu.core_type<tc>} {
    %get3A = arith.constant 0 : index
    %get3A_0 = arith.constant 0 : index
    %get3A_1 = arith.constant 0 : index
    %get3A_2 = arith.constant 0 : index
    %get3A_3 = vector.load %arg0[%get3A, %get3A_0, %get3A_1, %get3A_2] : memref<2x32x512x128xi32, #tpu.memory_space<vmem>>, vector<2x32x512x128xi32>
    %convert_element_type3A = arith.sitofp %get3A_3 : vector<2x32x512x128xi32> to vector<2x32x512x128xf32>
    %reshape3A = vector.shape_cast %convert_element_type3A : vector<2x32x512x128xf32> to vector<2x512x32x128xf32>
    %reduce_sum3A = arith.constant dense<0.000000e+00> : vector<2x32x128xf32>
    %reduce_sum3A_4 = vector.multi_reduction <add>, %reshape3A, %reduce_sum3A [1] : vector<2x512x32x128xf32> to vector<2x32x128xf32>
    %iota3A = tpu.iota {dimensions = array<i32: 0>} : vector<128x128xi32>
    %iota3A_5 = tpu.iota {dimensions = array<i32: 1>} : vector<128x128xi32>
    %le3A = arith.cmpi sle, %iota3A, %iota3A_5 : vector<128x128xi32>
    %convert_element_type3A_6 = arith.extui %le3A : vector<128x128xi1> to vector<128x128xi32>
    %convert_element_type3A_7 = arith.sitofp %convert_element_type3A_6 : vector<128x128xi32> to vector<128x128xf32>
    %iota3A_8 = tpu.iota {dimensions = array<i32: 0>} : vector<32x32xi32>
    %iota3A_9 = tpu.iota {dimensions = array<i32: 1>} : vector<32x32xi32>
    %lt3A = arith.cmpi slt, %iota3A_9, %iota3A_8 : vector<32x32xi32>
    %convert_element_type3A_10 = arith.extui %lt3A : vector<32x32xi1> to vector<32x32xi32>
    %convert_element_type3A_11 = arith.sitofp %convert_element_type3A_10 : vector<32x32xi32> to vector<32x32xf32>
    %iota3A_12 = tpu.iota {dimensions = array<i32: 0>} : vector<32x128xi32>
    %mul3A = arith.constant 128 : i32
    %mul3A_13 = vector.broadcast %mul3A : i32 to vector<32x128xi32>
    %mul3A_14 = arith.muli %iota3A_12, %mul3A_13 : vector<32x128xi32>
    %iota3A_15 = tpu.iota {dimensions = array<i32: 1>} : vector<32x128xi32>
    %add3A = arith.addi %mul3A_14, %iota3A_15 : vector<32x128xi32>
    %slice3A = vector.extract_strided_slice %reduce_sum3A_4 {offsets = [0, 0, 0], sizes = [1, 32, 128], strides = [1, 1, 1]} : vector<2x32x128xf32> to vector<1x32x128xf32>
    %squeeze3A = vector.shape_cast %slice3A : vector<1x32x128xf32> to vector<32x128xf32>
    %dot_general3A = arith.constant dense<0.000000e+00> : vector<32x128xf32>
    %dot_general3A_16 = tpu.matmul %squeeze3A, %convert_element_type3A_7, %dot_general3A {dimension_numbers = #tpu.dot_dimension_numbers<[1], [0], [0], [1], [0, 0, 1, 1], [], []>, transpose_lhs_hint = false} : vector<32x128xf32>, vector<128x128xf32>, vector<32x128xf32> -> vector<32x128xf32>
    %slice3A_17 = vector.extract_strided_slice %dot_general3A_16 {offsets = [0, 127], sizes = [32, 1], strides = [1, 1]} : vector<32x128xf32> to vector<32x1xf32>
    %dot_general3A_18 = arith.constant dense<0.000000e+00> : vector<32x1xf32>
    %dot_general3A_19 = tpu.matmul %convert_element_type3A_11, %slice3A_17, %dot_general3A_18 {dimension_numbers = #tpu.dot_dimension_numbers<[1], [0], [0], [1], [0, 0, 1, 1], [], []>, transpose_lhs_hint = false} : vector<32x32xf32>, vector<32x1xf32>, vector<32x1xf32> -> vector<32x1xf32>
    %add3A_20 = vector.broadcast %dot_general3A_19 : vector<32x1xf32> to vector<32x128xf32>
    %add3A_21 = arith.addf %dot_general3A_16, %add3A_20 : vector<32x128xf32>
    %get3A_22 = arith.constant 0 : index
    %get3A_23 = arith.constant 0 : index
    %get3A_24 = vector.load %arg1[%get3A_22, %get3A_23] : memref<2x16xi32, #tpu.memory_space<vmem>>, vector<1x1xi32>
    %convert_element_type3A_25 = arith.sitofp %get3A_24 : vector<1x1xi32> to vector<1x1xf32>
    %broadcast_in_dim3A = vector.shape_cast %convert_element_type3A_25 : vector<1x1xf32> to vector<1x1xf32>
    %broadcast_in_dim3A_26 = vector.broadcast %broadcast_in_dim3A : vector<1x1xf32> to vector<32x128xf32>
    %ge3A = arith.cmpf oge, %add3A_21, %broadcast_in_dim3A_26 : vector<32x128xf32>
    %jit3A = arith.constant 1073741824 : i32
    %broadcast_in_dim3A_27 = vector.broadcast %jit3A : i32 to vector<32x128xi32>
    %select_n3A = arith.select %ge3A, %add3A, %broadcast_in_dim3A_27 : vector<32x128xi1>, vector<32x128xi32>
    %reduce_min3A = vector.shape_cast %select_n3A : vector<32x128xi32> to vector<1x32x128xi32>
    %reduce_min3A_28 = arith.constant dense<2147483647> : vector<1xi32>
    %reduce_min3A_29 = vector.multi_reduction <minsi>, %reduce_min3A, %reduce_min3A_28 [1, 2] : vector<1x32x128xi32> to vector<1xi32>
    %reduce_min3A_30 = vector.shape_cast %reduce_min3A_29 : vector<1xi32> to vector<1x1x1xi32>
    %reduce_min3A_31 = vector.extract %reduce_min3A_30[0, 0, 0] : i32 from vector<1x1x1xi32>
    %broadcast_in_dim3A_32 = vector.broadcast %reduce_min3A_31 : i32 to vector<1x1xi32>
    %broadcast_in_dim3A_33 = vector.shape_cast %broadcast_in_dim3A_32 : vector<1x1xi32> to vector<1x1xi32>
    %broadcast_in_dim3A_34 = vector.broadcast %broadcast_in_dim3A_33 : vector<1x1xi32> to vector<32x128xi32>
    %eq3A = arith.cmpi eq, %add3A, %broadcast_in_dim3A_34 : vector<32x128xi32>
    %jit3A_35 = arith.constant 0.000000e+00 : f32
    %broadcast_in_dim3A_36 = vector.broadcast %jit3A_35 : f32 to vector<32x128xf32>
    %select_n3A_37 = arith.select %eq3A, %add3A_21, %broadcast_in_dim3A_36 : vector<32x128xi1>, vector<32x128xf32>
    %reduce_sum3A_38 = vector.shape_cast %select_n3A_37 : vector<32x128xf32> to vector<1x32x128xf32>
    %reduce_sum3A_39 = arith.constant dense<0.000000e+00> : vector<1xf32>
    %reduce_sum3A_40 = vector.multi_reduction <add>, %reduce_sum3A_38, %reduce_sum3A_39 [1, 2] : vector<1x32x128xf32> to vector<1xf32>
    %reduce_sum3A_41 = vector.shape_cast %reduce_sum3A_40 : vector<1xf32> to vector<1x1x1xf32>
    %reduce_sum3A_42 = vector.extract %reduce_sum3A_41[0, 0, 0] : f32 from vector<1x1x1xf32>
    %broadcast_in_dim3A_43 = vector.broadcast %reduce_sum3A_42 : f32 to vector<1x1xf32>
    %jit3A_44 = arith.constant 0.000000e+00 : f32
    %broadcast_in_dim3A_45 = vector.broadcast %jit3A_44 : f32 to vector<32x128xf32>
    %select_n3A_46 = arith.select %eq3A, %squeeze3A, %broadcast_in_dim3A_45 : vector<32x128xi1>, vector<32x128xf32>
    %reduce_sum3A_47 = vector.shape_cast %select_n3A_46 : vector<32x128xf32> to vector<1x32x128xf32>
    %reduce_sum3A_48 = arith.constant dense<0.000000e+00> : vector<1xf32>
    %reduce_sum3A_49 = vector.multi_reduction <add>, %reduce_sum3A_47, %reduce_sum3A_48 [1, 2] : vector<1x32x128xf32> to vector<1xf32>
    %reduce_sum3A_50 = vector.shape_cast %reduce_sum3A_49 : vector<1xf32> to vector<1x1x1xf32>
    %reduce_sum3A_51 = vector.extract %reduce_sum3A_50[0, 0, 0] : f32 from vector<1x1x1xf32>
    %broadcast_in_dim3A_52 = vector.broadcast %reduce_sum3A_51 : f32 to vector<1x1xf32>
    %sub3A = arith.subf %broadcast_in_dim3A_43, %broadcast_in_dim3A_52 : vector<1x1xf32>
    %convert_element_type3A_53 = arith.fptosi %sub3A : vector<1x1xf32> to vector<1x1xi32>
    %get3A_54 = arith.constant 0 : index
    %get3A_55 = arith.constant 0 : index
    %get3A_56 = vector.load %arg1[%get3A_54, %get3A_55] : memref<2x16xi32, #tpu.memory_space<vmem>>, vector<1x16xi32>
    %broadcast_in_dim3A_57 = vector.shape_cast %convert_element_type3A_53 : vector<1x1xi32> to vector<1x1xi32>
    %broadcast_in_dim3A_58 = vector.broadcast %broadcast_in_dim3A_57 : vector<1x1xi32> to vector<1x16xi32>
    %sub3A_59 = arith.subi %get3A_56, %broadcast_in_dim3A_58 : vector<1x16xi32>
    %swap3A = arith.constant 0 : index
    %swap3A_60 = arith.constant 0 : index
    %swap3A_61 = vector.load %arg5[%swap3A, %swap3A_60] : memref<2x16xi32, #tpu.memory_space<vmem>>, vector<1x16xi32>
    tpu.vector_store %arg5[%swap3A, %swap3A_60], %sub3A_59 {strides = array<i32>} : memref<2x16xi32, #tpu.memory_space<vmem>>, vector<1x16xi32>,
    %get3A_62 = arith.constant 0 : index
    %get3A_63 = arith.constant 0 : index
    %get3A_64 = vector.load %arg2[%get3A_62, %get3A_63] : memref<2x16xi32, #tpu.memory_space<vmem>>, vector<1x16xi32>
    %broadcast_in_dim3A_65 = vector.shape_cast %broadcast_in_dim3A_32 : vector<1x1xi32> to vector<1x1xi32>
    %broadcast_in_dim3A_66 = vector.broadcast %broadcast_in_dim3A_65 : vector<1x1xi32> to vector<1x16xi32>
    %shift_left3A = arith.constant 0 : i32
    %shift_left3A_67 = vector.broadcast %shift_left3A : i32 to vector<1x16xi32>
    %shift_left3A_68 = arith.shli %broadcast_in_dim3A_66, %shift_left3A_67 : vector<1x16xi32>
    %or3A = arith.ori %get3A_64, %shift_left3A_68 : vector<1x16xi32>
    %swap3A_69 = arith.constant 0 : index
    %swap3A_70 = arith.constant 0 : index
    %swap3A_71 = vector.load %arg3[%swap3A_69, %swap3A_70] : memref<2x16xi32, #tpu.memory_space<vmem>>, vector<1x16xi32>
    tpu.vector_store %arg3[%swap3A_69, %swap3A_70], %or3A {strides = array<i32>} : memref<2x16xi32, #tpu.memory_space<vmem>>, vector<1x16xi32>,
    %shift_right_logical3A = arith.constant 0 : i32
    %shift_right_logical3A_72 = vector.broadcast %shift_right_logical3A : i32 to vector<1x16xi32>
    %shift_right_logical3A_73 = arith.shrui %or3A, %shift_right_logical3A_72 : vector<1x16xi32>
    %swap3A_74 = arith.constant 0 : index
    %swap3A_75 = arith.constant 0 : index
    %swap3A_76 = vector.load %arg4[%swap3A_74, %swap3A_75] : memref<2x16xi32, #tpu.memory_space<vmem>>, vector<1x16xi32>
    tpu.vector_store %arg4[%swap3A_74, %swap3A_75], %shift_right_logical3A_73 {strides = array<i32>} : memref<2x16xi32, #tpu.memory_space<vmem>>, vector<1x16xi32>,
    %shift_right_logical3A_77 = arith.constant 31 : i32
    %shift_right_logical3A_78 = vector.broadcast %shift_right_logical3A_77 : i32 to vector<1x16xi32>
    %shift_right_logical3A_79 = arith.shrui %or3A, %shift_right_logical3A_78 : vector<1x16xi32>
    %sub3A_80 = arith.constant 1 : i32
    %sub3A_81 = vector.broadcast %sub3A_80 : i32 to vector<1x16xi32>
    %sub3A_82 = arith.subi %shift_right_logical3A_79, %sub3A_81 : vector<1x16xi32>
    %or3A_83 = arith.constant -2147483648 : i32
    %or3A_84 = vector.broadcast %or3A_83 : i32 to vector<1x16xi32>
    %or3A_85 = arith.ori %sub3A_82, %or3A_84 : vector<1x16xi32>
    %xor3A = arith.xori %or3A, %or3A_85 : vector<1x16xi32>
    %bitcast_convert_type3A = tpu.bitcast %xor3A : vector<1x16xi32> -> vector<1x16xf32>
    %swap3A_86 = arith.constant 0 : index
    %swap3A_87 = arith.constant 0 : index
    %swap3A_88 = vector.load %arg6[%swap3A_86, %swap3A_87] : memref<2x16xf32, #tpu.memory_space<vmem>>, vector<1x16xf32>
    tpu.vector_store %arg6[%swap3A_86, %swap3A_87], %bitcast_convert_type3A {strides = array<i32>} : memref<2x16xf32, #tpu.memory_space<vmem>>, vector<1x16xf32>,
    %slice3A_89 = vector.extract_strided_slice %reduce_sum3A_4 {offsets = [1, 0, 0], sizes = [1, 32, 128], strides = [1, 1, 1]} : vector<2x32x128xf32> to vector<1x32x128xf32>
    %squeeze3A_90 = vector.shape_cast %slice3A_89 : vector<1x32x128xf32> to vector<32x128xf32>
    %dot_general3A_91 = arith.constant dense<0.000000e+00> : vector<32x128xf32>
    %dot_general3A_92 = tpu.matmul %squeeze3A_90, %convert_element_type3A_7, %dot_general3A_91 {dimension_numbers = #tpu.dot_dimension_numbers<[1], [0], [0], [1], [0, 0, 1, 1], [], []>, transpose_lhs_hint = false} : vector<32x128xf32>, vector<128x128xf32>, vector<32x128xf32> -> vector<32x128xf32>
    %slice3A_93 = vector.extract_strided_slice %dot_general3A_92 {offsets = [0, 127], sizes = [32, 1], strides = [1, 1]} : vector<32x128xf32> to vector<32x1xf32>
    %dot_general3A_94 = arith.constant dense<0.000000e+00> : vector<32x1xf32>
    %dot_general3A_95 = tpu.matmul %convert_element_type3A_11, %slice3A_93, %dot_general3A_94 {dimension_numbers = #tpu.dot_dimension_numbers<[1], [0], [0], [1], [0, 0, 1, 1], [], []>, transpose_lhs_hint = false} : vector<32x32xf32>, vector<32x1xf32>, vector<32x1xf32> -> vector<32x1xf32>
    %add3A_96 = vector.broadcast %dot_general3A_95 : vector<32x1xf32> to vector<32x128xf32>
    %add3A_97 = arith.addf %dot_general3A_92, %add3A_96 : vector<32x128xf32>
    %get3A_98 = arith.constant 1 : index
    %get3A_99 = arith.constant 0 : index
    %get3A_100 = vector.load %arg1[%get3A_98, %get3A_99] : memref<2x16xi32, #tpu.memory_space<vmem>>, vector<1x1xi32>
    %convert_element_type3A_101 = arith.sitofp %get3A_100 : vector<1x1xi32> to vector<1x1xf32>
    %broadcast_in_dim3A_102 = vector.shape_cast %convert_element_type3A_101 : vector<1x1xf32> to vector<1x1xf32>
    %broadcast_in_dim3A_103 = vector.broadcast %broadcast_in_dim3A_102 : vector<1x1xf32> to vector<32x128xf32>
    %ge3A_104 = arith.cmpf oge, %add3A_97, %broadcast_in_dim3A_103 : vector<32x128xf32>
    %jit3A_105 = arith.constant 1073741824 : i32
    %broadcast_in_dim3A_106 = vector.broadcast %jit3A_105 : i32 to vector<32x128xi32>
    %select_n3A_107 = arith.select %ge3A_104, %add3A, %broadcast_in_dim3A_106 : vector<32x128xi1>, vector<32x128xi32>
    %reduce_min3A_108 = vector.shape_cast %select_n3A_107 : vector<32x128xi32> to vector<1x32x128xi32>
    %reduce_min3A_109 = arith.constant dense<2147483647> : vector<1xi32>
    %reduce_min3A_110 = vector.multi_reduction <minsi>, %reduce_min3A_108, %reduce_min3A_109 [1, 2] : vector<1x32x128xi32> to vector<1xi32>
    %reduce_min3A_111 = vector.shape_cast %reduce_min3A_110 : vector<1xi32> to vector<1x1x1xi32>
    %reduce_min3A_112 = vector.extract %reduce_min3A_111[0, 0, 0] : i32 from vector<1x1x1xi32>
    %broadcast_in_dim3A_113 = vector.broadcast %reduce_min3A_112 : i32 to vector<1x1xi32>
    %broadcast_in_dim3A_114 = vector.shape_cast %broadcast_in_dim3A_113 : vector<1x1xi32> to vector<1x1xi32>
    %broadcast_in_dim3A_115 = vector.broadcast %broadcast_in_dim3A_114 : vector<1x1xi32> to vector<32x128xi32>
    %eq3A_116 = arith.cmpi eq, %add3A, %broadcast_in_dim3A_115 : vector<32x128xi32>
    %jit3A_117 = arith.constant 0.000000e+00 : f32
    %broadcast_in_dim3A_118 = vector.broadcast %jit3A_117 : f32 to vector<32x128xf32>
    %select_n3A_119 = arith.select %eq3A_116, %add3A_97, %broadcast_in_dim3A_118 : vector<32x128xi1>, vector<32x128xf32>
    %reduce_sum3A_120 = vector.shape_cast %select_n3A_119 : vector<32x128xf32> to vector<1x32x128xf32>
    %reduce_sum3A_121 = arith.constant dense<0.000000e+00> : vector<1xf32>
    %reduce_sum3A_122 = vector.multi_reduction <add>, %reduce_sum3A_120, %reduce_sum3A_121 [1, 2] : vector<1x32x128xf32> to vector<1xf32>
    %reduce_sum3A_123 = vector.shape_cast %reduce_sum3A_122 : vector<1xf32> to vector<1x1x1xf32>
    %reduce_sum3A_124 = vector.extract %reduce_sum3A_123[0, 0, 0] : f32 from vector<1x1x1xf32>
    %broadcast_in_dim3A_125 = vector.broadcast %reduce_sum3A_124 : f32 to vector<1x1xf32>
    %jit3A_126 = arith.constant 0.000000e+00 : f32
    %broadcast_in_dim3A_127 = vector.broadcast %jit3A_126 : f32 to vector<32x128xf32>
    %select_n3A_128 = arith.select %eq3A_116, %squeeze3A_90, %broadcast_in_dim3A_127 : vector<32x128xi1>, vector<32x128xf32>
    %reduce_sum3A_129 = vector.shape_cast %select_n3A_128 : vector<32x128xf32> to vector<1x32x128xf32>
    %reduce_sum3A_130 = arith.constant dense<0.000000e+00> : vector<1xf32>
    %reduce_sum3A_131 = vector.multi_reduction <add>, %reduce_sum3A_129, %reduce_sum3A_130 [1, 2] : vector<1x32x128xf32> to vector<1xf32>
    %reduce_sum3A_132 = vector.shape_cast %reduce_sum3A_131 : vector<1xf32> to vector<1x1x1xf32>
    %reduce_sum3A_133 = vector.extract %reduce_sum3A_132[0, 0, 0] : f32 from vector<1x1x1xf32>
    %broadcast_in_dim3A_134 = vector.broadcast %reduce_sum3A_133 : f32 to vector<1x1xf32>
    %sub3A_135 = arith.subf %broadcast_in_dim3A_125, %broadcast_in_dim3A_134 : vector<1x1xf32>
    %convert_element_type3A_136 = arith.fptosi %sub3A_135 : vector<1x1xf32> to vector<1x1xi32>
    %get3A_137 = arith.constant 1 : index
    %get3A_138 = arith.constant 0 : index
    %get3A_139 = vector.load %arg1[%get3A_137, %get3A_138] : memref<2x16xi32, #tpu.memory_space<vmem>>, vector<1x16xi32>
    %broadcast_in_dim3A_140 = vector.shape_cast %convert_element_type3A_136 : vector<1x1xi32> to vector<1x1xi32>
    %broadcast_in_dim3A_141 = vector.broadcast %broadcast_in_dim3A_140 : vector<1x1xi32> to vector<1x16xi32>
    %sub3A_142 = arith.subi %get3A_139, %broadcast_in_dim3A_141 : vector<1x16xi32>
    %swap3A_143 = arith.constant 1 : index
    %swap3A_144 = arith.constant 0 : index
    %swap3A_145 = vector.load %arg5[%swap3A_143, %swap3A_144] : memref<2x16xi32, #tpu.memory_space<vmem>>, vector<1x16xi32>
    tpu.vector_store %arg5[%swap3A_143, %swap3A_144], %sub3A_142 {strides = array<i32>} : memref<2x16xi32, #tpu.memory_space<vmem>>, vector<1x16xi32>,
    %get3A_146 = arith.constant 1 : index
    %get3A_147 = arith.constant 0 : index
    %get3A_148 = vector.load %arg2[%get3A_146, %get3A_147] : memref<2x16xi32, #tpu.memory_space<vmem>>, vector<1x16xi32>
    %broadcast_in_dim3A_149 = vector.shape_cast %broadcast_in_dim3A_113 : vector<1x1xi32> to vector<1x1xi32>
    %broadcast_in_dim3A_150 = vector.broadcast %broadcast_in_dim3A_149 : vector<1x1xi32> to vector<1x16xi32>
    %shift_left3A_151 = arith.constant 0 : i32
    %shift_left3A_152 = vector.broadcast %shift_left3A_151 : i32 to vector<1x16xi32>
    %shift_left3A_153 = arith.shli %broadcast_in_dim3A_150, %shift_left3A_152 : vector<1x16xi32>
    %or3A_154 = arith.ori %get3A_148, %shift_left3A_153 : vector<1x16xi32>
    %swap3A_155 = arith.constant 1 : index
    %swap3A_156 = arith.constant 0 : index
    %swap3A_157 = vector.load %arg3[%swap3A_155, %swap3A_156] : memref<2x16xi32, #tpu.memory_space<vmem>>, vector<1x16xi32>
    tpu.vector_store %arg3[%swap3A_155, %swap3A_156], %or3A_154 {strides = array<i32>} : memref<2x16xi32, #tpu.memory_space<vmem>>, vector<1x16xi32>,
    %shift_right_logical3A_158 = arith.constant 0 : i32
    %shift_right_logical3A_159 = vector.broadcast %shift_right_logical3A_158 : i32 to vector<1x16xi32>
    %shift_right_logical3A_160 = arith.shrui %or3A_154, %shift_right_logical3A_159 : vector<1x16xi32>
    %swap3A_161 = arith.constant 1 : index
    %swap3A_162 = arith.constant 0 : index
    %swap3A_163 = vector.load %arg4[%swap3A_161, %swap3A_162] : memref<2x16xi32, #tpu.memory_space<vmem>>, vector<1x16xi32>
    tpu.vector_store %arg4[%swap3A_161, %swap3A_162], %shift_right_logical3A_160 {strides = array<i32>} : memref<2x16xi32, #tpu.memory_space<vmem>>, vector<1x16xi32>,
    %shift_right_logical3A_164 = arith.constant 31 : i32
    %shift_right_logical3A_165 = vector.broadcast %shift_right_logical3A_164 : i32 to vector<1x16xi32>
    %shift_right_logical3A_166 = arith.shrui %or3A_154, %shift_right_logical3A_165 : vector<1x16xi32>
    %sub3A_167 = arith.constant 1 : i32
    %sub3A_168 = vector.broadcast %sub3A_167 : i32 to vector<1x16xi32>
    %sub3A_169 = arith.subi %shift_right_logical3A_166, %sub3A_168 : vector<1x16xi32>
    %or3A_170 = arith.constant -2147483648 : i32
    %or3A_171 = vector.broadcast %or3A_170 : i32 to vector<1x16xi32>
    %or3A_172 = arith.ori %sub3A_169, %or3A_171 : vector<1x16xi32>
    %xor3A_173 = arith.xori %or3A_154, %or3A_172 : vector<1x16xi32>
    %bitcast_convert_type3A_174 = tpu.bitcast %xor3A_173 : vector<1x16xi32> -> vector<1x16xf32>
    %swap3A_175 = arith.constant 1 : index
    %swap3A_176 = arith.constant 0 : index
    %swap3A_177 = vector.load %arg6[%swap3A_175, %swap3A_176] : memref<2x16xf32, #tpu.memory_space<vmem>>, vector<1x16xf32>
    tpu.vector_store %arg6[%swap3A_175, %swap3A_176], %bitcast_convert_type3A_174 {strides = array<i32>} : memref<2x16xf32, #tpu.memory_space<vmem>>, vector<1x16xf32>,
    return
  }
}

</mosaic_0001>

<sc_bundles>
// kernel: kernel.12.cloned.1.call-start
scs
__scs_entry_jumppad:
0x0: {  	(pc) =	sbr.rel $0x88, $3  }
0x1: {  	(tag) =	ssettag $0x0;
	lr =	simm.s32 $0x1  }
0x2: {  	[smem:$0x3F9D] =	sst lr;
	_ =	strace $0xD0000000  }
0x3: {  	_ = 	snop  }
0x4: {  	_ = 	snop  }
0x5: {  	_ = 	snop  }
0x6: {  	_ = 	snop  }
0x7: {  	_ = 	snop  }
__scs_overlays_trampoline_lowered:
0x8: {  	[smem:$0x3FAC] =	sst s0  }
0x9: {  	[smem:$0x3FAD] =	sst s1  }
0xa: {  	[smem:$0x3FAE] =	sst s2  }
0xb: {  	[smem:$0x3FAF] =	sst s3  }
0xc: {  	[smem:$0x3FB0] =	sst s4  }
0xd: {  	[smem:$0x3FB1] =	sst s5  }
0xe: {  	[smem:$0x3FB2] =	sst s6  }
0xf: {  	[smem:$0x3FB3] =	sst s7  }
0x10: {  	[smem:$0x3FB4] =	sst s8  }
0x11: {  	[smem:$0x3FB5] =	sst s9;
	s0 =	simm.s32 @!p0 $0x0  }
0x12: {  	s1 =	sld [smem:$0x3F9B];
	s0 =	simm.s32 @p0 $0x1  }
0x13: {  	[smem:$0x3FB6] =	sst s0;
	s0 =	simm.s32 @!p1 $0x0  }
0x14: {  	s2 =	sld [smem:$0x3F9A];
	s0 =	simm.s32 @p1 $0x1  }
0x15: {  	[smem:$0x3FB7] =	sst s0;
	s0 =	simm.s32 @!p2 $0x0  }
0x16: {  	s3 =	sld [smem:$0x3FDB];
	s0 =	simm.s32 @p2 $0x1  }
0x17: {  	s4 =	simm.s32 $0x1BF5;
	[smem:$0x3FB9] =	sst s0  }
0x18: {  	s0 =	sld [smem:$0x3F9C];
	_ =	swait.ge [sflag:s4], $0x0  }
0x19: {  	s7 =	sld [smem:$0x3F9D]  }
0x1a: {  	s8 =	sadd.s32 $0xFFFFE003, lr  }
0x1b: {  	s9 =	sadd.s32 $0xFFFFFEF7, lr;
	s5 =	simm.s32 $0xFFFFFFFF;
	p2 =	slt.u32 s8, $0xFFFFF086  }
0x1c: {  	p1 =	slt.u32 s9, $0xF7A;
	s5 =	simm.s32 @!p2 $0x0  }
0x1d: {  	s5 =	simm.s32 @p1 $0x1;
	p0 =	seq.s32 s7, s2  }
0x1e: {  	s7 =	smul.u32 @!p0 $0xF7A, s2;
	p2 =	seq.s32 @!p0 s5, $0x0  }
0x1f: {  	s9 =	smul.u32 $0xF7A, s1;
	s8 =	simm.s32 @!p0 $0x1BF5;
	p2 =	por !p2, p0  }
0x20: {  	[sflag:s8] =	ssyncset.s32 @!p0 $0xFFFFF086;
	s6 =	sadd.s32 @!p0 s3, s7;
	s7 =	simm.s32 @!p0 $0x108  }
0x21: {  	s3 =	sadd.s32 s3, s9;
	s6 =	sadd.s32 @!p0 $0x88, s6;
	s7 =	simm.s32 @p2 $0x1082  }
0x22: {  	[simem:s7], [sflag:s8] =	dma.local @!p0 [hbm:s6], $0xF7A  }
0x23: {  	s9 =	sor.u32 $0xD0000000, s2;
	s6 =	simm.s32 $0x108;
	_ =	swait.ge @!p0 [sflag:s8], $0x0  }
0x24: {  	s3 =	sadd.s32 $0x88, s3;
	s6 =	simm.s32 @!p1 $0x1082;
	[sflag:s4] =	ssyncset.s32 $0xFFFFF086  }
0x25: {  	[simem:s6], [sflag:s4] =	dma.local [hbm:s3], $0xF7A  }
0x26: {  	[smem:$0x3F9D] =	sst s1;
	(tag) =	ssettag s2;
	_ =	strace s9  }
0x27: {  	s1 =	sld [smem:$0x3FAD]  }
0x28: {  	s2 =	sld [smem:$0x3FAE]  }
0x29: {  	s4 =	sld [smem:$0x3FB0]  }
0x2a: {  	p0 =	seq.s32 s5, $0x0;
	s5 =	sld [smem:$0x3FB1]  }
0x2b: {  	s6 =	sld [smem:$0x3FB2]  }
0x2c: {  	s7 =	sld [smem:$0x3FB3]  }
0x2d: {  	s3 =	simm.s32 $0x108;
	s8 =	sld [smem:$0x3FB4]  }
0x2e: {  	s3 =	simm.s32 @!p0 $0x1082;
	s9 =	sld [smem:$0x3FB5]  }
0x2f: {  	lr =	sadd.s32 s0, s3;
	s0 =	sld [smem:$0x3FAC]  }
0x30: {  	s3 =	sld [smem:$0x3FAF]  }
0x31: {  	[smem:$0x3FB8] =	sst s10  }
0x32: {  	s10 =	sld [smem:$0x3FB6];
	_ =	sdelay $0x3  }
0x33: {  	p0 =	seq.s32 s10, $0x1;
	s10 =	sld [smem:$0x3FB8];
	_ =	sdelay $0x3  }
0x34: {  	[smem:$0x3FB8] =	sst s10  }
0x35: {  	s10 =	sld [smem:$0x3FB7];
	_ =	sdelay $0x3  }
0x36: {  	p1 =	seq.s32 s10, $0x1;
	s10 =	sld [smem:$0x3FB8];
	_ =	sdelay $0x3  }
0x37: {  	[smem:$0x3FB8] =	sst s10  }
0x38: {  	s10 =	sld [smem:$0x3FB9]  }
0x39: {  	_ = 	snop;
	(pc) =	sbr.ind lr, $3  }
0x3a: {  	_ = 	snop  }
0x3b: {  	_ = 	snop  }
0x3c: {  	p2 =	seq.s32 s10, $0x1;
	s10 =	sld [smem:$0x3FB8]  }
0x3d: {  	_ =	shalt  }
0x3e: {  	_ =	shalt  }
0x3f: {  	_ =	shalt  }
0x40: {  	_ =	shalt  }
0x41: {  	_ =	shalt  }
0x42: {  	_ =	shalt  }
0x43: {  	_ =	shalt  }
0x44: {  	_ =	shalt  }
0x45: {  	_ =	shalt  }
0x46: {  	_ =	shalt  }
0x47: {  	_ =	shalt  }
0x48: {  	_ =	shalt  }
0x49: {  	_ =	shalt  }
0x4a: {  	_ =	shalt  }
0x4b: {  	_ =	shalt  }
0x4c: {  	_ =	shalt  }
0x4d: {  	_ =	shalt  }
0x4e: {  	_ =	shalt  }
0x4f: {  	_ =	shalt  }
0x50: {  	_ =	shalt  }
0x51: {  	_ =	shalt  }
0x52: {  	_ =	shalt  }
0x53: {  	_ =	shalt  }
0x54: {  	_ =	shalt  }
0x55: {  	_ =	shalt  }
0x56: {  	_ =	shalt  }
0x57: {  	_ =	shalt  }
0x58: {  	_ =	shalt  }
0x59: {  	_ =	shalt  }
0x5a: {  	_ =	shalt  }
0x5b: {  	_ =	shalt  }
0x5c: {  	_ =	shalt  }
0x5d: {  	_ =	shalt  }
0x5e: {  	_ =	shalt  }
0x5f: {  	_ =	shalt  }
0x60: {  	_ =	shalt  }
0x61: {  	_ =	shalt  }
0x62: {  	_ =	shalt  }
0x63: {  	_ =	shalt  }
0x64: {  	_ =	shalt  }
0x65: {  	_ =	shalt  }
0x66: {  	_ =	shalt  }
0x67: {  	_ =	shalt  }
0x68: {  	_ =	shalt  }
0x69: {  	_ =	shalt  }
0x6a: {  	_ =	shalt  }
0x6b: {  	_ =	shalt  }
0x6c: {  	_ =	shalt  }
0x6d: {  	_ =	shalt  }
0x6e: {  	_ =	shalt  }
0x6f: {  	_ =	shalt  }
0x70: {  	_ =	shalt  }
0x71: {  	_ =	shalt  }
0x72: {  	_ =	shalt  }
0x73: {  	_ =	shalt  }
0x74: {  	_ =	shalt  }
0x75: {  	_ =	shalt  }
0x76: {  	_ =	shalt  }
0x77: {  	_ =	shalt  }
0x78: {  	_ =	shalt  }
0x79: {  	_ =	shalt  }
0x7a: {  	_ =	shalt  }
0x7b: {  	_ =	shalt  }
0x7c: {  	_ =	shalt  }
0x7d: {  	_ =	shalt  }
0x7e: {  	_ =	shalt  }
0x7f: {  	_ =	shalt  }
0x80: {  	_ =	shalt  }
0x81: {  	_ =	shalt  }
0x82: {  	_ =	shalt  }
0x83: {  	_ =	shalt  }
0x84: {  	_ =	shalt  }
0x85: {  	_ =	shalt  }
0x86: {  	_ =	shalt  }
0x87: {  	_ =	shalt  }
.Lfunc_end0:
.L_simem_size_0:
called_computation.3_lowered:
.L_overlay_start_0:
0x88: {  	s2 =	sld [smem:$0x3FD9]  }
0x89: {  	s3 =	sld [smem:$0x3FFE];
	_ =	sdelay $0x1  }
0x8a: {  	s1 =	srdreg.scid  }
0x8b: {  	s0 =	sand.u32 $0x1, s1  }
0x8c: {  	s16 =	sshll.u32 s0, $0xA;
	s2 =	sadd.s32 s3, s2  }
0x8d: {  	s2 =	sadd.s32 s2, s16  }
0x8e: {  	[smem:$0x3FC4] =	sst s2  }
0x8f: {  	_ = 	snop  }
0x90: {  	(tm) =	ssettm $0x1  }
0x91: {  	s17 =	sld [smem:$0x3FFB];
	_ =	sdelay $0x3  }
0x92: {  	_ =	strace s17  }
0x93: {  	s2 =	sld [smem:$0x3FFC];
	_ =	sdelay $0x3  }
0x94: {  	_ =	strace s2  }
0x95: {  	s2 =	sld [smem:$0x3FFD];
	_ =	sdelay $0x3  }
0x96: {  	_ =	strace s2  }
0x97: {  	_ =	strace $0x8FFFFFFF  }
0x98: {  	s18 =	sld [smem:$0x3FDB];
	_ =	sdelay $0x1  }
0x99: {  	s19 =	simm.s32 $_scs_section_size  }
0x9a: {  	s4 =	simm.s32 $_size__tile_overlayer_lowered;
	s5 =	simm.s32 $_tile_overlayer_lowered  }
0x9b: {  	s22 =	simm.s32 $0x1BFF;
	s21 =	sshll.u32 s5, $0x1;
	s2 =	sadd.s32 s19, s18  }
0x9c: {  	s6 =	simm.s32 $0x0;
	s20 =	sshll.u32 s4, $0x1;
	s4 =	sadd.s32 s21, s2  }
0x9d: {  	[timem:s6], [sflag:s22] =	dma.local [hbm:s4], s20  }
0x9e: {  	_ =	swait.ge [sflag:s22], s20  }
0x9f: {  	s3 =	ssub.s32 $0x0, s20;
	[sflag:s22] =	ssyncset.done $0x0  }
0xa0: {  	[sflag:s22] =	ssyncadd.s32 s3;
	_ =	sdelay $0x1  }
0xa1: {  	s23 =	simm.s32 $0x1B8B  }
0xa2: {  	_ =	swait.ge [sflag:s23], $0x1  }
0xa3: {  	[sflag:s23] =	ssyncset.done $0x0  }
0xa4: {  	s25 =	simm.s32 $0x1B8E;
	s24 =	sld [smem:$0x3FFE];
	[sflag:s23] =	ssyncadd.s32 $0xFFFFFFFF  }
0xa5: {  	s26 =	simm.s32 $execute0_lowered;
	[smem:$0x3FD2] =	sst s25  }
0xa6: {  	s4 =	sshll.u32 s26, $0x1;
	_ =	strace $0x8000004F;
	[dreg:$0x1] =	wrdreg $0xFFFFFFFF  }
0xa7: {  	s28 =	simm.s32 $_size_execute0_lowered;
	s2 =	sadd.s32 s2, s4;
	[dreg:$0x0] =	wrdreg $0x0  }
0xa8: {  	s4 =	sshll.u32 s28, $0x1;
	[dreg:$0x2] =	wrdreg s2  }
0xa9: {  	[dreg:$0x3] =	wrdreg s4  }
0xaa: {  	[dreg:$0x4] =	wrdreg $0xC0  }
0xab: {  	_ =	task [dreg:s6], $0x5FFFF  }
0xac: {  	[dreg:$0x1] =	wrdreg $0xFFFFFFFF  }
0xad: {  	[dreg:$0x0] =	wrdreg $0x60  }
0xae: {  	[dreg:$0x2] =	wrdreg s24  }
0xaf: {  	[dreg:$0x3] =	wrdreg $0x9  }
0xb0: {  	_ =	task.clear_ibuf [dreg:s6], $0x4FFFF;
	_ =	strace $0x9000004F  }
0xb1: {  	s29 =	simm.s32 $0x9;
	_ =	strace $0x80000051  }
0xb2: {  	_ =	swait.ge [sflag:s29], $0x1  }
0xb3: {  	[sflag:s29] =	ssyncadd.s32 $0xFFFFFFFF  }
0xb4: {  	_ =	strace $0x90000051  }
0xb5: {  	_ =	sfence  }
0xb6: {  	s30 =	sld [smem:$0x0];
	_ =	sdelay $0x2  }
0xb7: {  	s31 =	sshll.u32 s1, $0xD;
	s1 =	sshrl.u32 s1, $0x2  }
0xb8: {  	s3 =	sand.u32 $0x4000, s31;
	s1 =	sadd.s32 s1, s30  }
0xb9: {  	s0 =	sor.u32 s3, s0;
	s1 =	sshll.u32 s1, $0x11  }
0xba: {  	s0 =	sor.u32 s1, s0  }
0xbb: {  	s0 =	sadd.s32 $0x8F2B, s0  }
0xbc: {  	[sflag:s0] =	ssyncadd.remote.s32 $0x1  }
0xbd: {  	_ =	sfence.sel $0xFFFF  }
0xbe: {  	[dreg:$0x0] =	wrdreg $0xFFFFFFFF;
	(pc) =	sbr.abs _section_cstart, $3  }
0xbf: {  	[dreg:$0x1] =	wrdreg $0xFFFFFFFF  }
0xc0: {  	_ =	task.clear_ibuf [dreg:s6], $0x2FFFF;
	_ =	strace $0x9FFFFFFF  }
0xc1: {  	(tm) =	ssettm $0x7FFFFFFF  }
tec
execute0_lowered:
.L_overlay_start_1:
0x0: {  	(tag) =	ssettag $0x1  }
0x1: {  	s8 =	rddreg [dreg:$0x0]  }
0x2: {  	s0 =	rddreg [dreg:$0x1];
	s2 =	simm.s32 $0x0;
	s3 =	srdreg.scid  }
0x3: {  	s1 =	stileid.u32;
	s12 =	simm.s32 $0x1;
	s13 =	simm.s32 $0x4000  }
0x4: {  	s14 =	simm.s32 $0x80;
	s15 =	simm.s32 $0x400;
	[smem:$0x7FF] =	sst s2  }
0x5: {  	s5 =	sand.u32 $0x1, s3;
	s30 =	sshll.u32 s1, $0x1;
	s3 =	sadd.s32 $0x602600, s8  }
0x6: {  	s7 =	sshll.u32 s1, $0xE;
	s4 =	sadd.s32 $0x202600, s8;
	s6 =	sor.u32 s5, s30  }
0x7: {  	_ =	strace $0x80000050;
	s31 =	ssub.s32 $0x2, s5;
	s9 =	sshll.u32 s6, $0x4  }
0x8: {  	s5 =	sadd.s32 $0x2600, s8;
	s10 =	sshrl.u32 s31, $0x1;
	s7 =	sor.u32 s7, s9  }
0x9: {  	s6 =	sshll.u32 s6, $0x13;
	s10 =	ssub.s32 s31, s10;
	s7 =	sand.u32 $0x30070, s7  }
0xa: {  	v1 =	vlaneseq.u32;
	s10 =	smax.u32 s10, $0x1;
	s11 =	sadd.s32 s7, s8;
	s8 =	sadd.s32 $0x2610, s8  }
0xb: {  	v0 =	vimm.s32 $0x0;
	v2 =	vimm.s32 $0x1;
	v1 =	vmul.u32 $0x1000, v1;
	s7 =	sadd.s32 $0x2800, s11;
	s9 =	sadd.s32 $0x42800, s11;
	s11 =	simm.s32 $0x14000  }
.LBB2_1:
0xc: {  	s16 =	simm.s32 $0x40;
	s17 =	simm.s32 $0x0  }
.LBB2_2:
0xd: {  	p0 =	sne.s32 s16, $0x3FFC0;
	[tilespmem:s17+$0x4000] =	vst v0;
	s17 =	smov.u32 s16;
	s16 =	sadd.s32 $0x40, s16  }
.Ltmp0:
0xe: {  	(pc) =	sbr.rel @p0 .LBB2_2-.Ltmp0, $2  }
0xf: {  	_ =	sdelay $0x2  }
0x10: {  	s17 =	sshra.s32 s17, $0x2  }
0x11: {  	[tilespmem:s17+$0x4000] =	vst v0;
	s16 =	simm.s32 $0x0  }
0x12: {  	[tilespmem:s11], [sflag:$0x1] =	stream.linear.gather [hbm4b:s5+s16], $0x80, $0x38;
	[tilespmem:$0x14080] =	vst v63  }
0x13: {  	_ =	swait.ge [sflag:s12], $0x80  }
0x14: {  	[sflag:s12] =	ssyncset.done $0x0  }
0x15: {  	[sflag:s12] =	ssyncadd.s32 $0xFFFFFF80  }
0x16: {  	s17 =	simm.s32 $0x0;
	v3 =	vld [tilespmem:$0x14000]  }
.LBB2_4:
0x17: {  	s18 =	sshll.u32 s17, $0xE  }
0x18: {  	s18 =	sadd.s32 s6, s18  }
0x19: {  	s18 =	sshrl.u32 s18, $0x3  }
0x1a: {  	s18 =	sadd.s32 s3, s18  }
0x1b: {  	[tilespmem:s16], [sflag:$0x1] =	stream.linear.gather [hbm4b:s18+s16], $0x4000, $0x38;
	[tilespmem:$0x14080] =	vst v63  }
0x1c: {  	_ =	swait.ge [sflag:s12], $0x4000  }
0x1d: {  	[sflag:s12] =	ssyncset.done $0x0  }
0x1e: {  	s19 =	simm.s32 $0x0;
	s18 =	simm.s32 $0x40;
	[sflag:s12] =	ssyncadd.s32 $0xFFFFC000  }
.LBB2_5:
0x1f: {  	p0 =	sne.s32 s18, $0xFFC0;
	v4 =	vld [tilespmem:s19+$0x0];
	_ =	sdelay $0x4  }
0x20: {  	v5 =	vshra.s32 v4, $0x1F  }
0x21: {  	v5 =	vor.u32 $0x80000000, v5  }
0x22: {  	v4 =	vxor.u32 v4, v5  }
0x23: {  	v5 =	vshrl.u32 v4, $0x8;
	v4 =	vshrl.u32 v4, $0x14  }
0x24: {  	vm0 =	veq.s32 v4, v3;
	v4 =	vand.u32 $0xFFF, v5  }
0x25: {  	v4 =	vor.u32 v1, v4  }
.Ltmp1:
0x26: {  	(pc) =	sbr.rel @p0 .LBB2_5-.Ltmp1, $2  }
0x27: {  	_ =	sdelay $0x2  }
0x28: {  	s19 =	sshra.s32 s18, $0x2;
	s18 =	sadd.s32 $0x40, s18;
	[tilespmem:v4+s13+$0x0] =	vst.idx.add.s32.msk vm0, v2  }
0x29: {  	v4 =	vld [tilespmem:s19+$0x0];
	_ =	sdelay $0x4  }
0x2a: {  	v5 =	vshra.s32 v4, $0x1F  }
0x2b: {  	v5 =	vor.u32 $0x80000000, v5  }
0x2c: {  	v4 =	vxor.u32 v4, v5  }
0x2d: {  	v5 =	vshrl.u32 v4, $0x8;
	v4 =	vshrl.u32 v4, $0x14  }
0x2e: {  	s17 =	sadd.s32 $0x1, s17;
	vm0 =	veq.s32 v4, v3;
	v4 =	vand.u32 $0xFFF, v5  }
0x2f: {  	p0 =	sne.s32 s17, $0x20;
	v4 =	vor.u32 v1, v4  }
.Ltmp2:
0x30: {  	_ = 	snop;
	(pc) =	sbr.rel @p0 .LBB2_4-.Ltmp2, $2  }
0x31: {  	_ =	sdelay $0x2  }
0x32: {  	[tilespmem:v4+s13+$0x0] =	vst.idx.add.s32.msk vm0, v2  }
0x33: {  	[hbm4b:s7+s14] =	stream.strided.scatter [tilespmem:s13], [sflag:$0x1], $0x10000, s15, s14, $0x38;
	[tilespmem:$0x14080] =	vst v63  }
0x34: {  	_ =	swait.ge [sflag:s12], $0x10000  }
0x35: {  	[sflag:s12] =	ssyncset.done $0x0  }
0x36: {  	s16 =	simm.s32 $0x40;
	s17 =	simm.s32 $0x0;
	[sflag:s12] =	ssyncadd.s32 $0xFFFF0000  }
.LBB2_8:
0x37: {  	p0 =	sne.s32 s16, $0x3FFC0;
	[tilespmem:s17+$0x4000] =	vst v0;
	s17 =	smov.u32 s16;
	s16 =	sadd.s32 $0x40, s16  }
.Ltmp3:
0x38: {  	(pc) =	sbr.rel @p0 .LBB2_8-.Ltmp3, $2  }
0x39: {  	_ =	sdelay $0x2  }
0x3a: {  	s17 =	sshra.s32 s17, $0x2  }
0x3b: {  	[tilespmem:s17+$0x4000] =	vst v0;
	s16 =	simm.s32 $0x0  }
0x3c: {  	[tilespmem:s11], [sflag:$0x1] =	stream.linear.gather [hbm4b:s8+s16], $0x80, $0x38;
	[tilespmem:$0x14080] =	vst v63  }
0x3d: {  	_ =	swait.ge [sflag:s12], $0x80  }
0x3e: {  	[sflag:s12] =	ssyncset.done $0x0  }
0x3f: {  	[sflag:s12] =	ssyncadd.s32 $0xFFFFFF80  }
0x40: {  	s17 =	simm.s32 $0x0;
	v3 =	vld [tilespmem:$0x14000]  }
.LBB2_10:
0x41: {  	s18 =	sshll.u32 s17, $0xE  }
0x42: {  	s18 =	sadd.s32 s6, s18  }
0x43: {  	s18 =	sshrl.u32 s18, $0x3  }
0x44: {  	s18 =	sadd.s32 s4, s18  }
0x45: {  	[tilespmem:s16], [sflag:$0x1] =	stream.linear.gather [hbm4b:s18+s16], $0x4000, $0x38;
	[tilespmem:$0x14080] =	vst v63  }
0x46: {  	_ =	swait.ge [sflag:s12], $0x4000  }
0x47: {  	[sflag:s12] =	ssyncset.done $0x0  }
0x48: {  	s19 =	simm.s32 $0x0;
	s18 =	simm.s32 $0x40;
	[sflag:s12] =	ssyncadd.s32 $0xFFFFC000  }
.LBB2_11:
0x49: {  	p0 =	sne.s32 s18, $0xFFC0;
	v4 =	vld [tilespmem:s19+$0x0];
	_ =	sdelay $0x4  }
0x4a: {  	v5 =	vshra.s32 v4, $0x1F  }
0x4b: {  	v5 =	vor.u32 $0x80000000, v5  }
0x4c: {  	v4 =	vxor.u32 v4, v5  }
0x4d: {  	v5 =	vshrl.u32 v4, $0x8;
	v4 =	vshrl.u32 v4, $0x14  }
0x4e: {  	vm0 =	veq.s32 v4, v3;
	v4 =	vand.u32 $0xFFF, v5  }
0x4f: {  	v4 =	vor.u32 v1, v4  }
.Ltmp4:
0x50: {  	(pc) =	sbr.rel @p0 .LBB2_11-.Ltmp4, $2  }
0x51: {  	_ =	sdelay $0x2  }
0x52: {  	s19 =	sshra.s32 s18, $0x2;
	s18 =	sadd.s32 $0x40, s18;
	[tilespmem:v4+s13+$0x0] =	vst.idx.add.s32.msk vm0, v2  }
0x53: {  	v4 =	vld [tilespmem:s19+$0x0];
	_ =	sdelay $0x4  }
0x54: {  	v5 =	vshra.s32 v4, $0x1F  }
0x55: {  	v5 =	vor.u32 $0x80000000, v5  }
0x56: {  	v4 =	vxor.u32 v4, v5  }
0x57: {  	v5 =	vshrl.u32 v4, $0x8;
	v4 =	vshrl.u32 v4, $0x14  }
0x58: {  	s17 =	sadd.s32 $0x1, s17;
	vm0 =	veq.s32 v4, v3;
	v4 =	vand.u32 $0xFFF, v5  }
0x59: {  	p0 =	sne.s32 s17, $0x20;
	v4 =	vor.u32 v1, v4  }
.Ltmp5:
0x5a: {  	_ = 	snop;
	(pc) =	sbr.rel @p0 .LBB2_10-.Ltmp5, $2  }
0x5b: {  	_ =	sdelay $0x2  }
0x5c: {  	[tilespmem:v4+s13+$0x0] =	vst.idx.add.s32.msk vm0, v2  }
0x5d: {  	s2 =	sadd.s32 $0x1, s2  }
0x5e: {  	p0 =	sne.s32 s2, s10  }
.Ltmp6:
0x5f: {  	_ = 	snop;
	(pc) =	sbr.rel @p0 .LBB2_1-.Ltmp6, $4  }
0x60: {  	[hbm4b:s9+s14] =	stream.strided.scatter [tilespmem:s13], [sflag:$0x1], $0x10000, s15, s14, $0x38;
	[tilespmem:$0x14080] =	vst v63  }
0x61: {  	_ =	swait.ge [sflag:s12], $0x10000  }
0x62: {  	[sflag:s12] =	ssyncset.done $0x0  }
0x63: {  	[sflag:s12] =	ssyncadd.s32 $0xFFFF0000  }
0x64: {  	_ =	sfence.sel $0x180000  }
0x65: {  	[bflag:$0x0] =	sbarrier.arrive $0xFFFF  }
0x66: {  	p0 =	sne.s32 s1, $0x0;
	_ =	strace $0x90000050  }
0x67: {  	s0 =	sadd.s32 @!p0 $0x100000, s0;
	[bflag:$0x2] =	sbarrier.arrive $0xFFFF  }
0x68: {  	[sflag:s0] =	ssyncadd.tile.s32 @!p0 $0x1;
	_ =	shalt  }
.Lfunc_end2:
_tile_overlayer_lowered:
.L_overlay_start_2:
0x69: {  	(tag) =	ssettag $0x2  }
0x6a: {  	s0 =	rddreg [dreg:$0x0];
	s2 =	stileid.u32  }
0x6b: {  	s1 =	rddreg [dreg:$0x1];
	p0 =	sne.s32 s2, $0x0  }
0x6c: {  	s3 =	rddreg [dreg:$0x2];
	[bflag:$0x3] =	sbarrier.arrive $0xFFFF;
	s2 =	simm.s32 @!p0 $0x1C01  }
0x6d: {  	[timem:s3], [sflag:s2] =	dma.local @!p0 [hbm:s0], s1  }
0x6e: {  	s0 =	simm.s32 @!p0 $0x1  }
0x6f: {  	_ =	swait.ge @!p0 [sflag:s0], s1  }
0x70: {  	s1 =	ssub.s32 @!p0 $0x0, s1;
	[sflag:s0] =	ssyncset.done @!p0 $0x0  }
0x71: {  	[sflag:s0] =	ssyncadd.s32 @!p0 s1  }
0x72: {  	[bflag:$0x3] =	sbarrier.arrive $0xFFFF  }
0x73: {  	_ =	shalt  }

// kernel: kernel.15.cloned.1.call-start
scs
__scs_entry_jumppad:
0x0: {  	(pc) =	sbr.rel $0x88, $3  }
0x1: {  	(tag) =	ssettag $0x0;
	lr =	simm.s32 $0x1  }
0x2: {  	[smem:$0x3F9D] =	sst lr;
	_ =	strace $0xD0000000  }
0x3: {  	_ = 	snop  }
0x4: {  	_ = 	snop  }
0x5: {  	_ = 	snop  }
0x6: {  	_ = 	snop  }
0x7: {  	_ = 	snop  }
__scs_overlays_trampoline_lowered:
0x8: {  	[smem:$0x3FAC] =	sst s0  }
0x9: {  	[smem:$0x3FAD] =	sst s1  }
0xa: {  	[smem:$0x3FAE] =	sst s2  }
0xb: {  	[smem:$0x3FAF] =	sst s3  }
0xc: {  	[smem:$0x3FB0] =	sst s4  }
0xd: {  	[smem:$0x3FB1] =	sst s5  }
0xe: {  	[smem:$0x3FB2] =	sst s6  }
0xf: {  	[smem:$0x3FB3] =	sst s7  }
0x10: {  	[smem:$0x3FB4] =	sst s8  }
0x11: {  	[smem:$0x3FB5] =	sst s9;
	s0 =	simm.s32 @!p0 $0x0  }
0x12: {  	s1 =	sld [smem:$0x3F9B];
	s0 =	simm.s32 @p0 $0x1  }
0x13: {  	[smem:$0x3FB6] =	sst s0;
	s0 =	simm.s32 @!p1 $0x0  }
0x14: {  	s2 =	sld [smem:$0x3F9A];
	s0 =	simm.s32 @p1 $0x1  }
0x15: {  	[smem:$0x3FB7] =	sst s0;
	s0 =	simm.s32 @!p2 $0x0  }
0x16: {  	s3 =	sld [smem:$0x3FDB];
	s0 =	simm.s32 @p2 $0x1  }
0x17: {  	s4 =	simm.s32 $0x1BF5;
	[smem:$0x3FB9] =	sst s0  }
0x18: {  	s0 =	sld [smem:$0x3F9C];
	_ =	swait.ge [sflag:s4], $0x0  }
0x19: {  	s7 =	sld [smem:$0x3F9D]  }
0x1a: {  	s8 =	sadd.s32 $0xFFFFE003, lr  }
0x1b: {  	s9 =	sadd.s32 $0xFFFFFEF7, lr;
	s5 =	simm.s32 $0xFFFFFFFF;
	p2 =	slt.u32 s8, $0xFFFFF086  }
0x1c: {  	p1 =	slt.u32 s9, $0xF7A;
	s5 =	simm.s32 @!p2 $0x0  }
0x1d: {  	s5 =	simm.s32 @p1 $0x1;
	p0 =	seq.s32 s7, s2  }
0x1e: {  	s7 =	smul.u32 @!p0 $0xF7A, s2;
	p2 =	seq.s32 @!p0 s5, $0x0  }
0x1f: {  	s9 =	smul.u32 $0xF7A, s1;
	s8 =	simm.s32 @!p0 $0x1BF5;
	p2 =	por !p2, p0  }
0x20: {  	[sflag:s8] =	ssyncset.s32 @!p0 $0xFFFFF086;
	s6 =	sadd.s32 @!p0 s3, s7;
	s7 =	simm.s32 @!p0 $0x108  }
0x21: {  	s3 =	sadd.s32 s3, s9;
	s6 =	sadd.s32 @!p0 $0x88, s6;
	s7 =	simm.s32 @p2 $0x1082  }
0x22: {  	[simem:s7], [sflag:s8] =	dma.local @!p0 [hbm:s6], $0xF7A  }
0x23: {  	s9 =	sor.u32 $0xD0000000, s2;
	s6 =	simm.s32 $0x108;
	_ =	swait.ge @!p0 [sflag:s8], $0x0  }
0x24: {  	s3 =	sadd.s32 $0x88, s3;
	s6 =	simm.s32 @!p1 $0x1082;
	[sflag:s4] =	ssyncset.s32 $0xFFFFF086  }
0x25: {  	[simem:s6], [sflag:s4] =	dma.local [hbm:s3], $0xF7A  }
0x26: {  	[smem:$0x3F9D] =	sst s1;
	(tag) =	ssettag s2;
	_ =	strace s9  }
0x27: {  	s1 =	sld [smem:$0x3FAD]  }
0x28: {  	s2 =	sld [smem:$0x3FAE]  }
0x29: {  	s4 =	sld [smem:$0x3FB0]  }
0x2a: {  	p0 =	seq.s32 s5, $0x0;
	s5 =	sld [smem:$0x3FB1]  }
0x2b: {  	s6 =	sld [smem:$0x3FB2]  }
0x2c: {  	s7 =	sld [smem:$0x3FB3]  }
0x2d: {  	s3 =	simm.s32 $0x108;
	s8 =	sld [smem:$0x3FB4]  }
0x2e: {  	s3 =	simm.s32 @!p0 $0x1082;
	s9 =	sld [smem:$0x3FB5]  }
0x2f: {  	lr =	sadd.s32 s0, s3;
	s0 =	sld [smem:$0x3FAC]  }
0x30: {  	s3 =	sld [smem:$0x3FAF]  }
0x31: {  	[smem:$0x3FB8] =	sst s10  }
0x32: {  	s10 =	sld [smem:$0x3FB6];
	_ =	sdelay $0x3  }
0x33: {  	p0 =	seq.s32 s10, $0x1;
	s10 =	sld [smem:$0x3FB8];
	_ =	sdelay $0x3  }
0x34: {  	[smem:$0x3FB8] =	sst s10  }
0x35: {  	s10 =	sld [smem:$0x3FB7];
	_ =	sdelay $0x3  }
0x36: {  	p1 =	seq.s32 s10, $0x1;
	s10 =	sld [smem:$0x3FB8];
	_ =	sdelay $0x3  }
0x37: {  	[smem:$0x3FB8] =	sst s10  }
0x38: {  	s10 =	sld [smem:$0x3FB9]  }
0x39: {  	_ = 	snop;
	(pc) =	sbr.ind lr, $3  }
0x3a: {  	_ = 	snop  }
0x3b: {  	_ = 	snop  }
0x3c: {  	p2 =	seq.s32 s10, $0x1;
	s10 =	sld [smem:$0x3FB8]  }
0x3d: {  	_ =	shalt  }
0x3e: {  	_ =	shalt  }
0x3f: {  	_ =	shalt  }
0x40: {  	_ =	shalt  }
0x41: {  	_ =	shalt  }
0x42: {  	_ =	shalt  }
0x43: {  	_ =	shalt  }
0x44: {  	_ =	shalt  }
0x45: {  	_ =	shalt  }
0x46: {  	_ =	shalt  }
0x47: {  	_ =	shalt  }
0x48: {  	_ =	shalt  }
0x49: {  	_ =	shalt  }
0x4a: {  	_ =	shalt  }
0x4b: {  	_ =	shalt  }
0x4c: {  	_ =	shalt  }
0x4d: {  	_ =	shalt  }
0x4e: {  	_ =	shalt  }
0x4f: {  	_ =	shalt  }
0x50: {  	_ =	shalt  }
0x51: {  	_ =	shalt  }
0x52: {  	_ =	shalt  }
0x53: {  	_ =	shalt  }
0x54: {  	_ =	shalt  }
0x55: {  	_ =	shalt  }
0x56: {  	_ =	shalt  }
0x57: {  	_ =	shalt  }
0x58: {  	_ =	shalt  }
0x59: {  	_ =	shalt  }
0x5a: {  	_ =	shalt  }
0x5b: {  	_ =	shalt  }
0x5c: {  	_ =	shalt  }
0x5d: {  	_ =	shalt  }
0x5e: {  	_ =	shalt  }
0x5f: {  	_ =	shalt  }
0x60: {  	_ =	shalt  }
0x61: {  	_ =	shalt  }
0x62: {  	_ =	shalt  }
0x63: {  	_ =	shalt  }
0x64: {  	_ =	shalt  }
0x65: {  	_ =	shalt  }
0x66: {  	_ =	shalt  }
0x67: {  	_ =	shalt  }
0x68: {  	_ =	shalt  }
0x69: {  	_ =	shalt  }
0x6a: {  	_ =	shalt  }
0x6b: {  	_ =	shalt  }
0x6c: {  	_ =	shalt  }
0x6d: {  	_ =	shalt  }
0x6e: {  	_ =	shalt  }
0x6f: {  	_ =	shalt  }
0x70: {  	_ =	shalt  }
0x71: {  	_ =	shalt  }
0x72: {  	_ =	shalt  }
0x73: {  	_ =	shalt  }
0x74: {  	_ =	shalt  }
0x75: {  	_ =	shalt  }
0x76: {  	_ =	shalt  }
0x77: {  	_ =	shalt  }
0x78: {  	_ =	shalt  }
0x79: {  	_ =	shalt  }
0x7a: {  	_ =	shalt  }
0x7b: {  	_ =	shalt  }
0x7c: {  	_ =	shalt  }
0x7d: {  	_ =	shalt  }
0x7e: {  	_ =	shalt  }
0x7f: {  	_ =	shalt  }
0x80: {  	_ =	shalt  }
0x81: {  	_ =	shalt  }
0x82: {  	_ =	shalt  }
0x83: {  	_ =	shalt  }
0x84: {  	_ =	shalt  }
0x85: {  	_ =	shalt  }
0x86: {  	_ =	shalt  }
0x87: {  	_ =	shalt  }
.Lfunc_end0:
.L_simem_size_0:
called_computation.4_lowered:
.L_overlay_start_0:
0x88: {  	s2 =	sld [smem:$0x3FD9]  }
0x89: {  	s3 =	sld [smem:$0x3FFE];
	_ =	sdelay $0x1  }
0x8a: {  	s1 =	srdreg.scid  }
0x8b: {  	s0 =	sand.u32 $0x1, s1  }
0x8c: {  	s16 =	sshll.u32 s0, $0xA;
	s2 =	sadd.s32 s3, s2  }
0x8d: {  	s2 =	sadd.s32 s2, s16  }
0x8e: {  	[smem:$0x3FC4] =	sst s2  }
0x8f: {  	_ = 	snop  }
0x90: {  	(tm) =	ssettm $0x1  }
0x91: {  	s17 =	sld [smem:$0x3FFB];
	_ =	sdelay $0x3  }
0x92: {  	_ =	strace s17  }
0x93: {  	s2 =	sld [smem:$0x3FFC];
	_ =	sdelay $0x3  }
0x94: {  	_ =	strace s2  }
0x95: {  	s2 =	sld [smem:$0x3FFD];
	_ =	sdelay $0x3  }
0x96: {  	_ =	strace s2  }
0x97: {  	_ =	strace $0x8FFFFFFF  }
0x98: {  	s18 =	sld [smem:$0x3FDB];
	_ =	sdelay $0x1  }
0x99: {  	s19 =	simm.s32 $_scs_section_size  }
0x9a: {  	s4 =	simm.s32 $_size__tile_overlayer_lowered;
	s5 =	simm.s32 $_tile_overlayer_lowered  }
0x9b: {  	s22 =	simm.s32 $0x1BFF;
	s21 =	sshll.u32 s5, $0x1;
	s2 =	sadd.s32 s19, s18  }
0x9c: {  	s6 =	simm.s32 $0x0;
	s20 =	sshll.u32 s4, $0x1;
	s4 =	sadd.s32 s21, s2  }
0x9d: {  	[timem:s6], [sflag:s22] =	dma.local [hbm:s4], s20  }
0x9e: {  	_ =	swait.ge [sflag:s22], s20  }
0x9f: {  	s3 =	ssub.s32 $0x0, s20;
	[sflag:s22] =	ssyncset.done $0x0  }
0xa0: {  	[sflag:s22] =	ssyncadd.s32 s3;
	_ =	sdelay $0x1  }
0xa1: {  	s23 =	simm.s32 $0x1B8B  }
0xa2: {  	_ =	swait.ge [sflag:s23], $0x1  }
0xa3: {  	[sflag:s23] =	ssyncset.done $0x0  }
0xa4: {  	s25 =	simm.s32 $0x1B8E;
	s24 =	sld [smem:$0x3FFE];
	[sflag:s23] =	ssyncadd.s32 $0xFFFFFFFF  }
0xa5: {  	s26 =	simm.s32 $execute0_lowered;
	[smem:$0x3FD2] =	sst s25  }
0xa6: {  	s4 =	sshll.u32 s26, $0x1;
	_ =	strace $0x80000052;
	[dreg:$0x1] =	wrdreg $0xFFFFFFFF  }
0xa7: {  	s28 =	simm.s32 $_size_execute0_lowered;
	s2 =	sadd.s32 s2, s4;
	[dreg:$0x0] =	wrdreg $0x0  }
0xa8: {  	s4 =	sshll.u32 s28, $0x1;
	[dreg:$0x2] =	wrdreg s2  }
0xa9: {  	[dreg:$0x3] =	wrdreg s4  }
0xaa: {  	[dreg:$0x4] =	wrdreg $0xC0  }
0xab: {  	_ =	task [dreg:s6], $0x5FFFF  }
0xac: {  	[dreg:$0x1] =	wrdreg $0xFFFFFFFF  }
0xad: {  	[dreg:$0x0] =	wrdreg $0x60  }
0xae: {  	[dreg:$0x2] =	wrdreg s24  }
0xaf: {  	[dreg:$0x3] =	wrdreg $0x9  }
0xb0: {  	_ =	task.clear_ibuf [dreg:s6], $0x4FFFF;
	_ =	strace $0x90000052  }
0xb1: {  	s29 =	simm.s32 $0x9;
	_ =	strace $0x80000054  }
0xb2: {  	_ =	swait.ge [sflag:s29], $0x1  }
0xb3: {  	[sflag:s29] =	ssyncadd.s32 $0xFFFFFFFF  }
0xb4: {  	_ =	strace $0x90000054  }
0xb5: {  	_ =	sfence  }
0xb6: {  	s30 =	sld [smem:$0x0];
	_ =	sdelay $0x2  }
0xb7: {  	s31 =	sshll.u32 s1, $0xD;
	s1 =	sshrl.u32 s1, $0x2  }
0xb8: {  	s3 =	sand.u32 $0x4000, s31;
	s1 =	sadd.s32 s1, s30  }
0xb9: {  	s0 =	sor.u32 s3, s0;
	s1 =	sshll.u32 s1, $0x11  }
0xba: {  	s0 =	sor.u32 s1, s0  }
0xbb: {  	s0 =	sadd.s32 $0x8F2B, s0  }
0xbc: {  	[sflag:s0] =	ssyncadd.remote.s32 $0x1  }
0xbd: {  	_ =	sfence.sel $0xFFFF  }
0xbe: {  	[dreg:$0x0] =	wrdreg $0xFFFFFFFF;
	(pc) =	sbr.abs _section_cstart, $3  }
0xbf: {  	[dreg:$0x1] =	wrdreg $0xFFFFFFFF  }
0xc0: {  	_ =	task.clear_ibuf [dreg:s6], $0x2FFFF;
	_ =	strace $0x9FFFFFFF  }
0xc1: {  	(tm) =	ssettm $0x7FFFFFFF  }
tec
execute0_lowered:
.L_overlay_start_1:
0x0: {  	(tag) =	ssettag $0x1  }
0x1: {  	s8 =	rddreg [dreg:$0x0]  }
0x2: {  	s0 =	rddreg [dreg:$0x1];
	s2 =	simm.s32 $0x0;
	s3 =	srdreg.scid  }
0x3: {  	s1 =	stileid.u32;
	s12 =	simm.s32 $0x1;
	s13 =	simm.s32 $0x4000  }
0x4: {  	s14 =	simm.s32 $0x80;
	s15 =	simm.s32 $0x400;
	[smem:$0x7FF] =	sst s2  }
0x5: {  	s5 =	sand.u32 $0x1, s3;
	s30 =	sshll.u32 s1, $0x1;
	s3 =	sadd.s32 $0x602600, s8  }
0x6: {  	s7 =	sshll.u32 s1, $0xE;
	s4 =	sadd.s32 $0x202600, s8;
	s6 =	sor.u32 s5, s30  }
0x7: {  	_ =	strace $0x80000053;
	s31 =	ssub.s32 $0x2, s5;
	s9 =	sshll.u32 s6, $0x4  }
0x8: {  	s5 =	sadd.s32 $0x2600, s8;
	s10 =	sshrl.u32 s31, $0x1;
	s7 =	sor.u32 s7, s9  }
0x9: {  	s6 =	sshll.u32 s6, $0x13;
	s10 =	ssub.s32 s31, s10;
	s7 =	sand.u32 $0x30070, s7  }
0xa: {  	v1 =	vlaneseq.u32;
	s10 =	smax.u32 s10, $0x1;
	s11 =	sadd.s32 s7, s8;
	s8 =	sadd.s32 $0x2610, s8  }
0xb: {  	v0 =	vimm.s32 $0x0;
	v2 =	vimm.s32 $0x1;
	v1 =	vmul.u32 $0x1000, v1;
	s7 =	sadd.s32 $0x2800, s11;
	s9 =	sadd.s32 $0x42800, s11;
	s11 =	simm.s32 $0x14000  }
.LBB2_1:
0xc: {  	s16 =	simm.s32 $0x40;
	s17 =	simm.s32 $0x0  }
.LBB2_2:
0xd: {  	p0 =	sne.s32 s16, $0x3FFC0;
	[tilespmem:s17+$0x4000] =	vst v0;
	s17 =	smov.u32 s16;
	s16 =	sadd.s32 $0x40, s16  }
.Ltmp0:
0xe: {  	(pc) =	sbr.rel @p0 .LBB2_2-.Ltmp0, $2  }
0xf: {  	_ =	sdelay $0x2  }
0x10: {  	s17 =	sshra.s32 s17, $0x2  }
0x11: {  	[tilespmem:s17+$0x4000] =	vst v0;
	s16 =	simm.s32 $0x0  }
0x12: {  	[tilespmem:s11], [sflag:$0x1] =	stream.linear.gather [hbm4b:s5+s16], $0x80, $0x38;
	[tilespmem:$0x14080] =	vst v63  }
0x13: {  	_ =	swait.ge [sflag:s12], $0x80  }
0x14: {  	[sflag:s12] =	ssyncset.done $0x0  }
0x15: {  	[sflag:s12] =	ssyncadd.s32 $0xFFFFFF80  }
0x16: {  	s17 =	simm.s32 $0x0;
	v3 =	vld [tilespmem:$0x14000]  }
.LBB2_4:
0x17: {  	s18 =	sshll.u32 s17, $0xE  }
0x18: {  	s18 =	sadd.s32 s6, s18  }
0x19: {  	s18 =	sshrl.u32 s18, $0x3  }
0x1a: {  	s18 =	sadd.s32 s3, s18  }
0x1b: {  	[tilespmem:s16], [sflag:$0x1] =	stream.linear.gather [hbm4b:s18+s16], $0x4000, $0x38;
	[tilespmem:$0x14080] =	vst v63  }
0x1c: {  	_ =	swait.ge [sflag:s12], $0x4000  }
0x1d: {  	[sflag:s12] =	ssyncset.done $0x0  }
0x1e: {  	s19 =	simm.s32 $0x0;
	s18 =	simm.s32 $0x40;
	[sflag:s12] =	ssyncadd.s32 $0xFFFFC000  }
.LBB2_5:
0x1f: {  	p0 =	sne.s32 s18, $0xFFC0;
	v4 =	vld [tilespmem:s19+$0x0];
	_ =	sdelay $0x4  }
0x20: {  	v5 =	vshra.s32 v4, $0x1F  }
0x21: {  	v5 =	vor.u32 $0x80000000, v5  }
0x22: {  	v4 =	vxor.u32 v4, v5  }
0x23: {  	v5 =	vshrl.u32 v4, $0x8  }
0x24: {  	v4 =	vand.u32 $0xFFF, v4;
	vm0 =	veq.s32 v5, v3  }
0x25: {  	v4 =	vor.u32 v1, v4  }
.Ltmp1:
0x26: {  	(pc) =	sbr.rel @p0 .LBB2_5-.Ltmp1, $2  }
0x27: {  	_ =	sdelay $0x2  }
0x28: {  	s19 =	sshra.s32 s18, $0x2;
	s18 =	sadd.s32 $0x40, s18;
	[tilespmem:v4+s13+$0x0] =	vst.idx.add.s32.msk vm0, v2  }
0x29: {  	v4 =	vld [tilespmem:s19+$0x0];
	_ =	sdelay $0x4  }
0x2a: {  	v5 =	vshra.s32 v4, $0x1F  }
0x2b: {  	v5 =	vor.u32 $0x80000000, v5  }
0x2c: {  	v4 =	vxor.u32 v4, v5  }
0x2d: {  	v5 =	vshrl.u32 v4, $0x8  }
0x2e: {  	s17 =	sadd.s32 $0x1, s17;
	v4 =	vand.u32 $0xFFF, v4;
	vm0 =	veq.s32 v5, v3  }
0x2f: {  	p0 =	sne.s32 s17, $0x20;
	v4 =	vor.u32 v1, v4  }
.Ltmp2:
0x30: {  	_ = 	snop;
	(pc) =	sbr.rel @p0 .LBB2_4-.Ltmp2, $2  }
0x31: {  	_ =	sdelay $0x2  }
0x32: {  	[tilespmem:v4+s13+$0x0] =	vst.idx.add.s32.msk vm0, v2  }
0x33: {  	[hbm4b:s7+s14] =	stream.strided.scatter [tilespmem:s13], [sflag:$0x1], $0x10000, s15, s14, $0x38;
	[tilespmem:$0x14080] =	vst v63  }
0x34: {  	_ =	swait.ge [sflag:s12], $0x10000  }
0x35: {  	[sflag:s12] =	ssyncset.done $0x0  }
0x36: {  	s16 =	simm.s32 $0x40;
	s17 =	simm.s32 $0x0;
	[sflag:s12] =	ssyncadd.s32 $0xFFFF0000  }
.LBB2_8:
0x37: {  	p0 =	sne.s32 s16, $0x3FFC0;
	[tilespmem:s17+$0x4000] =	vst v0;
	s17 =	smov.u32 s16;
	s16 =	sadd.s32 $0x40, s16  }
.Ltmp3:
0x38: {  	(pc) =	sbr.rel @p0 .LBB2_8-.Ltmp3, $2  }
0x39: {  	_ =	sdelay $0x2  }
0x3a: {  	s17 =	sshra.s32 s17, $0x2  }
0x3b: {  	[tilespmem:s17+$0x4000] =	vst v0;
	s16 =	simm.s32 $0x0  }
0x3c: {  	[tilespmem:s11], [sflag:$0x1] =	stream.linear.gather [hbm4b:s8+s16], $0x80, $0x38;
	[tilespmem:$0x14080] =	vst v63  }
0x3d: {  	_ =	swait.ge [sflag:s12], $0x80  }
0x3e: {  	[sflag:s12] =	ssyncset.done $0x0  }
0x3f: {  	[sflag:s12] =	ssyncadd.s32 $0xFFFFFF80  }
0x40: {  	s17 =	simm.s32 $0x0;
	v3 =	vld [tilespmem:$0x14000]  }
.LBB2_10:
0x41: {  	s18 =	sshll.u32 s17, $0xE  }
0x42: {  	s18 =	sadd.s32 s6, s18  }
0x43: {  	s18 =	sshrl.u32 s18, $0x3  }
0x44: {  	s18 =	sadd.s32 s4, s18  }
0x45: {  	[tilespmem:s16], [sflag:$0x1] =	stream.linear.gather [hbm4b:s18+s16], $0x4000, $0x38;
	[tilespmem:$0x14080] =	vst v63  }
0x46: {  	_ =	swait.ge [sflag:s12], $0x4000  }
0x47: {  	[sflag:s12] =	ssyncset.done $0x0  }
0x48: {  	s19 =	simm.s32 $0x0;
	s18 =	simm.s32 $0x40;
	[sflag:s12] =	ssyncadd.s32 $0xFFFFC000  }
.LBB2_11:
0x49: {  	p0 =	sne.s32 s18, $0xFFC0;
	v4 =	vld [tilespmem:s19+$0x0];
	_ =	sdelay $0x4  }
0x4a: {  	v5 =	vshra.s32 v4, $0x1F  }
0x4b: {  	v5 =	vor.u32 $0x80000000, v5  }
0x4c: {  	v4 =	vxor.u32 v4, v5  }
0x4d: {  	v5 =	vshrl.u32 v4, $0x8  }
0x4e: {  	v4 =	vand.u32 $0xFFF, v4;
	vm0 =	veq.s32 v5, v3  }
0x4f: {  	v4 =	vor.u32 v1, v4  }
.Ltmp4:
0x50: {  	(pc) =	sbr.rel @p0 .LBB2_11-.Ltmp4, $2  }
0x51: {  	_ =	sdelay $0x2  }
0x52: {  	s19 =	sshra.s32 s18, $0x2;
	s18 =	sadd.s32 $0x40, s18;
	[tilespmem:v4+s13+$0x0] =	vst.idx.add.s32.msk vm0, v2  }
0x53: {  	v4 =	vld [tilespmem:s19+$0x0];
	_ =	sdelay $0x4  }
0x54: {  	v5 =	vshra.s32 v4, $0x1F  }
0x55: {  	v5 =	vor.u32 $0x80000000, v5  }
0x56: {  	v4 =	vxor.u32 v4, v5  }
0x57: {  	v5 =	vshrl.u32 v4, $0x8  }
0x58: {  	s17 =	sadd.s32 $0x1, s17;
	v4 =	vand.u32 $0xFFF, v4;
	vm0 =	veq.s32 v5, v3  }
0x59: {  	p0 =	sne.s32 s17, $0x20;
	v4 =	vor.u32 v1, v4  }
.Ltmp5:
0x5a: {  	_ = 	snop;
	(pc) =	sbr.rel @p0 .LBB2_10-.Ltmp5, $2  }
0x5b: {  	_ =	sdelay $0x2  }
0x5c: {  	[tilespmem:v4+s13+$0x0] =	vst.idx.add.s32.msk vm0, v2  }
0x5d: {  	s2 =	sadd.s32 $0x1, s2  }
0x5e: {  	p0 =	sne.s32 s2, s10  }
.Ltmp6:
0x5f: {  	_ = 	snop;
	(pc) =	sbr.rel @p0 .LBB2_1-.Ltmp6, $4  }
0x60: {  	[hbm4b:s9+s14] =	stream.strided.scatter [tilespmem:s13], [sflag:$0x1], $0x10000, s15, s14, $0x38;
	[tilespmem:$0x14080] =	vst v63  }
0x61: {  	_ =	swait.ge [sflag:s12], $0x10000  }
0x62: {  	[sflag:s12] =	ssyncset.done $0x0  }
0x63: {  	[sflag:s12] =	ssyncadd.s32 $0xFFFF0000  }
0x64: {  	_ =	sfence.sel $0x180000  }
0x65: {  	[bflag:$0x0] =	sbarrier.arrive $0xFFFF  }
0x66: {  	p0 =	sne.s32 s1, $0x0;
	_ =	strace $0x90000053  }
0x67: {  	s0 =	sadd.s32 @!p0 $0x100000, s0;
	[bflag:$0x2] =	sbarrier.arrive $0xFFFF  }
0x68: {  	[sflag:s0] =	ssyncadd.tile.s32 @!p0 $0x1;
	_ =	shalt  }
.Lfunc_end2:
_tile_overlayer_lowered:
.L_overlay_start_2:
0x69: {  	(tag) =	ssettag $0x2  }
0x6a: {  	s0 =	rddreg [dreg:$0x0];
	s2 =	stileid.u32  }
0x6b: {  	s1 =	rddreg [dreg:$0x1];
	p0 =	sne.s32 s2, $0x0  }
0x6c: {  	s3 =	rddreg [dreg:$0x2];
	[bflag:$0x3] =	sbarrier.arrive $0xFFFF;
	s2 =	simm.s32 @!p0 $0x1C01  }
0x6d: {  	[timem:s3], [sflag:s2] =	dma.local @!p0 [hbm:s0], s1  }
0x6e: {  	s0 =	simm.s32 @!p0 $0x1  }
0x6f: {  	_ =	swait.ge @!p0 [sflag:s0], s1  }
0x70: {  	s1 =	ssub.s32 @!p0 $0x0, s1;
	[sflag:s0] =	ssyncset.done @!p0 $0x0  }
0x71: {  	[sflag:s0] =	ssyncadd.s32 @!p0 s1  }
0x72: {  	[bflag:$0x3] =	sbarrier.arrive $0xFFFF  }
0x73: {  	_ =	shalt  }

// kernel: kernel.9.cloned.1.call-start
scs
__scs_entry_jumppad:
0x0: {  	(pc) =	sbr.rel $0x88, $3  }
0x1: {  	(tag) =	ssettag $0x0;
	lr =	simm.s32 $0x1  }
0x2: {  	[smem:$0x3F9D] =	sst lr;
	_ =	strace $0xD0000000  }
0x3: {  	_ = 	snop  }
0x4: {  	_ = 	snop  }
0x5: {  	_ = 	snop  }
0x6: {  	_ = 	snop  }
0x7: {  	_ = 	snop  }
__scs_overlays_trampoline_lowered:
0x8: {  	[smem:$0x3FAC] =	sst s0  }
0x9: {  	[smem:$0x3FAD] =	sst s1  }
0xa: {  	[smem:$0x3FAE] =	sst s2  }
0xb: {  	[smem:$0x3FAF] =	sst s3  }
0xc: {  	[smem:$0x3FB0] =	sst s4  }
0xd: {  	[smem:$0x3FB1] =	sst s5  }
0xe: {  	[smem:$0x3FB2] =	sst s6  }
0xf: {  	[smem:$0x3FB3] =	sst s7  }
0x10: {  	[smem:$0x3FB4] =	sst s8  }
0x11: {  	[smem:$0x3FB5] =	sst s9;
	s0 =	simm.s32 @!p0 $0x0  }
0x12: {  	s1 =	sld [smem:$0x3F9B];
	s0 =	simm.s32 @p0 $0x1  }
0x13: {  	[smem:$0x3FB6] =	sst s0;
	s0 =	simm.s32 @!p1 $0x0  }
0x14: {  	s2 =	sld [smem:$0x3F9A];
	s0 =	simm.s32 @p1 $0x1  }
0x15: {  	[smem:$0x3FB7] =	sst s0;
	s0 =	simm.s32 @!p2 $0x0  }
0x16: {  	s3 =	sld [smem:$0x3FDB];
	s0 =	simm.s32 @p2 $0x1  }
0x17: {  	s4 =	simm.s32 $0x1BF5;
	[smem:$0x3FB9] =	sst s0  }
0x18: {  	s0 =	sld [smem:$0x3F9C];
	_ =	swait.ge [sflag:s4], $0x0  }
0x19: {  	s7 =	sld [smem:$0x3F9D]  }
0x1a: {  	s8 =	sadd.s32 $0xFFFFE003, lr  }
0x1b: {  	s9 =	sadd.s32 $0xFFFFFEF7, lr;
	s5 =	simm.s32 $0xFFFFFFFF;
	p2 =	slt.u32 s8, $0xFFFFF086  }
0x1c: {  	p1 =	slt.u32 s9, $0xF7A;
	s5 =	simm.s32 @!p2 $0x0  }
0x1d: {  	s5 =	simm.s32 @p1 $0x1;
	p0 =	seq.s32 s7, s2  }
0x1e: {  	s7 =	smul.u32 @!p0 $0xF7A, s2;
	p2 =	seq.s32 @!p0 s5, $0x0  }
0x1f: {  	s9 =	smul.u32 $0xF7A, s1;
	s8 =	simm.s32 @!p0 $0x1BF5;
	p2 =	por !p2, p0  }
0x20: {  	[sflag:s8] =	ssyncset.s32 @!p0 $0xFFFFF086;
	s6 =	sadd.s32 @!p0 s3, s7;
	s7 =	simm.s32 @!p0 $0x108  }
0x21: {  	s3 =	sadd.s32 s3, s9;
	s6 =	sadd.s32 @!p0 $0x88, s6;
	s7 =	simm.s32 @p2 $0x1082  }
0x22: {  	[simem:s7], [sflag:s8] =	dma.local @!p0 [hbm:s6], $0xF7A  }
0x23: {  	s9 =	sor.u32 $0xD0000000, s2;
	s6 =	simm.s32 $0x108;
	_ =	swait.ge @!p0 [sflag:s8], $0x0  }
0x24: {  	s3 =	sadd.s32 $0x88, s3;
	s6 =	simm.s32 @!p1 $0x1082;
	[sflag:s4] =	ssyncset.s32 $0xFFFFF086  }
0x25: {  	[simem:s6], [sflag:s4] =	dma.local [hbm:s3], $0xF7A  }
0x26: {  	[smem:$0x3F9D] =	sst s1;
	(tag) =	ssettag s2;
	_ =	strace s9  }
0x27: {  	s1 =	sld [smem:$0x3FAD]  }
0x28: {  	s2 =	sld [smem:$0x3FAE]  }
0x29: {  	s4 =	sld [smem:$0x3FB0]  }
0x2a: {  	p0 =	seq.s32 s5, $0x0;
	s5 =	sld [smem:$0x3FB1]  }
0x2b: {  	s6 =	sld [smem:$0x3FB2]  }
0x2c: {  	s7 =	sld [smem:$0x3FB3]  }
0x2d: {  	s3 =	simm.s32 $0x108;
	s8 =	sld [smem:$0x3FB4]  }
0x2e: {  	s3 =	simm.s32 @!p0 $0x1082;
	s9 =	sld [smem:$0x3FB5]  }
0x2f: {  	lr =	sadd.s32 s0, s3;
	s0 =	sld [smem:$0x3FAC]  }
0x30: {  	s3 =	sld [smem:$0x3FAF]  }
0x31: {  	[smem:$0x3FB8] =	sst s10  }
0x32: {  	s10 =	sld [smem:$0x3FB6];
	_ =	sdelay $0x3  }
0x33: {  	p0 =	seq.s32 s10, $0x1;
	s10 =	sld [smem:$0x3FB8];
	_ =	sdelay $0x3  }
0x34: {  	[smem:$0x3FB8] =	sst s10  }
0x35: {  	s10 =	sld [smem:$0x3FB7];
	_ =	sdelay $0x3  }
0x36: {  	p1 =	seq.s32 s10, $0x1;
	s10 =	sld [smem:$0x3FB8];
	_ =	sdelay $0x3  }
0x37: {  	[smem:$0x3FB8] =	sst s10  }
0x38: {  	s10 =	sld [smem:$0x3FB9]  }
0x39: {  	_ = 	snop;
	(pc) =	sbr.ind lr, $3  }
0x3a: {  	_ = 	snop  }
0x3b: {  	_ = 	snop  }
0x3c: {  	p2 =	seq.s32 s10, $0x1;
	s10 =	sld [smem:$0x3FB8]  }
0x3d: {  	_ =	shalt  }
0x3e: {  	_ =	shalt  }
0x3f: {  	_ =	shalt  }
0x40: {  	_ =	shalt  }
0x41: {  	_ =	shalt  }
0x42: {  	_ =	shalt  }
0x43: {  	_ =	shalt  }
0x44: {  	_ =	shalt  }
0x45: {  	_ =	shalt  }
0x46: {  	_ =	shalt  }
0x47: {  	_ =	shalt  }
0x48: {  	_ =	shalt  }
0x49: {  	_ =	shalt  }
0x4a: {  	_ =	shalt  }
0x4b: {  	_ =	shalt  }
0x4c: {  	_ =	shalt  }
0x4d: {  	_ =	shalt  }
0x4e: {  	_ =	shalt  }
0x4f: {  	_ =	shalt  }
0x50: {  	_ =	shalt  }
0x51: {  	_ =	shalt  }
0x52: {  	_ =	shalt  }
0x53: {  	_ =	shalt  }
0x54: {  	_ =	shalt  }
0x55: {  	_ =	shalt  }
0x56: {  	_ =	shalt  }
0x57: {  	_ =	shalt  }
0x58: {  	_ =	shalt  }
0x59: {  	_ =	shalt  }
0x5a: {  	_ =	shalt  }
0x5b: {  	_ =	shalt  }
0x5c: {  	_ =	shalt  }
0x5d: {  	_ =	shalt  }
0x5e: {  	_ =	shalt  }
0x5f: {  	_ =	shalt  }
0x60: {  	_ =	shalt  }
0x61: {  	_ =	shalt  }
0x62: {  	_ =	shalt  }
0x63: {  	_ =	shalt  }
0x64: {  	_ =	shalt  }
0x65: {  	_ =	shalt  }
0x66: {  	_ =	shalt  }
0x67: {  	_ =	shalt  }
0x68: {  	_ =	shalt  }
0x69: {  	_ =	shalt  }
0x6a: {  	_ =	shalt  }
0x6b: {  	_ =	shalt  }
0x6c: {  	_ =	shalt  }
0x6d: {  	_ =	shalt  }
0x6e: {  	_ =	shalt  }
0x6f: {  	_ =	shalt  }
0x70: {  	_ =	shalt  }
0x71: {  	_ =	shalt  }
0x72: {  	_ =	shalt  }
0x73: {  	_ =	shalt  }
0x74: {  	_ =	shalt  }
0x75: {  	_ =	shalt  }
0x76: {  	_ =	shalt  }
0x77: {  	_ =	shalt  }
0x78: {  	_ =	shalt  }
0x79: {  	_ =	shalt  }
0x7a: {  	_ =	shalt  }
0x7b: {  	_ =	shalt  }
0x7c: {  	_ =	shalt  }
0x7d: {  	_ =	shalt  }
0x7e: {  	_ =	shalt  }
0x7f: {  	_ =	shalt  }
0x80: {  	_ =	shalt  }
0x81: {  	_ =	shalt  }
0x82: {  	_ =	shalt  }
0x83: {  	_ =	shalt  }
0x84: {  	_ =	shalt  }
0x85: {  	_ =	shalt  }
0x86: {  	_ =	shalt  }
0x87: {  	_ =	shalt  }
.Lfunc_end0:
.L_simem_size_0:
called_computation.2_lowered:
.L_overlay_start_0:
0x88: {  	s2 =	sld [smem:$0x3FD9]  }
0x89: {  	s3 =	sld [smem:$0x3FFE];
	_ =	sdelay $0x1  }
0x8a: {  	s1 =	srdreg.scid  }
0x8b: {  	s0 =	sand.u32 $0x1, s1  }
0x8c: {  	s16 =	sshll.u32 s0, $0xA;
	s2 =	sadd.s32 s3, s2  }
0x8d: {  	s2 =	sadd.s32 s2, s16  }
0x8e: {  	[smem:$0x3FC4] =	sst s2  }
0x8f: {  	_ = 	snop  }
0x90: {  	(tm) =	ssettm $0x1  }
0x91: {  	s17 =	sld [smem:$0x3FFB];
	_ =	sdelay $0x3  }
0x92: {  	_ =	strace s17  }
0x93: {  	s2 =	sld [smem:$0x3FFC];
	_ =	sdelay $0x3  }
0x94: {  	_ =	strace s2  }
0x95: {  	s2 =	sld [smem:$0x3FFD];
	_ =	sdelay $0x3  }
0x96: {  	_ =	strace s2  }
0x97: {  	_ =	strace $0x8FFFFFFF  }
0x98: {  	s18 =	sld [smem:$0x3FDB];
	_ =	sdelay $0x1  }
0x99: {  	s19 =	simm.s32 $_scs_section_size  }
0x9a: {  	s4 =	simm.s32 $_size__tile_overlayer_lowered;
	s5 =	simm.s32 $_tile_overlayer_lowered  }
0x9b: {  	s22 =	simm.s32 $0x1BFF;
	s21 =	sshll.u32 s5, $0x1;
	s2 =	sadd.s32 s19, s18  }
0x9c: {  	s6 =	simm.s32 $0x0;
	s20 =	sshll.u32 s4, $0x1;
	s4 =	sadd.s32 s21, s2  }
0x9d: {  	[timem:s6], [sflag:s22] =	dma.local [hbm:s4], s20  }
0x9e: {  	_ =	swait.ge [sflag:s22], s20  }
0x9f: {  	s3 =	ssub.s32 $0x0, s20;
	[sflag:s22] =	ssyncset.done $0x0  }
0xa0: {  	[sflag:s22] =	ssyncadd.s32 s3;
	_ =	sdelay $0x1  }
0xa1: {  	s23 =	simm.s32 $0x1B8B  }
0xa2: {  	_ =	swait.ge [sflag:s23], $0x1  }
0xa3: {  	[sflag:s23] =	ssyncset.done $0x0  }
0xa4: {  	s25 =	simm.s32 $0x1B8E;
	s24 =	sld [smem:$0x3FFE];
	[sflag:s23] =	ssyncadd.s32 $0xFFFFFFFF  }
0xa5: {  	s26 =	simm.s32 $execute0_lowered;
	[smem:$0x3FD2] =	sst s25  }
0xa6: {  	s4 =	sshll.u32 s26, $0x1;
	_ =	strace $0x8000004C;
	[dreg:$0x1] =	wrdreg $0xFFFFFFFF  }
0xa7: {  	s28 =	simm.s32 $_size_execute0_lowered;
	s2 =	sadd.s32 s2, s4;
	[dreg:$0x0] =	wrdreg $0x0  }
0xa8: {  	s4 =	sshll.u32 s28, $0x1;
	[dreg:$0x2] =	wrdreg s2  }
0xa9: {  	[dreg:$0x3] =	wrdreg s4  }
0xaa: {  	[dreg:$0x4] =	wrdreg $0xC0  }
0xab: {  	_ =	task [dreg:s6], $0x5FFFF  }
0xac: {  	[dreg:$0x1] =	wrdreg $0xFFFFFFFF  }
0xad: {  	[dreg:$0x0] =	wrdreg $0x60  }
0xae: {  	[dreg:$0x2] =	wrdreg s24  }
0xaf: {  	[dreg:$0x3] =	wrdreg $0x9  }
0xb0: {  	_ =	task.clear_ibuf [dreg:s6], $0x4FFFF;
	_ =	strace $0x9000004C  }
0xb1: {  	s29 =	simm.s32 $0x9;
	_ =	strace $0x8000004E  }
0xb2: {  	_ =	swait.ge [sflag:s29], $0x1  }
0xb3: {  	[sflag:s29] =	ssyncadd.s32 $0xFFFFFFFF  }
0xb4: {  	_ =	strace $0x9000004E  }
0xb5: {  	_ =	sfence  }
0xb6: {  	s30 =	sld [smem:$0x0];
	_ =	sdelay $0x2  }
0xb7: {  	s31 =	sshll.u32 s1, $0xD;
	s1 =	sshrl.u32 s1, $0x2  }
0xb8: {  	s3 =	sand.u32 $0x4000, s31;
	s1 =	sadd.s32 s1, s30  }
0xb9: {  	s0 =	sor.u32 s3, s0;
	s1 =	sshll.u32 s1, $0x11  }
0xba: {  	s0 =	sor.u32 s1, s0  }
0xbb: {  	s0 =	sadd.s32 $0x8F2B, s0  }
0xbc: {  	[sflag:s0] =	ssyncadd.remote.s32 $0x1  }
0xbd: {  	_ =	sfence.sel $0xFFFF  }
0xbe: {  	[dreg:$0x0] =	wrdreg $0xFFFFFFFF;
	(pc) =	sbr.abs _section_cstart, $3  }
0xbf: {  	[dreg:$0x1] =	wrdreg $0xFFFFFFFF  }
0xc0: {  	_ =	task.clear_ibuf [dreg:s6], $0x2FFFF;
	_ =	strace $0x9FFFFFFF  }
0xc1: {  	(tm) =	ssettm $0x7FFFFFFF  }
tec
execute0_lowered:
.L_overlay_start_1:
0x0: {  	(tag) =	ssettag $0x1  }
0x1: {  	s8 =	rddreg [dreg:$0x0]  }
0x2: {  	s0 =	rddreg [dreg:$0x1];
	s2 =	simm.s32 $0x0;
	s3 =	srdreg.scid  }
0x3: {  	s1 =	stileid.u32;
	s12 =	simm.s32 $0x1;
	s13 =	simm.s32 $0x4000  }
0x4: {  	s14 =	simm.s32 $0x80;
	s15 =	simm.s32 $0x400;
	[smem:$0x7FF] =	sst s2  }
0x5: {  	s5 =	sand.u32 $0x1, s3;
	s30 =	sshll.u32 s1, $0x1;
	s3 =	sadd.s32 $0x602600, s8  }
0x6: {  	s7 =	sshll.u32 s1, $0xE;
	s4 =	sadd.s32 $0x202600, s8;
	s6 =	sor.u32 s5, s30  }
0x7: {  	_ =	strace $0x8000004D;
	s31 =	ssub.s32 $0x2, s5;
	s9 =	sshll.u32 s6, $0x4  }
0x8: {  	s5 =	sadd.s32 $0x2600, s8;
	s10 =	sshrl.u32 s31, $0x1;
	s7 =	sor.u32 s7, s9  }
0x9: {  	s6 =	sshll.u32 s6, $0x13;
	s10 =	ssub.s32 s31, s10;
	s7 =	sand.u32 $0x30070, s7  }
0xa: {  	v1 =	vlaneseq.u32;
	s10 =	smax.u32 s10, $0x1;
	s11 =	sadd.s32 s7, s8;
	s8 =	sadd.s32 $0x2610, s8  }
0xb: {  	v0 =	vimm.s32 $0x0;
	v2 =	vimm.s32 $0x1;
	v1 =	vmul.u32 $0x1000, v1;
	s7 =	sadd.s32 $0x2800, s11;
	s9 =	sadd.s32 $0x42800, s11;
	s11 =	simm.s32 $0x14000  }
.LBB2_1:
0xc: {  	s16 =	simm.s32 $0x40;
	s17 =	simm.s32 $0x0  }
.LBB2_2:
0xd: {  	p0 =	sne.s32 s16, $0x3FFC0;
	[tilespmem:s17+$0x4000] =	vst v0;
	s17 =	smov.u32 s16;
	s16 =	sadd.s32 $0x40, s16  }
.Ltmp0:
0xe: {  	(pc) =	sbr.rel @p0 .LBB2_2-.Ltmp0, $2  }
0xf: {  	_ =	sdelay $0x2  }
0x10: {  	s17 =	sshra.s32 s17, $0x2  }
0x11: {  	[tilespmem:s17+$0x4000] =	vst v0;
	s16 =	simm.s32 $0x0  }
0x12: {  	[tilespmem:s11], [sflag:$0x1] =	stream.linear.gather [hbm4b:s5+s16], $0x80, $0x38;
	[tilespmem:$0x14080] =	vst v63  }
0x13: {  	_ =	swait.ge [sflag:s12], $0x80  }
0x14: {  	[sflag:s12] =	ssyncset.done $0x0  }
0x15: {  	s17 =	simm.s32 $0x0;
	[sflag:s12] =	ssyncadd.s32 $0xFFFFFF80  }
.LBB2_4:
0x16: {  	s18 =	sshll.u32 s17, $0xE  }
0x17: {  	s18 =	sadd.s32 s6, s18  }
0x18: {  	s18 =	sshrl.u32 s18, $0x3  }
0x19: {  	s18 =	sadd.s32 s3, s18  }
0x1a: {  	[tilespmem:s16], [sflag:$0x1] =	stream.linear.gather [hbm4b:s18+s16], $0x4000, $0x38;
	[tilespmem:$0x14080] =	vst v63  }
0x1b: {  	_ =	swait.ge [sflag:s12], $0x4000  }
0x1c: {  	[sflag:s12] =	ssyncset.done $0x0  }
0x1d: {  	s19 =	simm.s32 $0x0;
	s18 =	simm.s32 $0x40;
	[sflag:s12] =	ssyncadd.s32 $0xFFFFC000  }
.LBB2_5:
0x1e: {  	p0 =	sne.s32 s18, $0xFFC0;
	v3 =	vld [tilespmem:s19+$0x0];
	_ =	sdelay $0x4  }
0x1f: {  	v4 =	vshra.s32 v3, $0x1F  }
0x20: {  	v4 =	vor.u32 $0x80000000, v4  }
0x21: {  	v3 =	vxor.u32 v3, v4  }
0x22: {  	v3 =	vshrl.u32 v3, $0x14  }
0x23: {  	v4 =	vand.u32 $0xF80, v3  }
0x24: {  	v3 =	vand.u32 $0x7F, v3;
	v4 =	vor.u32 v1, v4  }
0x25: {  	v3 =	vor.u32 v3, v4  }
.Ltmp1:
0x26: {  	(pc) =	sbr.rel @p0 .LBB2_5-.Ltmp1, $2  }
0x27: {  	_ =	sdelay $0x2  }
0x28: {  	s19 =	sshra.s32 s18, $0x2;
	s18 =	sadd.s32 $0x40, s18;
	[tilespmem:v3+s13+$0x0] =	vst.idx.add.s32.msk $0xffff, v2  }
0x29: {  	v3 =	vld [tilespmem:s19+$0x0];
	_ =	sdelay $0x4  }
0x2a: {  	v4 =	vshra.s32 v3, $0x1F  }
0x2b: {  	v4 =	vor.u32 $0x80000000, v4  }
0x2c: {  	v3 =	vxor.u32 v3, v4  }
0x2d: {  	v3 =	vshrl.u32 v3, $0x14  }
0x2e: {  	v63 =	vand.u32 $0xF80, v3  }
0x2f: {  	s17 =	sadd.s32 $0x1, s17;
	v3 =	vand.u32 $0x7F, v3;
	v4 =	vor.u32 v1, v63  }
0x30: {  	p0 =	sne.s32 s17, $0x20;
	v3 =	vor.u32 v3, v4  }
.Ltmp2:
0x31: {  	_ = 	snop;
	(pc) =	sbr.rel @p0 .LBB2_4-.Ltmp2, $2  }
0x32: {  	_ =	sdelay $0x2  }
0x33: {  	[tilespmem:v3+s13+$0x0] =	vst.idx.add.s32.msk $0xffff, v2  }
0x34: {  	[hbm4b:s7+s14] =	stream.strided.scatter [tilespmem:s13], [sflag:$0x1], $0x10000, s15, s14, $0x38;
	[tilespmem:$0x14080] =	vst v63  }
0x35: {  	_ =	swait.ge [sflag:s12], $0x10000  }
0x36: {  	[sflag:s12] =	ssyncset.done $0x0  }
0x37: {  	s16 =	simm.s32 $0x40;
	s17 =	simm.s32 $0x0;
	[sflag:s12] =	ssyncadd.s32 $0xFFFF0000  }
.LBB2_8:
0x38: {  	p0 =	sne.s32 s16, $0x3FFC0;
	[tilespmem:s17+$0x4000] =	vst v0;
	s17 =	smov.u32 s16;
	s16 =	sadd.s32 $0x40, s16  }
.Ltmp3:
0x39: {  	(pc) =	sbr.rel @p0 .LBB2_8-.Ltmp3, $2  }
0x3a: {  	_ =	sdelay $0x2  }
0x3b: {  	s17 =	sshra.s32 s17, $0x2  }
0x3c: {  	[tilespmem:s17+$0x4000] =	vst v0;
	s16 =	simm.s32 $0x0  }
0x3d: {  	[tilespmem:s11], [sflag:$0x1] =	stream.linear.gather [hbm4b:s8+s16], $0x80, $0x38;
	[tilespmem:$0x14080] =	vst v63  }
0x3e: {  	_ =	swait.ge [sflag:s12], $0x80  }
0x3f: {  	[sflag:s12] =	ssyncset.done $0x0  }
0x40: {  	s17 =	simm.s32 $0x0;
	[sflag:s12] =	ssyncadd.s32 $0xFFFFFF80  }
.LBB2_10:
0x41: {  	s18 =	sshll.u32 s17, $0xE  }
0x42: {  	s18 =	sadd.s32 s6, s18  }
0x43: {  	s18 =	sshrl.u32 s18, $0x3  }
0x44: {  	s18 =	sadd.s32 s4, s18  }
0x45: {  	[tilespmem:s16], [sflag:$0x1] =	stream.linear.gather [hbm4b:s18+s16], $0x4000, $0x38;
	[tilespmem:$0x14080] =	vst v63  }
0x46: {  	_ =	swait.ge [sflag:s12], $0x4000  }
0x47: {  	[sflag:s12] =	ssyncset.done $0x0  }
0x48: {  	s19 =	simm.s32 $0x0;
	s18 =	simm.s32 $0x40;
	[sflag:s12] =	ssyncadd.s32 $0xFFFFC000  }
.LBB2_11:
0x49: {  	p0 =	sne.s32 s18, $0xFFC0;
	v3 =	vld [tilespmem:s19+$0x0];
	_ =	sdelay $0x4  }
0x4a: {  	v4 =	vshra.s32 v3, $0x1F  }
0x4b: {  	v4 =	vor.u32 $0x80000000, v4  }
0x4c: {  	v3 =	vxor.u32 v3, v4  }
0x4d: {  	v3 =	vshrl.u32 v3, $0x14  }
0x4e: {  	v4 =	vand.u32 $0xF80, v3  }
0x4f: {  	v3 =	vand.u32 $0x7F, v3;
	v4 =	vor.u32 v1, v4  }
0x50: {  	v3 =	vor.u32 v3, v4  }
.Ltmp4:
0x51: {  	(pc) =	sbr.rel @p0 .LBB2_11-.Ltmp4, $2  }
0x52: {  	_ =	sdelay $0x2  }
0x53: {  	s19 =	sshra.s32 s18, $0x2;
	s18 =	sadd.s32 $0x40, s18;
	[tilespmem:v3+s13+$0x0] =	vst.idx.add.s32.msk $0xffff, v2  }
0x54: {  	v3 =	vld [tilespmem:s19+$0x0];
	_ =	sdelay $0x4  }
0x55: {  	v4 =	vshra.s32 v3, $0x1F  }
0x56: {  	v4 =	vor.u32 $0x80000000, v4  }
0x57: {  	v3 =	vxor.u32 v3, v4  }
0x58: {  	v3 =	vshrl.u32 v3, $0x14  }
0x59: {  	v63 =	vand.u32 $0xF80, v3  }
0x5a: {  	s17 =	sadd.s32 $0x1, s17;
	v3 =	vand.u32 $0x7F, v3;
	v4 =	vor.u32 v1, v63  }
0x5b: {  	p0 =	sne.s32 s17, $0x20;
	v3 =	vor.u32 v3, v4  }
.Ltmp5:
0x5c: {  	_ = 	snop;
	(pc) =	sbr.rel @p0 .LBB2_10-.Ltmp5, $2  }
0x5d: {  	_ =	sdelay $0x2  }
0x5e: {  	[tilespmem:v3+s13+$0x0] =	vst.idx.add.s32.msk $0xffff, v2  }
0x5f: {  	s2 =	sadd.s32 $0x1, s2  }
0x60: {  	p0 =	sne.s32 s2, s10  }
.Ltmp6:
0x61: {  	_ = 	snop;
	(pc) =	sbr.rel @p0 .LBB2_1-.Ltmp6, $4  }
0x62: {  	[hbm4b:s9+s14] =	stream.strided.scatter [tilespmem:s13], [sflag:$0x1], $0x10000, s15, s14, $0x38;
	[tilespmem:$0x14080] =	vst v63  }
0x63: {  	_ =	swait.ge [sflag:s12], $0x10000  }
0x64: {  	[sflag:s12] =	ssyncset.done $0x0  }
0x65: {  	[sflag:s12] =	ssyncadd.s32 $0xFFFF0000  }
0x66: {  	_ =	sfence.sel $0x180000  }
0x67: {  	[bflag:$0x0] =	sbarrier.arrive $0xFFFF  }
0x68: {  	p0 =	sne.s32 s1, $0x0;
	_ =	strace $0x9000004D  }
0x69: {  	s0 =	sadd.s32 @!p0 $0x100000, s0;
	[bflag:$0x2] =	sbarrier.arrive $0xFFFF  }
0x6a: {  	[sflag:s0] =	ssyncadd.tile.s32 @!p0 $0x1;
	_ =	shalt  }
.Lfunc_end2:
_tile_overlayer_lowered:
.L_overlay_start_2:
0x6b: {  	(tag) =	ssettag $0x2  }
0x6c: {  	s0 =	rddreg [dreg:$0x0];
	s2 =	stileid.u32  }
0x6d: {  	s1 =	rddreg [dreg:$0x1];
	p0 =	sne.s32 s2, $0x0  }
0x6e: {  	s3 =	rddreg [dreg:$0x2];
	[bflag:$0x3] =	sbarrier.arrive $0xFFFF;
	s2 =	simm.s32 @!p0 $0x1C01  }
0x6f: {  	[timem:s3], [sflag:s2] =	dma.local @!p0 [hbm:s0], s1  }
0x70: {  	s0 =	simm.s32 @!p0 $0x1  }
0x71: {  	_ =	swait.ge @!p0 [sflag:s0], s1  }
0x72: {  	s1 =	ssub.s32 @!p0 $0x0, s1;
	[sflag:s0] =	ssyncset.done @!p0 $0x0  }
0x73: {  	[sflag:s0] =	ssyncadd.s32 @!p0 s1  }
0x74: {  	[bflag:$0x3] =	sbarrier.arrive $0xFFFF  }
0x75: {  	_ =	shalt  }

// kernel: sparse-core-data-format-call.1.cloned.1.call-start
scs
called_computation.1_lowered:
.L_overlay_start_0:
0x0: {  	s2 =	sld [smem:$0x3FD9]  }
0x1: {  	s3 =	sld [smem:$0x3FFE];
	_ =	sdelay $0x1  }
0x2: {  	s1 =	srdreg.scid  }
0x3: {  	s0 =	sand.u32 $0x1, s1  }
0x4: {  	s18 =	sshll.u32 s0, $0xA;
	s2 =	sadd.s32 s3, s2  }
0x5: {  	s2 =	sadd.s32 s2, s18  }
0x6: {  	[smem:$0x3FC4] =	sst s2  }
0x7: {  	_ = 	snop  }
0x8: {  	(tm) =	ssettm $0x1  }
0x9: {  	s19 =	sld [smem:$0x3FFB];
	_ =	sdelay $0x3  }
0xa: {  	_ =	strace s19  }
0xb: {  	s2 =	sld [smem:$0x3FFC];
	_ =	sdelay $0x3  }
0xc: {  	_ =	strace s2  }
0xd: {  	s2 =	sld [smem:$0x3FFD];
	_ =	sdelay $0x3  }
0xe: {  	_ =	strace s2  }
0xf: {  	_ =	strace $0x8FFFFFFF  }
0x10: {  	s20 =	sld [smem:$0x3FDB];
	_ =	sdelay $0x1  }
0x11: {  	s21 =	simm.s32 $_scs_section_size  }
0x12: {  	s4 =	simm.s32 $_size__tile_overlayer_lowered;
	s5 =	simm.s32 $_tile_overlayer_lowered  }
0x13: {  	s6 =	simm.s32 $0x1BFF;
	s22 =	sshll.u32 s5, $0x1;
	s3 =	sadd.s32 s21, s20  }
0x14: {  	s23 =	simm.s32 $0x0;
	s4 =	sshll.u32 s4, $0x1;
	s5 =	sadd.s32 s22, s3  }
0x15: {  	[timem:s23], [sflag:s6] =	dma.local [hbm:s5], s4  }
0x16: {  	_ =	swait.ge [sflag:s6], s4  }
0x17: {  	s4 =	ssub.s32 $0x0, s4;
	[sflag:s6] =	ssyncset.done $0x0  }
0x18: {  	[sflag:s6] =	ssyncadd.s32 s4;
	_ =	sdelay $0x1  }
0x19: {  	s24 =	simm.s32 $0x1B8B  }
0x1a: {  	_ =	swait.ge [sflag:s24], $0x1  }
0x1b: {  	[sflag:s24] =	ssyncset.done $0x0  }
0x1c: {  	[sflag:s24] =	ssyncadd.s32 $0xFFFFFFFF  }
0x1d: {  	s4 =	sld [smem:$0x0]  }
0x1e: {  	s5 =	sand.u32 $0xFFFFFFFE, s1  }
0x1f: {  	p0 =	sne.s32 s1, s5  }
0x20: {  	s5 =	sshll.u32 @p0 s5, $0xE  }
0x21: {  	s5 =	sadd.s32 @p0 $0x11B8D, s5;
	s6 =	sshll.u32 @p0 s4, $0x11  }
0x22: {  	s5 =	sor.u32 @p0 s6, s5  }
0x23: {  	[sflag:s5] =	ssyncadd.remote.s32 @p0 $0x1;
	_ =	sdelay $0x1  }
0x24: {  	s5 =	simm.s32 @p0 $0x1B8D  }
0x25: {  	_ =	swait.eq @p0 [sflag:s5], $0x1  }
0x26: {  	[sflag:s5] =	ssyncadd.s32 @p0 $0xFFFFFFFF  }
0x27: {  	s6 =	sshll.u32 @!p0 s1, $0xE  }
0x28: {  	s6 =	sor.u32 @!p0 $0x4000, s6;
	s5 =	simm.s32 @!p0 $0x1B8D  }
0x29: {  	s4 =	sshll.u32 @!p0 s4, $0x11;
	s6 =	sadd.s32 @!p0 $0x11B8D, s6;
	_ =	swait.eq @!p0 [sflag:s5], $0x1  }
0x2a: {  	s4 =	sor.u32 @!p0 s4, s6;
	[sflag:s5] =	ssyncadd.s32 @!p0 $0xFFFFFFFF  }
0x2b: {  	s26 =	simm.s32 $0x1B8E;
	s25 =	sld [smem:$0x3FFE];
	[sflag:s4] =	ssyncadd.remote.s32 @!p0 $0x1  }
0x2c: {  	s27 =	simm.s32 $execute0_lowered;
	[smem:$0x3FD2] =	sst s26  }
0x2d: {  	s5 =	sshll.u32 s27, $0x1;
	_ =	strace $0x80000049;
	[dreg:$0x1] =	wrdreg $0xFFFFFFFF  }
0x2e: {  	s28 =	simm.s32 $_size_execute0_lowered;
	s3 =	sadd.s32 s3, s5;
	[dreg:$0x0] =	wrdreg $0x0  }
0x2f: {  	s5 =	sshll.u32 s28, $0x1;
	[dreg:$0x2] =	wrdreg s3  }
0x30: {  	[dreg:$0x3] =	wrdreg s5  }
0x31: {  	[dreg:$0x4] =	wrdreg $0xC0  }
0x32: {  	_ =	task [dreg:s23], $0x5FFFF  }
0x33: {  	[dreg:$0x1] =	wrdreg $0xFFFFFFFF  }
0x34: {  	[dreg:$0x0] =	wrdreg $0x60  }
0x35: {  	[dreg:$0x2] =	wrdreg s25  }
0x36: {  	[dreg:$0x3] =	wrdreg $0xA  }
0x37: {  	_ =	task.clear_ibuf [dreg:s23], $0x4FFFF;
	_ =	strace $0x90000049  }
0x38: {  	s29 =	simm.s32 $0xA;
	_ =	strace $0x8000004B  }
0x39: {  	_ =	swait.ge [sflag:s29], $0x1  }
0x3a: {  	[sflag:s29] =	ssyncadd.s32 $0xFFFFFFFF  }
0x3b: {  	_ =	strace $0x9000004B  }
0x3c: {  	_ =	sfence  }
0x3d: {  	s30 =	sld [smem:$0x0];
	_ =	sdelay $0x2  }
0x3e: {  	s31 =	sshll.u32 s1, $0xD;
	s1 =	sshrl.u32 s1, $0x2  }
0x3f: {  	s4 =	sand.u32 $0x4000, s31;
	s1 =	sadd.s32 s1, s30  }
0x40: {  	s0 =	sor.u32 s4, s0;
	s1 =	sshll.u32 s1, $0x11  }
0x41: {  	s0 =	sor.u32 s1, s0  }
0x42: {  	s0 =	sadd.s32 $0x8F2B, s0  }
0x43: {  	[sflag:s0] =	ssyncadd.remote.s32 $0x1  }
0x44: {  	_ =	sfence.sel $0xFFFF  }
0x45: {  	[dreg:$0x0] =	wrdreg $0xFFFFFFFF;
	(pc) =	sbr.abs _section_cstart, $3  }
0x46: {  	[dreg:$0x1] =	wrdreg $0xFFFFFFFF  }
0x47: {  	_ =	task.clear_ibuf [dreg:s23], $0x2FFFF;
	_ =	strace $0x9FFFFFFF  }
0x48: {  	(tm) =	ssettm $0x7FFFFFFF  }
0x49: {  	_ =	shalt  }
tec
execute0_lowered:
.L_overlay_start_1:
0x0: {  	(tag) =	ssettag $0x1  }
0x1: {  	s1 =	rddreg [dreg:$0x0]  }
0x2: {  	s0 =	rddreg [dreg:$0x1]  }
0x3: {  	_ =	strace $0x8000004A;
	s4 =	srdreg.scid;
	s6 =	simm.s32 $0x2  }
.Ltmp0:
0x4: {  	p0 =	por $0x0, $0x0;
	s9 =	simm.s32 $0x0;
	(pc) =	sbr.rel .LBB1_1-.Ltmp0, $4  }
0x5: {  	s2 =	sadd.s32 $0x402600, s1;
	s3 =	sadd.s32 $0x602600, s1;
	s5 =	sshll.u32 s4, $0x4  }
0x6: {  	s1 =	stileid.u32;
	s4 =	simm.s32 $0x1;
	s5 =	sand.u32 $0x10, s5  }
0x7: {  	s7 =	simm.s32 $0x0;
	[sflag:s4] =	ssyncpa.u1 $0x0;
	s5 =	sor.u32 s1, s5  }
0x8: {  	[sflag:s6] =	ssyncpa.u1 $0x0;
	s6 =	simm.s32 $0x0;
	s8 =	smov.u32 s5  }
.LBB1_7:
0x9: {  	s11 =	sadd.s32 $0x20, s8  }
0xa: {  	p1 =	slt.u32 s7, $0x2;
	s7 =	sadd.s32 $0x1, s7;
	p2 =	sgt.s32 s11, $0x3FF  }
0xb: {  	s11 =	smov.u32 @p2 s5;
	p2 =	sne.s32 s7, $0x22  }
.Ltmp1:
0xc: {  	_ = 	snop;
	(pc) =	sbr.rel @!p2 .LBB1_8-.Ltmp1, $4  }
0xd: {  	s10 =	simm.s32 @!p1 $0x2  }
0xe: {  	_ =	swait.ge @!p1 [sflag:s10], $0x4000  }
0xf: {  	s9 =	smov.u32 s8;
	[sflag:s10] =	ssyncset.done @!p1 $0x0  }
0x10: {  	p0 =	por !p0, !p0;
	s8 =	smov.u32 s11;
	[sflag:s10] =	ssyncadd.s32 @!p1 $0xFFFFC000  }
.LBB1_1:
0x11: {  	p1 =	sgt.u32 s7, $0x1F  }
0x12: {  	s10 =	sxor.u32 @!p1 $0xFFFFFFFF, s7  }
0x13: {  	s11 =	sshll.u32 @!p1 s8, $0xB;
	s10 =	sshll.u32 @!p1 s10, $0xE  }
0x14: {  	s12 =	simm.s32 @!p1 $0x0;
	s11 =	sadd.s32 @!p1 s2, s11;
	s10 =	sand.u32 @!p1 $0x4000, s10  }
0x15: {  	[tilespmem:s10], [sflag:$0x1] =	stream.linear.gather @!p1 [hbm4b:s11+s12], $0x4000, $0x38;
	[tilespmem:$0x10000] =	vst v63  }
0x16: {  	p1 =	seq.s32 s7, $0x0  }
0x17: {  	p2 =	seq.s32 @!p1 s7, $0x21  }
0x18: {  	p1 =	por p1, p2  }
.Ltmp2:
0x19: {  	_ = 	snop;
	(pc) =	sbr.rel @p1 .LBB1_7-.Ltmp2, $1  }
0x1a: {  	_ =	sdelay $0x3  }
0x1b: {  	s10 =	simm.s32 $0x1;
	_ =	swait.ge [sflag:s4], $0x4000;
	s12 =	sshll.u32 s7, $0xE  }
0x1c: {  	s13 =	simm.s32 $0x0;
	s10 =	simm.s32 @!p0 $0x0;
	[sflag:s4] =	ssyncset.done $0x0  }
0x1d: {  	s12 =	sand.u32 $0x4000, s12;
	s11 =	sshll.u32 s10, $0xE;
	[sflag:s4] =	ssyncadd.s32 $0xFFFFC000  }
0x1e: {  	s12 =	sor.u32 $0x8000, s12;
	s10 =	sor.u32 $0x8040, s11;
	s11 =	sor.u32 $0x40, s11  }
.LBB1_3:
0x1f: {  	v0 =	vmov s11;
	_ =	sdelay $0x3  }
0x20: {  	s15 =	simm.s32 $0x0  }
0x21: {  	v6 =	vld.idx.msk [tilespmem:v0+s15+$0x30 ss:$0x1], $0xffff  }
0x22: {  	v7 =	vld.idx.msk [tilespmem:v0+s15+$0xFFFFFFC0 ss:$0x1], $0xffff  }
0x23: {  	v5 =	vld.idx.msk [tilespmem:v0+s15+$0xFFFFFFD0 ss:$0x1], $0xffff  }
0x24: {  	v4 =	vld.idx.msk [tilespmem:v0+s15+$0xFFFFFFE0 ss:$0x1], $0xffff  }
0x25: {  	v3 =	vld.idx.msk [tilespmem:v0+s15+$0xFFFFFFF0 ss:$0x1], $0xffff  }
0x26: {  	v1 =	vld.idx.msk [tilespmem:v0+s15+$0x0 ss:$0x1], $0xffff  }
0x27: {  	v2 =	vld.idx.msk [tilespmem:v0+s15+$0x10 ss:$0x1], $0xffff;
	[tilespmem:s10+$0x30] =	vst v6  }
0x28: {  	s14 =	simm.s32 $0x80;
	s16 =	simm.s32 $0x400;
	[tilespmem:s10+$0xFFFFFFC0] =	vst v7;
	v6 =	vld.idx.msk [tilespmem:v0+s15+$0x20 ss:$0x1], $0xffff;
	s15 =	smov.u32 s10  }
.LBB1_4:
0x29: {  	p1 =	sne.s32 s16, $0xE00;
	v7 =	vld.idx.msk [tilespmem:v0+s14+$0x30 ss:$0x1], $0xffff;
	[tilespmem:s15+$0xFFFFFFD0] =	vst v5  }
0x2a: {  	v8 =	vld.idx.msk [tilespmem:v0+s14+$0xFFFFFFC0 ss:$0x1], $0xffff;
	[tilespmem:s15+$0xFFFFFFE0] =	vst v4  }
0x2b: {  	v5 =	vld.idx.msk [tilespmem:v0+s14+$0xFFFFFFD0 ss:$0x1], $0xffff;
	[tilespmem:s15+$0xFFFFFFF0] =	vst v3  }
.Ltmp3:
0x2c: {  	v4 =	vld.idx.msk [tilespmem:v0+s14+$0xFFFFFFE0 ss:$0x1], $0xffff;
	[tilespmem:s15+$0x0] =	vst v1;
	(pc) =	sbr.rel @p1 .LBB1_4-.Ltmp3, $4  }
0x2d: {  	v3 =	vld.idx.msk [tilespmem:v0+s14+$0xFFFFFFF0 ss:$0x1], $0xffff;
	[tilespmem:s15+$0x10] =	vst v2  }
0x2e: {  	v1 =	vld.idx.msk [tilespmem:v0+s14+$0x0 ss:$0x1], $0xffff;
	[tilespmem:s15+$0x20] =	vst v6;
	s15 =	sadd.s32 $0x800, s15  }
0x2f: {  	v2 =	vld.idx.msk [tilespmem:v0+s14+$0x10 ss:$0x1], $0xffff;
	[tilespmem:s15+$0x30] =	vst v7  }
0x30: {  	[tilespmem:s15+$0xFFFFFFC0] =	vst v8;
	v6 =	vld.idx.msk [tilespmem:v0+s14+$0x20 ss:$0x1], $0xffff;
	s14 =	sshra.s32 s16, $0x2;
	s16 =	sadd.s32 $0x200, s16  }
0x31: {  	_ =	sdelay $0x2  }
0x32: {  	[tilespmem:s15+$0xFFFFFFD0] =	vst v5  }
0x33: {  	v56 =	vld.idx.msk [tilespmem:v0+s14+$0x30 ss:$0x1], $0xffff;
	[tilespmem:s15+$0xFFFFFFE0] =	vst v4  }
0x34: {  	v57 =	vld.idx.msk [tilespmem:v0+s14+$0xFFFFFFC0 ss:$0x1], $0xffff;
	[tilespmem:s15+$0xFFFFFFF0] =	vst v3  }
0x35: {  	v58 =	vld.idx.msk [tilespmem:v0+s14+$0xFFFFFFD0 ss:$0x1], $0xffff;
	[tilespmem:s15+$0x0] =	vst v1  }
0x36: {  	v59 =	vld.idx.msk [tilespmem:v0+s14+$0xFFFFFFE0 ss:$0x1], $0xffff;
	[tilespmem:s15+$0x10] =	vst v2  }
0x37: {  	v60 =	vld.idx.msk [tilespmem:v0+s14+$0xFFFFFFF0 ss:$0x1], $0xffff;
	s31 =	sadd.s32 $0x800, s15;
	[tilespmem:s15+$0x20] =	vst v6  }
0x38: {  	v61 =	vld.idx.msk [tilespmem:v0+s14+$0x0 ss:$0x1], $0xffff;
	[tilespmem:s31+$0x30] =	vst v56  }
0x39: {  	v62 =	vld.idx.msk [tilespmem:v0+s14+$0x10 ss:$0x1], $0xffff;
	s13 =	sadd.s32 $0x1, s13;
	[tilespmem:s31+$0xFFFFFFC0] =	vst v57  }
0x3a: {  	v63 =	vld.idx.msk [tilespmem:v0+s14+$0x20 ss:$0x1], $0xffff;
	p1 =	sne.s32 s13, $0x10;
	[tilespmem:s31+$0xFFFFFFD0] =	vst v58  }
.Ltmp4:
0x3b: {  	[tilespmem:s31+$0xFFFFFFE0] =	vst v59;
	(pc) =	sbr.rel @p1 .LBB1_3-.Ltmp4, $4  }
0x3c: {  	[tilespmem:s31+$0xFFFFFFF0] =	vst v60  }
0x3d: {  	[tilespmem:s31+$0x0] =	vst v61  }
0x3e: {  	[tilespmem:s31+$0x10] =	vst v62  }
0x3f: {  	s10 =	sadd.s32 $0x80, s10;
	s11 =	sadd.s32 $0x400, s11;
	[tilespmem:s31+$0x20] =	vst v63  }
.Ltmp5:
0x40: {  	(pc) =	sbr.rel .LBB1_7-.Ltmp5, $4  }
0x41: {  	_ = 	snop  }
0x42: {  	s9 =	sshll.u32 s9, $0xB  }
0x43: {  	s9 =	sadd.s32 s3, s9  }
0x44: {  	[hbm4b:s9+s6] =	stream.linear.scatter [tilespmem:s12], [sflag:$0x2], $0x4000, $0x38;
	[tilespmem:$0x10000] =	vst v63  }
.LBB1_8:
0x45: {  	_ =	sfence.sel $0x180000  }
0x46: {  	s2 =	simm.s32 $0x1;
	[bflag:$0x0] =	sbarrier.arrive $0xFFFF  }
0x47: {  	s31 =	simm.s32 $0x2;
	[sflag:s2] =	ssyncpa.u1 $0x1  }
0x48: {  	[sflag:s31] =	ssyncpa.u1 $0x1  }
0x49: {  	p0 =	sne.s32 s1, $0x0;
	_ =	strace $0x9000004A  }
0x4a: {  	s0 =	sadd.s32 @!p0 $0x100000, s0;
	[bflag:$0x2] =	sbarrier.arrive $0xFFFF  }
0x4b: {  	[sflag:s0] =	ssyncadd.tile.s32 @!p0 $0x1;
	_ =	shalt  }
.Lfunc_end1:
_tile_overlayer_lowered:
.L_overlay_start_2:
0x4c: {  	(tag) =	ssettag $0x2  }
0x4d: {  	s0 =	rddreg [dreg:$0x0];
	s2 =	stileid.u32  }
0x4e: {  	s1 =	rddreg [dreg:$0x1];
	p0 =	sne.s32 s2, $0x0  }
0x4f: {  	s3 =	rddreg [dreg:$0x2];
	[bflag:$0x3] =	sbarrier.arrive $0xFFFF;
	s2 =	simm.s32 @!p0 $0x1C01  }
0x50: {  	[timem:s3], [sflag:s2] =	dma.local @!p0 [hbm:s0], s1  }
0x51: {  	s0 =	simm.s32 @!p0 $0x1  }
0x52: {  	_ =	swait.ge @!p0 [sflag:s0], s1  }
0x53: {  	s1 =	ssub.s32 @!p0 $0x0, s1;
	[sflag:s0] =	ssyncset.done @!p0 $0x0  }
0x54: {  	[sflag:s0] =	ssyncadd.s32 @!p0 s1  }
0x55: {  	[bflag:$0x3] =	sbarrier.arrive $0xFFFF  }
0x56: {  	_ =	shalt  }

// kernel: sparse-core-data-format-call.cloned.1.call-start
scs
called_computation_lowered:
.L_overlay_start_0:
0x0: {  	s1 =	sld [smem:$0x3FD9]  }
0x1: {  	s2 =	sld [smem:$0x3FFE];
	_ =	sdelay $0x1  }
0x2: {  	s3 =	srdreg.scid  }
0x3: {  	s0 =	sand.u32 $0x1, s3  }
0x4: {  	s17 =	sshll.u32 s0, $0xA;
	s1 =	sadd.s32 s2, s1  }
0x5: {  	s1 =	sadd.s32 s1, s17  }
0x6: {  	[smem:$0x3FC4] =	sst s1  }
0x7: {  	_ = 	snop  }
0x8: {  	(tm) =	ssettm $0x1  }
0x9: {  	s18 =	sld [smem:$0x3FFB];
	_ =	sdelay $0x3  }
0xa: {  	_ =	strace s18  }
0xb: {  	s1 =	sld [smem:$0x3FFC];
	_ =	sdelay $0x3  }
0xc: {  	_ =	strace s1  }
0xd: {  	s1 =	sld [smem:$0x3FFD];
	_ =	sdelay $0x3  }
0xe: {  	_ =	strace s1  }
0xf: {  	_ =	strace $0x8FFFFFFF  }
0x10: {  	s19 =	sld [smem:$0x3FDB];
	_ =	sdelay $0x1  }
0x11: {  	s20 =	simm.s32 $_scs_section_size  }
0x12: {  	s4 =	simm.s32 $_size__tile_overlayer_lowered;
	s5 =	simm.s32 $_tile_overlayer_lowered  }
0x13: {  	s23 =	simm.s32 $0x1BFF;
	s22 =	sshll.u32 s5, $0x1;
	s1 =	sadd.s32 s20, s19  }
0x14: {  	s6 =	simm.s32 $0x0;
	s21 =	sshll.u32 s4, $0x1;
	s4 =	sadd.s32 s22, s1  }
0x15: {  	[timem:s6], [sflag:s23] =	dma.local [hbm:s4], s21  }
0x16: {  	_ =	swait.ge [sflag:s23], s21  }
0x17: {  	s2 =	ssub.s32 $0x0, s21;
	[sflag:s23] =	ssyncset.done $0x0  }
0x18: {  	[sflag:s23] =	ssyncadd.s32 s2;
	_ =	sdelay $0x1  }
0x19: {  	s24 =	simm.s32 $0x1B8B  }
0x1a: {  	_ =	swait.ge [sflag:s24], $0x1  }
0x1b: {  	[sflag:s24] =	ssyncset.done $0x0  }
0x1c: {  	s26 =	simm.s32 $0x1B8E;
	s25 =	sld [smem:$0x3FFE];
	[sflag:s24] =	ssyncadd.s32 $0xFFFFFFFF  }
0x1d: {  	s27 =	simm.s32 $execute0_lowered;
	[smem:$0x3FD2] =	sst s26  }
0x1e: {  	s4 =	sshll.u32 s27, $0x1;
	_ =	strace $0x80000046;
	[dreg:$0x1] =	wrdreg $0xFFFFFFFF  }
0x1f: {  	s28 =	simm.s32 $_size_execute0_lowered;
	s1 =	sadd.s32 s1, s4;
	[dreg:$0x0] =	wrdreg $0x0  }
0x20: {  	s4 =	sshll.u32 s28, $0x1;
	[dreg:$0x2] =	wrdreg s1  }
0x21: {  	[dreg:$0x3] =	wrdreg s4  }
0x22: {  	[dreg:$0x4] =	wrdreg $0xC0  }
0x23: {  	_ =	task [dreg:s6], $0x5FFFF  }
0x24: {  	[dreg:$0x1] =	wrdreg $0xFFFFFFFF  }
0x25: {  	[dreg:$0x0] =	wrdreg $0x60  }
0x26: {  	[dreg:$0x2] =	wrdreg s25  }
0x27: {  	[dreg:$0x3] =	wrdreg $0x9  }
0x28: {  	_ =	task.clear_ibuf [dreg:s6], $0x4FFFF;
	_ =	strace $0x90000046  }
0x29: {  	s29 =	simm.s32 $0x9;
	_ =	strace $0x80000048  }
0x2a: {  	_ =	swait.ge [sflag:s29], $0x1  }
0x2b: {  	[sflag:s29] =	ssyncadd.s32 $0xFFFFFFFF  }
0x2c: {  	_ =	strace $0x90000048  }
0x2d: {  	_ =	sfence  }
0x2e: {  	s30 =	sld [smem:$0x0];
	_ =	sdelay $0x2  }
0x2f: {  	s31 =	sshll.u32 s3, $0xD;
	s3 =	sshrl.u32 s3, $0x2  }
0x30: {  	s2 =	sand.u32 $0x4000, s31;
	s1 =	sadd.s32 s3, s30  }
0x31: {  	s0 =	sor.u32 s2, s0;
	s1 =	sshll.u32 s1, $0x11  }
0x32: {  	s0 =	sor.u32 s1, s0  }
0x33: {  	s0 =	sadd.s32 $0x8F2B, s0  }
0x34: {  	[sflag:s0] =	ssyncadd.remote.s32 $0x1  }
0x35: {  	_ =	sfence.sel $0xFFFF  }
0x36: {  	[dreg:$0x0] =	wrdreg $0xFFFFFFFF;
	(pc) =	sbr.abs _section_cstart, $3  }
0x37: {  	[dreg:$0x1] =	wrdreg $0xFFFFFFFF  }
0x38: {  	_ =	task.clear_ibuf [dreg:s6], $0x2FFFF;
	_ =	strace $0x9FFFFFFF  }
0x39: {  	(tm) =	ssettm $0x7FFFFFFF  }
tec
execute0_lowered:
.L_overlay_start_1:
0x0: {  	(tag) =	ssettag $0x1  }
0x1: {  	s1 =	rddreg [dreg:$0x0]  }
0x2: {  	s0 =	rddreg [dreg:$0x1]  }
0x3: {  	_ =	strace $0x80000047;
	s4 =	srdreg.scid;
	s6 =	simm.s32 $0x2  }
.Ltmp0:
0x4: {  	p0 =	por $0x0, $0x0;
	s9 =	simm.s32 $0x0;
	(pc) =	sbr.rel .LBB1_1-.Ltmp0, $4  }
0x5: {  	s2 =	sadd.s32 $0x2600, s1;
	s3 =	sadd.s32 $0x202600, s1;
	s5 =	sshll.u32 s4, $0x4  }
0x6: {  	s1 =	stileid.u32;
	s4 =	simm.s32 $0x1;
	s5 =	sand.u32 $0x10, s5  }
0x7: {  	s7 =	simm.s32 $0x0;
	[sflag:s4] =	ssyncpa.u1 $0x0;
	s5 =	sor.u32 s1, s5  }
0x8: {  	[sflag:s6] =	ssyncpa.u1 $0x0;
	s6 =	simm.s32 $0x0;
	s8 =	smov.u32 s5  }
.LBB1_7:
0x9: {  	s11 =	sadd.s32 $0x20, s8  }
0xa: {  	p1 =	slt.u32 s7, $0x2;
	s7 =	sadd.s32 $0x1, s7;
	p2 =	sgt.s32 s11, $0x3FF  }
0xb: {  	s11 =	smov.u32 @p2 s5;
	p2 =	sne.s32 s7, $0x22  }
.Ltmp1:
0xc: {  	_ = 	snop;
	(pc) =	sbr.rel @!p2 .LBB1_8-.Ltmp1, $4  }
0xd: {  	s10 =	simm.s32 @!p1 $0x2  }
0xe: {  	_ =	swait.ge @!p1 [sflag:s10], $0x4000  }
0xf: {  	s9 =	smov.u32 s8;
	[sflag:s10] =	ssyncset.done @!p1 $0x0  }
0x10: {  	p0 =	por !p0, !p0;
	s8 =	smov.u32 s11;
	[sflag:s10] =	ssyncadd.s32 @!p1 $0xFFFFC000  }
.LBB1_1:
0x11: {  	p1 =	sgt.u32 s7, $0x1F  }
0x12: {  	s10 =	sxor.u32 @!p1 $0xFFFFFFFF, s7  }
0x13: {  	s11 =	sshll.u32 @!p1 s8, $0xB;
	s10 =	sshll.u32 @!p1 s10, $0xE  }
0x14: {  	s12 =	simm.s32 @!p1 $0x0;
	s11 =	sadd.s32 @!p1 s2, s11;
	s10 =	sand.u32 @!p1 $0x4000, s10  }
0x15: {  	[tilespmem:s10], [sflag:$0x1] =	stream.linear.gather @!p1 [hbm4b:s11+s12], $0x4000, $0x38;
	[tilespmem:$0x10000] =	vst v63  }
0x16: {  	p1 =	seq.s32 s7, $0x0  }
0x17: {  	p2 =	seq.s32 @!p1 s7, $0x21  }
0x18: {  	p1 =	por p1, p2  }
.Ltmp2:
0x19: {  	_ = 	snop;
	(pc) =	sbr.rel @p1 .LBB1_7-.Ltmp2, $1  }
0x1a: {  	_ =	sdelay $0x3  }
0x1b: {  	s10 =	simm.s32 $0x1;
	_ =	swait.ge [sflag:s4], $0x4000;
	s12 =	sshll.u32 s7, $0xE  }
0x1c: {  	s13 =	simm.s32 $0x0;
	s10 =	simm.s32 @!p0 $0x0;
	[sflag:s4] =	ssyncset.done $0x0  }
0x1d: {  	s12 =	sand.u32 $0x4000, s12;
	s11 =	sshll.u32 s10, $0xE;
	[sflag:s4] =	ssyncadd.s32 $0xFFFFC000  }
0x1e: {  	s12 =	sor.u32 $0x8000, s12;
	s10 =	sor.u32 $0x8040, s11;
	s11 =	sor.u32 $0x40, s11  }
.LBB1_3:
0x1f: {  	v0 =	vmov s11;
	_ =	sdelay $0x3  }
0x20: {  	s15 =	simm.s32 $0x0  }
0x21: {  	v6 =	vld.idx.msk [tilespmem:v0+s15+$0x30 ss:$0x1], $0xffff  }
0x22: {  	v7 =	vld.idx.msk [tilespmem:v0+s15+$0xFFFFFFC0 ss:$0x1], $0xffff  }
0x23: {  	v5 =	vld.idx.msk [tilespmem:v0+s15+$0xFFFFFFD0 ss:$0x1], $0xffff  }
0x24: {  	v4 =	vld.idx.msk [tilespmem:v0+s15+$0xFFFFFFE0 ss:$0x1], $0xffff  }
0x25: {  	v3 =	vld.idx.msk [tilespmem:v0+s15+$0xFFFFFFF0 ss:$0x1], $0xffff  }
0x26: {  	v1 =	vld.idx.msk [tilespmem:v0+s15+$0x0 ss:$0x1], $0xffff  }
0x27: {  	v2 =	vld.idx.msk [tilespmem:v0+s15+$0x10 ss:$0x1], $0xffff;
	[tilespmem:s10+$0x30] =	vst v6  }
0x28: {  	s14 =	simm.s32 $0x80;
	s16 =	simm.s32 $0x400;
	[tilespmem:s10+$0xFFFFFFC0] =	vst v7;
	v6 =	vld.idx.msk [tilespmem:v0+s15+$0x20 ss:$0x1], $0xffff;
	s15 =	smov.u32 s10  }
.LBB1_4:
0x29: {  	p1 =	sne.s32 s16, $0xE00;
	v7 =	vld.idx.msk [tilespmem:v0+s14+$0x30 ss:$0x1], $0xffff;
	[tilespmem:s15+$0xFFFFFFD0] =	vst v5  }
0x2a: {  	v8 =	vld.idx.msk [tilespmem:v0+s14+$0xFFFFFFC0 ss:$0x1], $0xffff;
	[tilespmem:s15+$0xFFFFFFE0] =	vst v4  }
0x2b: {  	v5 =	vld.idx.msk [tilespmem:v0+s14+$0xFFFFFFD0 ss:$0x1], $0xffff;
	[tilespmem:s15+$0xFFFFFFF0] =	vst v3  }
.Ltmp3:
0x2c: {  	v4 =	vld.idx.msk [tilespmem:v0+s14+$0xFFFFFFE0 ss:$0x1], $0xffff;
	[tilespmem:s15+$0x0] =	vst v1;
	(pc) =	sbr.rel @p1 .LBB1_4-.Ltmp3, $4  }
0x2d: {  	v3 =	vld.idx.msk [tilespmem:v0+s14+$0xFFFFFFF0 ss:$0x1], $0xffff;
	[tilespmem:s15+$0x10] =	vst v2  }
0x2e: {  	v1 =	vld.idx.msk [tilespmem:v0+s14+$0x0 ss:$0x1], $0xffff;
	[tilespmem:s15+$0x20] =	vst v6;
	s15 =	sadd.s32 $0x800, s15  }
0x2f: {  	v2 =	vld.idx.msk [tilespmem:v0+s14+$0x10 ss:$0x1], $0xffff;
	[tilespmem:s15+$0x30] =	vst v7  }
0x30: {  	[tilespmem:s15+$0xFFFFFFC0] =	vst v8;
	v6 =	vld.idx.msk [tilespmem:v0+s14+$0x20 ss:$0x1], $0xffff;
	s14 =	sshra.s32 s16, $0x2;
	s16 =	sadd.s32 $0x200, s16  }
0x31: {  	_ =	sdelay $0x2  }
0x32: {  	[tilespmem:s15+$0xFFFFFFD0] =	vst v5  }
0x33: {  	v56 =	vld.idx.msk [tilespmem:v0+s14+$0x30 ss:$0x1], $0xffff;
	[tilespmem:s15+$0xFFFFFFE0] =	vst v4  }
0x34: {  	v57 =	vld.idx.msk [tilespmem:v0+s14+$0xFFFFFFC0 ss:$0x1], $0xffff;
	[tilespmem:s15+$0xFFFFFFF0] =	vst v3  }
0x35: {  	v58 =	vld.idx.msk [tilespmem:v0+s14+$0xFFFFFFD0 ss:$0x1], $0xffff;
	[tilespmem:s15+$0x0] =	vst v1  }
0x36: {  	v59 =	vld.idx.msk [tilespmem:v0+s14+$0xFFFFFFE0 ss:$0x1], $0xffff;
	[tilespmem:s15+$0x10] =	vst v2  }
0x37: {  	v60 =	vld.idx.msk [tilespmem:v0+s14+$0xFFFFFFF0 ss:$0x1], $0xffff;
	s31 =	sadd.s32 $0x800, s15;
	[tilespmem:s15+$0x20] =	vst v6  }
0x38: {  	v61 =	vld.idx.msk [tilespmem:v0+s14+$0x0 ss:$0x1], $0xffff;
	[tilespmem:s31+$0x30] =	vst v56  }
0x39: {  	v62 =	vld.idx.msk [tilespmem:v0+s14+$0x10 ss:$0x1], $0xffff;
	s13 =	sadd.s32 $0x1, s13;
	[tilespmem:s31+$0xFFFFFFC0] =	vst v57  }
0x3a: {  	v63 =	vld.idx.msk [tilespmem:v0+s14+$0x20 ss:$0x1], $0xffff;
	p1 =	sne.s32 s13, $0x10;
	[tilespmem:s31+$0xFFFFFFD0] =	vst v58  }
.Ltmp4:
0x3b: {  	[tilespmem:s31+$0xFFFFFFE0] =	vst v59;
	(pc) =	sbr.rel @p1 .LBB1_3-.Ltmp4, $4  }
0x3c: {  	[tilespmem:s31+$0xFFFFFFF0] =	vst v60  }
0x3d: {  	[tilespmem:s31+$0x0] =	vst v61  }
0x3e: {  	[tilespmem:s31+$0x10] =	vst v62  }
0x3f: {  	s10 =	sadd.s32 $0x80, s10;
	s11 =	sadd.s32 $0x400, s11;
	[tilespmem:s31+$0x20] =	vst v63  }
.Ltmp5:
0x40: {  	(pc) =	sbr.rel .LBB1_7-.Ltmp5, $4  }
0x41: {  	_ = 	snop  }
0x42: {  	s9 =	sshll.u32 s9, $0xB  }
0x43: {  	s9 =	sadd.s32 s3, s9  }
0x44: {  	[hbm4b:s9+s6] =	stream.linear.scatter [tilespmem:s12], [sflag:$0x2], $0x4000, $0x38;
	[tilespmem:$0x10000] =	vst v63  }
.LBB1_8:
0x45: {  	_ =	sfence.sel $0x180000  }
0x46: {  	s2 =	simm.s32 $0x1;
	[bflag:$0x0] =	sbarrier.arrive $0xFFFF  }
0x47: {  	s31 =	simm.s32 $0x2;
	[sflag:s2] =	ssyncpa.u1 $0x1  }
0x48: {  	[sflag:s31] =	ssyncpa.u1 $0x1  }
0x49: {  	p0 =	sne.s32 s1, $0x0;
	_ =	strace $0x90000047  }
0x4a: {  	s0 =	sadd.s32 @!p0 $0x100000, s0;
	[bflag:$0x2] =	sbarrier.arrive $0xFFFF  }
0x4b: {  	[sflag:s0] =	ssyncadd.tile.s32 @!p0 $0x1;
	_ =	shalt  }
.Lfunc_end1:
_tile_overlayer_lowered:
.L_overlay_start_2:
0x4c: {  	(tag) =	ssettag $0x2  }
0x4d: {  	s0 =	rddreg [dreg:$0x0];
	s2 =	stileid.u32  }
0x4e: {  	s1 =	rddreg [dreg:$0x1];
	p0 =	sne.s32 s2, $0x0  }
0x4f: {  	s3 =	rddreg [dreg:$0x2];
	[bflag:$0x3] =	sbarrier.arrive $0xFFFF;
	s2 =	simm.s32 @!p0 $0x1C01  }
0x50: {  	[timem:s3], [sflag:s2] =	dma.local @!p0 [hbm:s0], s1  }
0x51: {  	s0 =	simm.s32 @!p0 $0x1  }
0x52: {  	_ =	swait.ge @!p0 [sflag:s0], s1  }
0x53: {  	s1 =	ssub.s32 @!p0 $0x0, s1;
	[sflag:s0] =	ssyncset.done @!p0 $0x0  }
0x54: {  	[sflag:s0] =	ssyncadd.s32 @!p0 s1  }
0x55: {  	[bflag:$0x3] =	sbarrier.arrive $0xFFFF  }
0x56: {  	_ =	shalt  }

</sc_bundles>
